<compile_context>
chip_gen: v7x
topology: tpu7x:2x2x1
jax: 0.10.2.dev20260603
libtpu: 0.0.44.dev20260713+nightly
codegen_flags: <defaults>
</compile_context>

<pallas_src>
import functools

import jax
import jax.numpy as jnp
from jax import lax
from jax.experimental import pallas as pl
from jax.experimental.pallas import tpu as pltpu
from jax.experimental.pallas import tpu_sc as plsc

T = 2048
D = 1024
F = 512
E = 8
RSF = 2.5
EPS = 1e-6

TBLK = 128
BLK = 128
NP = 2 * T
P = NP + E * BLK
PT = P + T
NT = P // BLK
NT2 = PT // BLK
CH = 256
NW = 32
TPW = T // NW
NSTEP = T // TBLK


def _pre_body(x_ref, rw_ref, bias_ref, ln_ref,
              hb_ref, pos1_ref, pos2_ref, w1_ref, w2_ref, te_ref, lg_s):
    i = pl.program_id(0)
    x = x_ref[...]
    var = jnp.mean(x * x, axis=-1, keepdims=True)
    h = x * lax.rsqrt(var + EPS) * ln_ref[...]
    hb_ref[...] = h
    lg_s[pl.ds(i * TBLK, TBLK), :] = jnp.dot(
        h, rw_ref[...], preferred_element_type=jnp.float32)

    @pl.when(i == NSTEP - 1)
    def _route():
        logits = lg_s[...]
        scores = jax.nn.sigmoid(logits)
        sfc = scores + bias_ref[...]

        eidx = lax.broadcasted_iota(jnp.int32, (T, E), 1)
        neg = jnp.float32(-jnp.inf)
        m1 = jnp.max(sfc, axis=1, keepdims=True)
        i1 = jnp.min(jnp.where(sfc == m1, eidx, E), axis=1, keepdims=True)
        sfc2 = jnp.where(eidx == i1, neg, sfc)
        m2 = jnp.max(sfc2, axis=1, keepdims=True)
        i2 = jnp.min(jnp.where(sfc2 == m2, eidx, E), axis=1, keepdims=True)

        w1 = jnp.sum(jnp.where(eidx == i1, scores, 0.0), axis=1, keepdims=True)
        w2 = jnp.sum(jnp.where(eidx == i2, scores, 0.0), axis=1, keepdims=True)
        denom = w1 + w2 + 1e-20
        w1_ref[...] = w1 / denom * RSF
        w2_ref[...] = w2 / denom * RSF

        onehot = (jnp.where(eidx == i1, 1.0, 0.0)
                  + jnp.where(eidx == i2, 1.0, 0.0))

        rank1, rank2 = [], []
        colg = lax.broadcasted_iota(jnp.int32, (CH, T), 1)
        rowg = lax.broadcasted_iota(jnp.int32, (CH, T), 0)
        for c in range(T // CH):
            mask = jnp.where(colg < rowg + (c * CH), 1.0, 0.0)
            cx = jnp.dot(mask, onehot, preferred_element_type=jnp.float32)
            sl = slice(c * CH, (c + 1) * CH)
            rank1.append(jnp.sum(jnp.where(eidx[sl] == i1[sl], cx, 0.0),
                                 axis=1, keepdims=True))
            rank2.append(jnp.sum(jnp.where(eidx[sl] == i2[sl], cx, 0.0),
                                 axis=1, keepdims=True))
        rank1 = jnp.concatenate(rank1, axis=0)
        rank2 = jnp.concatenate(rank2, axis=0)

        ones_row = jnp.ones((1, T), jnp.float32)
        counts_row = jnp.dot(ones_row, onehot, preferred_element_type=jnp.float32)
        padded_row = jnp.floor((counts_row + (BLK - 1)) / BLK) * BLK
        er = lax.broadcasted_iota(jnp.int32, (E, E), 0)
        ec = lax.broadcasted_iota(jnp.int32, (E, E), 1)
        strict = jnp.where(er < ec, 1.0, 0.0)
        start_row = jnp.dot(padded_row, strict, preferred_element_type=jnp.float32)

        s1 = jnp.sum(jnp.where(eidx == i1, start_row, 0.0), axis=1, keepdims=True)
        s2 = jnp.sum(jnp.where(eidx == i2, start_row, 0.0), axis=1, keepdims=True)
        pos1_ref[...] = (s1 + rank1).astype(jnp.int32)
        pos2_ref[...] = (s2 + rank2).astype(jnp.int32)

        ones_col = jnp.ones((T, 1), jnp.float32)
        counts_col = lax.dot_general(onehot, ones_col, (((0,), (0,)), ((), ())))
        padded_col = jnp.floor((counts_col + (BLK - 1)) / BLK) * BLK
        strict_lo = jnp.where(ec < er, 1.0, 0.0)
        start_col = jnp.dot(strict_lo, padded_col, preferred_element_type=jnp.float32)
        jrow = lax.broadcasted_iota(jnp.int32, (E, 64), 1) * BLK
        eid = lax.broadcasted_iota(jnp.int32, (E, 64), 0).astype(jnp.float32)
        start_i = start_col.astype(jnp.int32)
        padded_i = padded_col.astype(jnp.int32)
        hit = jnp.where((start_i <= jrow) & (jrow < start_i + padded_i),
                        eid, 0.0)
        te = jnp.sum(hit, axis=0, keepdims=True).astype(jnp.int32)
        jcol = lax.broadcasted_iota(jnp.int32, (1, 64), 1)
        te = jnp.where((jcol >= NT) & (jcol < NT2), E, te)
        te_ref[...] = jnp.broadcast_to(te, (8, 64))


def _gemm_body(te_ref, x_ref, wg_ref, wu_ref, wd_ref, ws_ref, y_ref):
    del te_ref
    x = x_ref[...]
    a1 = jnp.dot(x, wg_ref[0], preferred_element_type=jnp.float32)
    a2 = jnp.dot(x, wu_ref[0], preferred_element_type=jnp.float32)
    inter = jax.nn.silu(a1) * a2
    y = jnp.dot(inter, wd_ref[0], preferred_element_type=jnp.float32)
    y_ref[...] = y * ws_ref[...]


def _shared_body(h_ref, swg_ref, swu_ref, swd_ref, sh_ref):
    h = h_ref[...]
    a1 = jnp.dot(h, swg_ref[...], preferred_element_type=jnp.float32)
    a2 = jnp.dot(h, swu_ref[...], preferred_element_type=jnp.float32)
    inter = jax.nn.silu(a1) * a2
    sh_ref[...] = jnp.dot(inter, swd_ref[...], preferred_element_type=jnp.float32)


@functools.cache
def _sc_mesh():
    return plsc.VectorSubcoreMesh(core_axis_name="c", subcore_axis_name="s")


def _scatter_rows(h_hbm, p1_hbm, p2_hbm, w1_hbm, w2_hbm,
                  xs_hbm, ws_hbm, rows_v, i1_v, i2_v, wa_v, wb_v, sem):
    wid = lax.axis_index("s") * 2 + lax.axis_index("c")
    base = wid * TPW
    pltpu.sync_copy(p1_hbm.at[pl.ds(base, TPW)], i1_v)
    pltpu.sync_copy(p2_hbm.at[pl.ds(base, TPW)], i2_v)
    pltpu.sync_copy(w1_hbm.at[pl.ds(base, TPW)], wa_v)
    pltpu.sync_copy(w2_hbm.at[pl.ds(base, TPW)], wb_v)
    pltpu.sync_copy(h_hbm.at[pl.ds(base, TPW)], rows_v)
    c1 = pltpu.async_copy(rows_v, xs_hbm.at[i1_v], sem)
    c2 = pltpu.async_copy(rows_v, xs_hbm.at[i2_v], sem)
    c3 = pltpu.async_copy(wa_v, ws_hbm.at[i1_v], sem)
    c4 = pltpu.async_copy(wb_v, ws_hbm.at[i2_v], sem)
    c1.wait()
    c2.wait()
    c3.wait()
    c4.wait()


def _gather_combine(ys_hbm, p1_hbm, p2_hbm, sh_hbm, out_hbm,
                    a_v, b_v, s_v, i1_v, i2_v, sem):
    wid = lax.axis_index("s") * 2 + lax.axis_index("c")
    base = wid * TPW
    HF = TPW // 2
    pltpu.sync_copy(p1_hbm.at[pl.ds(base, TPW)], i1_v)
    pltpu.sync_copy(p2_hbm.at[pl.ds(base, TPW)], i2_v)
    for c in range(2):
        ca = pltpu.async_copy(ys_hbm.at[i1_v.at[pl.ds(c * HF, HF)]], a_v, sem)
        cb = pltpu.async_copy(ys_hbm.at[i2_v.at[pl.ds(c * HF, HF)]], b_v, sem)
        pltpu.sync_copy(sh_hbm.at[pl.ds(base + c * HF, HF)], s_v)
        ca.wait()
        cb.wait()

        def _row(r, carry):
            def _col(j, carry2):
                s_v[r, pl.ds(j * 16, 16)] += (a_v[r, pl.ds(j * 16, 16)]
                                              + b_v[r, pl.ds(j * 16, 16)])
                return carry2
            lax.fori_loop(0, D // 16, _col, 0, unroll=8)
            return carry

        lax.fori_loop(0, HF, _row, 0)
        pltpu.sync_copy(s_v, out_hbm.at[pl.ds(base + c * HF, HF)])


@jax.jit
def kernel(hidden_states, router_w, expert_bias, w_gate, w_up, w_down,
           sw_gate, sw_up, sw_down, ln_w):
    f32 = jnp.float32
    bf = jnp.bfloat16
    full = lambda *s: pl.BlockSpec(s, lambda i: (0,) * len(s))

    hb, pos1, pos2, w1c, w2c, te = pl.pallas_call(
        _pre_body,
        grid=(NSTEP,),
        in_specs=[
            pl.BlockSpec((TBLK, D), lambda i: (i, 0)),
            full(D, E), full(1, E), full(1, D),
        ],
        out_specs=[
            pl.BlockSpec((TBLK, D), lambda i: (i, 0)),
            full(T, 1), full(T, 1), full(T, 1), full(T, 1), full(8, 64),
        ],
        out_shape=[
            jax.ShapeDtypeStruct((T, D), f32),
            jax.ShapeDtypeStruct((T, 1), jnp.int32),
            jax.ShapeDtypeStruct((T, 1), jnp.int32),
            jax.ShapeDtypeStruct((T, 1), f32),
            jax.ShapeDtypeStruct((T, 1), f32),
            jax.ShapeDtypeStruct((8, 64), jnp.int32),
        ],
        scratch_shapes=[pltpu.VMEM((T, E), f32)],
    )(hidden_states, router_w, expert_bias.reshape(1, E), ln_w.reshape(1, D))

    pos1f = pos1.reshape(T)
    pos2f = pos2.reshape(T)
    te_flat = te[0, :NT]

    scatter = functools.partial(
        pl.kernel, mesh=_sc_mesh(),
        out_type=[
            jax.ShapeDtypeStruct((P, D), f32),
            jax.ShapeDtypeStruct((P,), f32),
        ],
        scratch_types=[
            pltpu.VMEM((TPW, D), f32),
            pltpu.VMEM((TPW,), jnp.int32),
            pltpu.VMEM((TPW,), jnp.int32),
            pltpu.VMEM((TPW,), f32),
            pltpu.VMEM((TPW,), f32),
            pltpu.SemaphoreType.DMA,
        ],
    )(_scatter_rows)
    x_ext, wsort = scatter(hb, pos1f, pos2f, w1c.reshape(T), w2c.reshape(T))

    y_sorted = pl.pallas_call(
        _gemm_body,
        grid_spec=pltpu.PrefetchScalarGridSpec(
            num_scalar_prefetch=1,
            grid=(NT,),
            in_specs=[
                pl.BlockSpec((BLK, D), lambda i, te: (i, 0)),
                pl.BlockSpec((1, D, F), lambda i, te: (te[i], 0, 0)),
                pl.BlockSpec((1, D, F), lambda i, te: (te[i], 0, 0)),
                pl.BlockSpec((1, F, D), lambda i, te: (te[i], 0, 0)),
                pl.BlockSpec((BLK, 1), lambda i, te: (i, 0)),
            ],
            out_specs=pl.BlockSpec((BLK, D), lambda i, te: (i, 0)),
        ),
        out_shape=jax.ShapeDtypeStruct((P, D), f32),
    )(te_flat, x_ext, w_gate, w_up, w_down, wsort.reshape(P, 1))

    shared = pl.pallas_call(
        _shared_body,
        grid=(NSTEP,),
        in_specs=[
            pl.BlockSpec((TBLK, D), lambda i: (i, 0)),
            full(D, F), full(D, F), full(F, D),
        ],
        out_specs=pl.BlockSpec((TBLK, D), lambda i: (i, 0)),
        out_shape=jax.ShapeDtypeStruct((T, D), f32),
    )(hb, sw_gate, sw_up, sw_down)

    gather = functools.partial(
        pl.kernel, mesh=_sc_mesh(),
        out_type=jax.ShapeDtypeStruct((T, D), f32),
        scratch_types=[
            pltpu.VMEM((TPW // 2, D), f32),
            pltpu.VMEM((TPW // 2, D), f32),
            pltpu.VMEM((TPW // 2, D), f32),
            pltpu.VMEM((TPW,), jnp.int32),
            pltpu.VMEM((TPW,), jnp.int32),
            pltpu.SemaphoreType.DMA,
        ],
    )(_gather_combine)
    return gather(y_sorted, pos1f, pos2f, shared)

# --- scband reference (transcript-rebuilt; emitter-appended) ---
"""Pipeline reference for scband-bailing-moe-v2-5-for-causal-lm-62620623175748 (READ-ONLY COPY).

The authoritative reference and input builder live on the scoring server;
editing this copy changes nothing except your own understanding.
"""

import jax, jax.numpy as jnp
import numpy as np

T = 2048   # tokens = batch(1) * seq_len(2048)
D = 1024   # hidden_size
F = 512    # moe_intermediate_size
E = 8      # num_experts
K = 2      # num_experts_per_tok
RSF = 2.5  # routed_scaling_factor
EPS = 1e-6 # rms_norm_eps


def rmsnorm(x, w, eps=EPS):
    var = jnp.mean(x * x, axis=-1, keepdims=True)
    return x * jax.lax.rsqrt(var + eps) * w


def setup_inputs(seed: int = 0) -> dict:
    key = jax.random.key(seed)
    ks = jax.random.split(key, 10)
    def s(k, shape, scale=0.02):
        return jax.random.normal(k, shape, dtype=jnp.float32) * scale
    return {
        "hidden_states": jax.random.normal(ks[0], (T, D), dtype=jnp.float32),
        "router_w": s(ks[1], (D, E)),          # GateLogit weight
        "expert_bias": jnp.zeros((E,), jnp.float32),  # moe_router expert bias (correction bias)
        "w_gate": s(ks[2], (E, D, F)),         # EPMoE gate_proj per expert
        "w_up": s(ks[3], (E, D, F)),           # EPMoE up_proj per expert
        "w_down": s(ks[4], (E, F, D)),         # EPMoE down_proj per expert
        "sw_gate": s(ks[5], (D, F)),           # shared expert gate_proj
        "sw_up": s(ks[6], (D, F)),             # shared expert up_proj
        "sw_down": s(ks[7], (F, D)),           # shared expert down_proj
        "ln_w": jnp.ones((D,), jnp.float32),   # post_attention_layernorm weight
    }


def reference(hidden_states, router_w, expert_bias, w_gate, w_up, w_down,
              sw_gate, sw_up, sw_down, ln_w):
    # post_attention_layernorm (RMSNorm) before MoE block
    h = rmsnorm(hidden_states, ln_w)

    # shared experts (BailingMoEMLP: silu(gate)*up -> down)
    shared_out = (jax.nn.silu(h @ sw_gate) * (h @ sw_up)) @ sw_down

    # GateLogit: router logits in fp32, sigmoid score function
    logits = h.astype(jnp.float32) @ router_w
    scores = jax.nn.sigmoid(logits)

    # TopK with correction bias: selection uses scores + bias,
    # but combine weights use the original scores (DeepSeek/Bailing style)
    scores_for_choice = scores + expert_bias[None, :]
    _, topk_ids = jax.lax.top_k(scores_for_choice, K)
    topk_weights = jnp.take_along_axis(scores, topk_ids, axis=1)
    # norm_topk_prob=True -> renormalize, then apply routed_scaling_factor
    topk_weights = topk_weights / (jnp.sum(topk_weights, axis=-1, keepdims=True) + 1e-20)
    topk_weights = topk_weights * RSF

    # dense combine matrix [T, E] via scatter-add (SparseCore-style dispatch)
    t_idx = jnp.arange(h.shape[0])[:, None]
    combine = jnp.zeros((h.shape[0], E), jnp.float32).at[t_idx, topk_ids].add(topk_weights)

    # EPMoE expert computation (silu(gate)*up -> down per expert)
    a1 = jnp.einsum('td,edf->etf', h, w_gate)
    a2 = jnp.einsum('td,edf->etf', h, w_up)
    inter = jax.nn.silu(a1) * a2
    per_expert_out = jnp.einsum('etf,efd->etd', inter, w_down)
    routed_out = jnp.einsum('etd,te->td', per_expert_out, combine)

    return routed_out + shared_out


if False:  # reference __main__ guard neutralized (emitter)
    out = reference(**setup_inputs())
    print(out.shape, out.dtype)

if __name__ == "__main__":
    import jax
    _d = setup_inputs()
    print(jax.jit(kernel)(*tuple(_d.values())))

</pallas_src>

<mosaic_0001>
#map = affine_map<(d0, d1) -> (0, 0)>
#map1 = affine_map<(d0, d1) -> (0)>
module attributes {stable_mosaic.version = 14 : i64} {
  func.func @_gather_combine(%arg0: i32, %arg1: i32, %arg2: memref<5120x1024xf32, #tpu.memory_space<hbm>>, %arg3: memref<2048xi32, #tpu.memory_space<hbm>>, %arg4: memref<2048xi32, #tpu.memory_space<hbm>>, %arg5: memref<2048x1024xf32, #tpu.memory_space<hbm>>, %arg6: memref<2048x1024xf32, #tpu.memory_space<hbm>>, %arg7: memref<32x1024xf32, #tpu.memory_space<vmem>>, %arg8: memref<32x1024xf32, #tpu.memory_space<vmem>>, %arg9: memref<32x1024xf32, #tpu.memory_space<vmem>>, %arg10: memref<64xi32, #tpu.memory_space<vmem>>, %arg11: memref<64xi32, #tpu.memory_space<vmem>>, %arg12: memref<!tpu.dma_semaphore, #tpu.memory_space<semaphore_mem>>) attributes {dimension_semantics = [#tpu.dimension_semantics<core_parallel>, #tpu.dimension_semantics<subcore_parallel>], iteration_bounds = array<i64: 2, 16>, scalar_prefetch = 0 : i64, scratch_operands = 6 : i64, tpu.core_type = #tpu.core_type<sc_vector_subcore>, window_params = [{transform_indices = #map}, {transform_indices = #map1}, {transform_indices = #map1}, {transform_indices = #map}, {transform_indices = #map}]} {
    %mul3A = arith.constant 2 : i32
    %mul3A_0 = arith.muli %arg1, %mul3A : i32
    %add3A = arith.addi %mul3A_0, %arg0 : i32
    %mul3A_1 = arith.constant 64 : i32
    %mul3A_2 = arith.muli %add3A, %mul3A_1 : i32
    "tpu.region"() ({
      %run_scoped3A = tpu.sem_alloc : memref<!tpu.dma_semaphore, #tpu.memory_space<semaphore_mem>>
      %dma_start3A_60 = tpu.memref_slice %arg3[%mul3A_2] : memref<2048xi32, #tpu.memory_space<hbm>> -> memref<64xi32, #tpu.memory_space<hbm>>
      %dma_start3A_61 = tpu.memref_slice %arg3[%mul3A_2] : memref<2048xi32, #tpu.memory_space<hbm>> -> memref<64xi32, #tpu.memory_space<hbm>>
      tpu.enqueue_dma source(%dma_start3A_61 : memref<64xi32, #tpu.memory_space<hbm>>) target(%arg10 : memref<64xi32, #tpu.memory_space<vmem>>) target_semaphore(%run_scoped3A : memref<!tpu.dma_semaphore, #tpu.memory_space<semaphore_mem>>)
      %dma_wait3A_62 = tpu.memref_slice %arg3[%mul3A_2] : memref<2048xi32, #tpu.memory_space<hbm>> -> memref<64xi32, #tpu.memory_space<hbm>>
      %dma_wait3A_63 = tpu.memref_slice %arg3[%mul3A_2] : memref<2048xi32, #tpu.memory_space<hbm>> -> memref<64xi32, #tpu.memory_space<hbm>>
      tpu.wait_dma2 semaphore(%run_scoped3A : memref<!tpu.dma_semaphore, #tpu.memory_space<semaphore_mem>>) src(%dma_wait3A_63 : memref<64xi32, #tpu.memory_space<hbm>>) dst(%arg10 : memref<64xi32, #tpu.memory_space<vmem>>)
      tpu.yield
    }) : () -> ()
    "tpu.region"() ({
      %run_scoped3A = tpu.sem_alloc : memref<!tpu.dma_semaphore, #tpu.memory_space<semaphore_mem>>
      %dma_start3A_60 = tpu.memref_slice %arg4[%mul3A_2] : memref<2048xi32, #tpu.memory_space<hbm>> -> memref<64xi32, #tpu.memory_space<hbm>>
      %dma_start3A_61 = tpu.memref_slice %arg4[%mul3A_2] : memref<2048xi32, #tpu.memory_space<hbm>> -> memref<64xi32, #tpu.memory_space<hbm>>
      tpu.enqueue_dma source(%dma_start3A_61 : memref<64xi32, #tpu.memory_space<hbm>>) target(%arg11 : memref<64xi32, #tpu.memory_space<vmem>>) target_semaphore(%run_scoped3A : memref<!tpu.dma_semaphore, #tpu.memory_space<semaphore_mem>>)
      %dma_wait3A_62 = tpu.memref_slice %arg4[%mul3A_2] : memref<2048xi32, #tpu.memory_space<hbm>> -> memref<64xi32, #tpu.memory_space<hbm>>
      %dma_wait3A_63 = tpu.memref_slice %arg4[%mul3A_2] : memref<2048xi32, #tpu.memory_space<hbm>> -> memref<64xi32, #tpu.memory_space<hbm>>
      tpu.wait_dma2 semaphore(%run_scoped3A : memref<!tpu.dma_semaphore, #tpu.memory_space<semaphore_mem>>) src(%dma_wait3A_63 : memref<64xi32, #tpu.memory_space<hbm>>) dst(%arg11 : memref<64xi32, #tpu.memory_space<vmem>>)
      tpu.yield
    }) : () -> ()
    %dma_start3A = arith.constant 0 : i32
    %dma_start3A_3 = tpu.memref_slice %arg10[%dma_start3A] : memref<64xi32, #tpu.memory_space<vmem>> -> memref<32xi32, #tpu.memory_space<vmem>>
    %dma_start3A_4 = arith.constant 0 : i32
    %dma_start3A_5 = arith.constant 0 : i32
    %dma_start3A_6 = tpu.memref_slice %arg2[%dma_start3A_4, %dma_start3A_5] : memref<5120x1024xf32, #tpu.memory_space<hbm>> -> memref<5120x1024xf32, #tpu.memory_space<hbm>>
    tpu.enqueue_indirect_dma source(%dma_start3A_6 : memref<5120x1024xf32, #tpu.memory_space<hbm>>) target(%arg7 : memref<32x1024xf32, #tpu.memory_space<vmem>>) offsets(%dma_start3A_3 : memref<32xi32, #tpu.memory_space<vmem>>) semaphore(%arg12 : memref<!tpu.dma_semaphore, #tpu.memory_space<semaphore_mem>>)
    %dma_start3A_7 = arith.constant 0 : i32
    %dma_start3A_8 = tpu.memref_slice %arg11[%dma_start3A_7] : memref<64xi32, #tpu.memory_space<vmem>> -> memref<32xi32, #tpu.memory_space<vmem>>
    %dma_start3A_9 = arith.constant 0 : i32
    %dma_start3A_10 = arith.constant 0 : i32
    %dma_start3A_11 = tpu.memref_slice %arg2[%dma_start3A_9, %dma_start3A_10] : memref<5120x1024xf32, #tpu.memory_space<hbm>> -> memref<5120x1024xf32, #tpu.memory_space<hbm>>
    tpu.enqueue_indirect_dma source(%dma_start3A_11 : memref<5120x1024xf32, #tpu.memory_space<hbm>>) target(%arg8 : memref<32x1024xf32, #tpu.memory_space<vmem>>) offsets(%dma_start3A_8 : memref<32xi32, #tpu.memory_space<vmem>>) semaphore(%arg12 : memref<!tpu.dma_semaphore, #tpu.memory_space<semaphore_mem>>)
    %add3A_12 = arith.constant 0 : i32
    %add3A_13 = arith.addi %mul3A_2, %add3A_12 : i32
    "tpu.region"() ({
      %run_scoped3A = tpu.sem_alloc : memref<!tpu.dma_semaphore, #tpu.memory_space<semaphore_mem>>
      %dma_start3A_60 = arith.constant 0 : i32
      %dma_start3A_61 = tpu.memref_slice %arg5[%add3A_13, %dma_start3A_60] : memref<2048x1024xf32, #tpu.memory_space<hbm>> -> memref<32x1024xf32, #tpu.memory_space<hbm>>
      %dma_start3A_62 = arith.constant 0 : i32
      %dma_start3A_63 = tpu.memref_slice %arg5[%add3A_13, %dma_start3A_62] : memref<2048x1024xf32, #tpu.memory_space<hbm>> -> memref<32x1024xf32, #tpu.memory_space<hbm>>
      tpu.enqueue_dma source(%dma_start3A_63 : memref<32x1024xf32, #tpu.memory_space<hbm>>) target(%arg9 : memref<32x1024xf32, #tpu.memory_space<vmem>>) target_semaphore(%run_scoped3A : memref<!tpu.dma_semaphore, #tpu.memory_space<semaphore_mem>>)
      %dma_wait3A_64 = arith.constant 0 : i32
      %dma_wait3A_65 = tpu.memref_slice %arg5[%add3A_13, %dma_wait3A_64] : memref<2048x1024xf32, #tpu.memory_space<hbm>> -> memref<32x1024xf32, #tpu.memory_space<hbm>>
      %dma_wait3A_66 = arith.constant 0 : i32
      %dma_wait3A_67 = tpu.memref_slice %arg5[%add3A_13, %dma_wait3A_66] : memref<2048x1024xf32, #tpu.memory_space<hbm>> -> memref<32x1024xf32, #tpu.memory_space<hbm>>
      tpu.wait_dma2 semaphore(%run_scoped3A : memref<!tpu.dma_semaphore, #tpu.memory_space<semaphore_mem>>) src(%dma_wait3A_67 : memref<32x1024xf32, #tpu.memory_space<hbm>>) dst(%arg9 : memref<32x1024xf32, #tpu.memory_space<vmem>>)
      tpu.yield
    }) : () -> ()
    %dma_wait3A = arith.constant 0 : i32
    %dma_wait3A_14 = tpu.memref_slice %arg10[%dma_wait3A] : memref<64xi32, #tpu.memory_space<vmem>> -> memref<32xi32, #tpu.memory_space<vmem>>
    %dma_wait3A_15 = arith.constant 0 : i32
    %dma_wait3A_16 = arith.constant 0 : i32
    %dma_wait3A_17 = tpu.memref_slice %arg2[%dma_wait3A_15, %dma_wait3A_16] : memref<5120x1024xf32, #tpu.memory_space<hbm>> -> memref<5120x1024xf32, #tpu.memory_space<hbm>>
    tpu.wait_indirect_dma semaphore(%arg12 : memref<!tpu.dma_semaphore, #tpu.memory_space<semaphore_mem>>) src(%dma_wait3A_17 : memref<5120x1024xf32, #tpu.memory_space<hbm>>) dst(%arg7 : memref<32x1024xf32, #tpu.memory_space<vmem>>)
    %dma_wait3A_18 = arith.constant 0 : i32
    %dma_wait3A_19 = tpu.memref_slice %arg11[%dma_wait3A_18] : memref<64xi32, #tpu.memory_space<vmem>> -> memref<32xi32, #tpu.memory_space<vmem>>
    %dma_wait3A_20 = arith.constant 0 : i32
    %dma_wait3A_21 = arith.constant 0 : i32
    %dma_wait3A_22 = tpu.memref_slice %arg2[%dma_wait3A_20, %dma_wait3A_21] : memref<5120x1024xf32, #tpu.memory_space<hbm>> -> memref<5120x1024xf32, #tpu.memory_space<hbm>>
    tpu.wait_indirect_dma semaphore(%arg12 : memref<!tpu.dma_semaphore, #tpu.memory_space<semaphore_mem>>) src(%dma_wait3A_22 : memref<5120x1024xf32, #tpu.memory_space<hbm>>) dst(%arg8 : memref<32x1024xf32, #tpu.memory_space<vmem>>)
    %scan3A = arith.constant 0 : i32
    %scan3A_23 = arith.constant 0 : i32
    %scan3A_24 = arith.constant 32 : i32
    %scan3A_25 = arith.addi %scan3A_23, %scan3A_24 : i32
    %scan3A_26 = arith.constant 1 : i32
    scf.for %scan3A_60 = %scan3A_23 to %scan3A_25 step %scan3A_26  : i32 {
      %scan3A_61 = arith.constant 0 : i32
      %scan3A_62 = arith.constant 0 : i32
      %scan3A_63 = arith.constant 64 : i32
      %scan3A_64 = arith.addi %scan3A_62, %scan3A_63 : i32
      %scan3A_65 = arith.constant 8 : i32
      scf.for %scan3A_67 = %scan3A_62 to %scan3A_64 step %scan3A_65  : i32 {
        %mul3A_68 = arith.constant 16 : i32
        %mul3A_69 = arith.muli %scan3A_67, %mul3A_68 : i32
        %get3A = arith.index_cast %scan3A_60 : i32 to index
        %get3A_70 = arith.index_cast %mul3A_69 : i32 to index
        %get3A_71 = tpu.vector_load %arg9[%get3A, %get3A_70] {strides = array<i32>} : memref<32x1024xf32, #tpu.memory_space<vmem>>, vector<1x16xf32>,
        %get3A_72 = vector.shape_cast %get3A_71 : vector<1x16xf32> to vector<16xf32>
        %mul3A_73 = arith.constant 16 : i32
        %mul3A_74 = arith.muli %scan3A_67, %mul3A_73 : i32
        %get3A_75 = arith.index_cast %scan3A_60 : i32 to index
        %get3A_76 = arith.index_cast %mul3A_74 : i32 to index
        %get3A_77 = tpu.vector_load %arg7[%get3A_75, %get3A_76] {strides = array<i32>} : memref<32x1024xf32, #tpu.memory_space<vmem>>, vector<1x16xf32>,
        %get3A_78 = vector.shape_cast %get3A_77 : vector<1x16xf32> to vector<16xf32>
        %mul3A_79 = arith.constant 16 : i32
        %mul3A_80 = arith.muli %scan3A_67, %mul3A_79 : i32
        %get3A_81 = arith.index_cast %scan3A_60 : i32 to index
        %get3A_82 = arith.index_cast %mul3A_80 : i32 to index
        %get3A_83 = tpu.vector_load %arg8[%get3A_81, %get3A_82] {strides = array<i32>} : memref<32x1024xf32, #tpu.memory_space<vmem>>, vector<1x16xf32>,
        %get3A_84 = vector.shape_cast %get3A_83 : vector<1x16xf32> to vector<16xf32>
        %add3A_85 = arith.addf %get3A_78, %get3A_84 : vector<16xf32>
        %add3A_86 = arith.addf %get3A_72, %add3A_85 : vector<16xf32>
        %swap3A = arith.index_cast %scan3A_60 : i32 to index
        %swap3A_87 = arith.index_cast %mul3A_69 : i32 to index
        %swap3A_88 = tpu.vector_load %arg9[%swap3A, %swap3A_87] {strides = array<i32>} : memref<32x1024xf32, #tpu.memory_space<vmem>>, vector<1x16xf32>,
        %swap3A_89 = vector.shape_cast %swap3A_88 : vector<1x16xf32> to vector<16xf32>
        %swap3A_90 = vector.shape_cast %add3A_86 : vector<16xf32> to vector<1x16xf32>
        tpu.vector_store %arg9[%swap3A, %swap3A_87], %swap3A_90 {strides = array<i32>} : memref<32x1024xf32, #tpu.memory_space<vmem>>, vector<1x16xf32>,
        %scan3A_91 = arith.constant 1 : i32
        %scan3A_92 = arith.addi %scan3A_67, %scan3A_91 : i32
        %mul3A_93 = arith.constant 16 : i32
        %mul3A_94 = arith.muli %scan3A_92, %mul3A_93 : i32
        %get3A_95 = arith.index_cast %scan3A_60 : i32 to index
        %get3A_96 = arith.index_cast %mul3A_94 : i32 to index
        %get3A_97 = tpu.vector_load %arg9[%get3A_95, %get3A_96] {strides = array<i32>} : memref<32x1024xf32, #tpu.memory_space<vmem>>, vector<1x16xf32>,
        %get3A_98 = vector.shape_cast %get3A_97 : vector<1x16xf32> to vector<16xf32>
        %mul3A_99 = arith.constant 16 : i32
        %mul3A_100 = arith.muli %scan3A_92, %mul3A_99 : i32
        %get3A_101 = arith.index_cast %scan3A_60 : i32 to index
        %get3A_102 = arith.index_cast %mul3A_100 : i32 to index
        %get3A_103 = tpu.vector_load %arg7[%get3A_101, %get3A_102] {strides = array<i32>} : memref<32x1024xf32, #tpu.memory_space<vmem>>, vector<1x16xf32>,
        %get3A_104 = vector.shape_cast %get3A_103 : vector<1x16xf32> to vector<16xf32>
        %mul3A_105 = arith.constant 16 : i32
        %mul3A_106 = arith.muli %scan3A_92, %mul3A_105 : i32
        %get3A_107 = arith.index_cast %scan3A_60 : i32 to index
        %get3A_108 = arith.index_cast %mul3A_106 : i32 to index
        %get3A_109 = tpu.vector_load %arg8[%get3A_107, %get3A_108] {strides = array<i32>} : memref<32x1024xf32, #tpu.memory_space<vmem>>, vector<1x16xf32>,
        %get3A_110 = vector.shape_cast %get3A_109 : vector<1x16xf32> to vector<16xf32>
        %add3A_111 = arith.addf %get3A_104, %get3A_110 : vector<16xf32>
        %add3A_112 = arith.addf %get3A_98, %add3A_111 : vector<16xf32>
        %swap3A_113 = arith.index_cast %scan3A_60 : i32 to index
        %swap3A_114 = arith.index_cast %mul3A_94 : i32 to index
        %swap3A_115 = tpu.vector_load %arg9[%swap3A_113, %swap3A_114] {strides = array<i32>} : memref<32x1024xf32, #tpu.memory_space<vmem>>, vector<1x16xf32>,
        %swap3A_116 = vector.shape_cast %swap3A_115 : vector<1x16xf32> to vector<16xf32>
        %swap3A_117 = vector.shape_cast %add3A_112 : vector<16xf32> to vector<1x16xf32>
        tpu.vector_store %arg9[%swap3A_113, %swap3A_114], %swap3A_117 {strides = array<i32>} : memref<32x1024xf32, #tpu.memory_space<vmem>>, vector<1x16xf32>,
        %scan3A_118 = arith.constant 2 : i32
        %scan3A_119 = arith.addi %scan3A_67, %scan3A_118 : i32
        %mul3A_120 = arith.constant 16 : i32
        %mul3A_121 = arith.muli %scan3A_119, %mul3A_120 : i32
        %get3A_122 = arith.index_cast %scan3A_60 : i32 to index
        %get3A_123 = arith.index_cast %mul3A_121 : i32 to index
        %get3A_124 = tpu.vector_load %arg9[%get3A_122, %get3A_123] {strides = array<i32>} : memref<32x1024xf32, #tpu.memory_space<vmem>>, vector<1x16xf32>,
        %get3A_125 = vector.shape_cast %get3A_124 : vector<1x16xf32> to vector<16xf32>
        %mul3A_126 = arith.constant 16 : i32
        %mul3A_127 = arith.muli %scan3A_119, %mul3A_126 : i32
        %get3A_128 = arith.index_cast %scan3A_60 : i32 to index
        %get3A_129 = arith.index_cast %mul3A_127 : i32 to index
        %get3A_130 = tpu.vector_load %arg7[%get3A_128, %get3A_129] {strides = array<i32>} : memref<32x1024xf32, #tpu.memory_space<vmem>>, vector<1x16xf32>,
        %get3A_131 = vector.shape_cast %get3A_130 : vector<1x16xf32> to vector<16xf32>
        %mul3A_132 = arith.constant 16 : i32
        %mul3A_133 = arith.muli %scan3A_119, %mul3A_132 : i32
        %get3A_134 = arith.index_cast %scan3A_60 : i32 to index
        %get3A_135 = arith.index_cast %mul3A_133 : i32 to index
        %get3A_136 = tpu.vector_load %arg8[%get3A_134, %get3A_135] {strides = array<i32>} : memref<32x1024xf32, #tpu.memory_space<vmem>>, vector<1x16xf32>,
        %get3A_137 = vector.shape_cast %get3A_136 : vector<1x16xf32> to vector<16xf32>
        %add3A_138 = arith.addf %get3A_131, %get3A_137 : vector<16xf32>
        %add3A_139 = arith.addf %get3A_125, %add3A_138 : vector<16xf32>
        %swap3A_140 = arith.index_cast %scan3A_60 : i32 to index
        %swap3A_141 = arith.index_cast %mul3A_121 : i32 to index
        %swap3A_142 = tpu.vector_load %arg9[%swap3A_140, %swap3A_141] {strides = array<i32>} : memref<32x1024xf32, #tpu.memory_space<vmem>>, vector<1x16xf32>,
        %swap3A_143 = vector.shape_cast %swap3A_142 : vector<1x16xf32> to vector<16xf32>
        %swap3A_144 = vector.shape_cast %add3A_139 : vector<16xf32> to vector<1x16xf32>
        tpu.vector_store %arg9[%swap3A_140, %swap3A_141], %swap3A_144 {strides = array<i32>} : memref<32x1024xf32, #tpu.memory_space<vmem>>, vector<1x16xf32>,
        %scan3A_145 = arith.constant 3 : i32
        %scan3A_146 = arith.addi %scan3A_67, %scan3A_145 : i32
        %mul3A_147 = arith.constant 16 : i32
        %mul3A_148 = arith.muli %scan3A_146, %mul3A_147 : i32
        %get3A_149 = arith.index_cast %scan3A_60 : i32 to index
        %get3A_150 = arith.index_cast %mul3A_148 : i32 to index
        %get3A_151 = tpu.vector_load %arg9[%get3A_149, %get3A_150] {strides = array<i32>} : memref<32x1024xf32, #tpu.memory_space<vmem>>, vector<1x16xf32>,
        %get3A_152 = vector.shape_cast %get3A_151 : vector<1x16xf32> to vector<16xf32>
        %mul3A_153 = arith.constant 16 : i32
        %mul3A_154 = arith.muli %scan3A_146, %mul3A_153 : i32
        %get3A_155 = arith.index_cast %scan3A_60 : i32 to index
        %get3A_156 = arith.index_cast %mul3A_154 : i32 to index
        %get3A_157 = tpu.vector_load %arg7[%get3A_155, %get3A_156] {strides = array<i32>} : memref<32x1024xf32, #tpu.memory_space<vmem>>, vector<1x16xf32>,
        %get3A_158 = vector.shape_cast %get3A_157 : vector<1x16xf32> to vector<16xf32>
        %mul3A_159 = arith.constant 16 : i32
        %mul3A_160 = arith.muli %scan3A_146, %mul3A_159 : i32
        %get3A_161 = arith.index_cast %scan3A_60 : i32 to index
        %get3A_162 = arith.index_cast %mul3A_160 : i32 to index
        %get3A_163 = tpu.vector_load %arg8[%get3A_161, %get3A_162] {strides = array<i32>} : memref<32x1024xf32, #tpu.memory_space<vmem>>, vector<1x16xf32>,
        %get3A_164 = vector.shape_cast %get3A_163 : vector<1x16xf32> to vector<16xf32>
        %add3A_165 = arith.addf %get3A_158, %get3A_164 : vector<16xf32>
        %add3A_166 = arith.addf %get3A_152, %add3A_165 : vector<16xf32>
        %swap3A_167 = arith.index_cast %scan3A_60 : i32 to index
        %swap3A_168 = arith.index_cast %mul3A_148 : i32 to index
        %swap3A_169 = tpu.vector_load %arg9[%swap3A_167, %swap3A_168] {strides = array<i32>} : memref<32x1024xf32, #tpu.memory_space<vmem>>, vector<1x16xf32>,
        %swap3A_170 = vector.shape_cast %swap3A_169 : vector<1x16xf32> to vector<16xf32>
        %swap3A_171 = vector.shape_cast %add3A_166 : vector<16xf32> to vector<1x16xf32>
        tpu.vector_store %arg9[%swap3A_167, %swap3A_168], %swap3A_171 {strides = array<i32>} : memref<32x1024xf32, #tpu.memory_space<vmem>>, vector<1x16xf32>,
        %scan3A_172 = arith.constant 4 : i32
        %scan3A_173 = arith.addi %scan3A_67, %scan3A_172 : i32
        %mul3A_174 = arith.constant 16 : i32
        %mul3A_175 = arith.muli %scan3A_173, %mul3A_174 : i32
        %get3A_176 = arith.index_cast %scan3A_60 : i32 to index
        %get3A_177 = arith.index_cast %mul3A_175 : i32 to index
        %get3A_178 = tpu.vector_load %arg9[%get3A_176, %get3A_177] {strides = array<i32>} : memref<32x1024xf32, #tpu.memory_space<vmem>>, vector<1x16xf32>,
        %get3A_179 = vector.shape_cast %get3A_178 : vector<1x16xf32> to vector<16xf32>
        %mul3A_180 = arith.constant 16 : i32
        %mul3A_181 = arith.muli %scan3A_173, %mul3A_180 : i32
        %get3A_182 = arith.index_cast %scan3A_60 : i32 to index
        %get3A_183 = arith.index_cast %mul3A_181 : i32 to index
        %get3A_184 = tpu.vector_load %arg7[%get3A_182, %get3A_183] {strides = array<i32>} : memref<32x1024xf32, #tpu.memory_space<vmem>>, vector<1x16xf32>,
        %get3A_185 = vector.shape_cast %get3A_184 : vector<1x16xf32> to vector<16xf32>
        %mul3A_186 = arith.constant 16 : i32
        %mul3A_187 = arith.muli %scan3A_173, %mul3A_186 : i32
        %get3A_188 = arith.index_cast %scan3A_60 : i32 to index
        %get3A_189 = arith.index_cast %mul3A_187 : i32 to index
        %get3A_190 = tpu.vector_load %arg8[%get3A_188, %get3A_189] {strides = array<i32>} : memref<32x1024xf32, #tpu.memory_space<vmem>>, vector<1x16xf32>,
        %get3A_191 = vector.shape_cast %get3A_190 : vector<1x16xf32> to vector<16xf32>
        %add3A_192 = arith.addf %get3A_185, %get3A_191 : vector<16xf32>
        %add3A_193 = arith.addf %get3A_179, %add3A_192 : vector<16xf32>
        %swap3A_194 = arith.index_cast %scan3A_60 : i32 to index
        %swap3A_195 = arith.index_cast %mul3A_175 : i32 to index
        %swap3A_196 = tpu.vector_load %arg9[%swap3A_194, %swap3A_195] {strides = array<i32>} : memref<32x1024xf32, #tpu.memory_space<vmem>>, vector<1x16xf32>,
        %swap3A_197 = vector.shape_cast %swap3A_196 : vector<1x16xf32> to vector<16xf32>
        %swap3A_198 = vector.shape_cast %add3A_193 : vector<16xf32> to vector<1x16xf32>
        tpu.vector_store %arg9[%swap3A_194, %swap3A_195], %swap3A_198 {strides = array<i32>} : memref<32x1024xf32, #tpu.memory_space<vmem>>, vector<1x16xf32>,
        %scan3A_199 = arith.constant 5 : i32
        %scan3A_200 = arith.addi %scan3A_67, %scan3A_199 : i32
        %mul3A_201 = arith.constant 16 : i32
        %mul3A_202 = arith.muli %scan3A_200, %mul3A_201 : i32
        %get3A_203 = arith.index_cast %scan3A_60 : i32 to index
        %get3A_204 = arith.index_cast %mul3A_202 : i32 to index
        %get3A_205 = tpu.vector_load %arg9[%get3A_203, %get3A_204] {strides = array<i32>} : memref<32x1024xf32, #tpu.memory_space<vmem>>, vector<1x16xf32>,
        %get3A_206 = vector.shape_cast %get3A_205 : vector<1x16xf32> to vector<16xf32>
        %mul3A_207 = arith.constant 16 : i32
        %mul3A_208 = arith.muli %scan3A_200, %mul3A_207 : i32
        %get3A_209 = arith.index_cast %scan3A_60 : i32 to index
        %get3A_210 = arith.index_cast %mul3A_208 : i32 to index
        %get3A_211 = tpu.vector_load %arg7[%get3A_209, %get3A_210] {strides = array<i32>} : memref<32x1024xf32, #tpu.memory_space<vmem>>, vector<1x16xf32>,
        %get3A_212 = vector.shape_cast %get3A_211 : vector<1x16xf32> to vector<16xf32>
        %mul3A_213 = arith.constant 16 : i32
        %mul3A_214 = arith.muli %scan3A_200, %mul3A_213 : i32
        %get3A_215 = arith.index_cast %scan3A_60 : i32 to index
        %get3A_216 = arith.index_cast %mul3A_214 : i32 to index
        %get3A_217 = tpu.vector_load %arg8[%get3A_215, %get3A_216] {strides = array<i32>} : memref<32x1024xf32, #tpu.memory_space<vmem>>, vector<1x16xf32>,
        %get3A_218 = vector.shape_cast %get3A_217 : vector<1x16xf32> to vector<16xf32>
        %add3A_219 = arith.addf %get3A_212, %get3A_218 : vector<16xf32>
        %add3A_220 = arith.addf %get3A_206, %add3A_219 : vector<16xf32>
        %swap3A_221 = arith.index_cast %scan3A_60 : i32 to index
        %swap3A_222 = arith.index_cast %mul3A_202 : i32 to index
        %swap3A_223 = tpu.vector_load %arg9[%swap3A_221, %swap3A_222] {strides = array<i32>} : memref<32x1024xf32, #tpu.memory_space<vmem>>, vector<1x16xf32>,
        %swap3A_224 = vector.shape_cast %swap3A_223 : vector<1x16xf32> to vector<16xf32>
        %swap3A_225 = vector.shape_cast %add3A_220 : vector<16xf32> to vector<1x16xf32>
        tpu.vector_store %arg9[%swap3A_221, %swap3A_222], %swap3A_225 {strides = array<i32>} : memref<32x1024xf32, #tpu.memory_space<vmem>>, vector<1x16xf32>,
        %scan3A_226 = arith.constant 6 : i32
        %scan3A_227 = arith.addi %scan3A_67, %scan3A_226 : i32
        %mul3A_228 = arith.constant 16 : i32
        %mul3A_229 = arith.muli %scan3A_227, %mul3A_228 : i32
        %get3A_230 = arith.index_cast %scan3A_60 : i32 to index
        %get3A_231 = arith.index_cast %mul3A_229 : i32 to index
        %get3A_232 = tpu.vector_load %arg9[%get3A_230, %get3A_231] {strides = array<i32>} : memref<32x1024xf32, #tpu.memory_space<vmem>>, vector<1x16xf32>,
        %get3A_233 = vector.shape_cast %get3A_232 : vector<1x16xf32> to vector<16xf32>
        %mul3A_234 = arith.constant 16 : i32
        %mul3A_235 = arith.muli %scan3A_227, %mul3A_234 : i32
        %get3A_236 = arith.index_cast %scan3A_60 : i32 to index
        %get3A_237 = arith.index_cast %mul3A_235 : i32 to index
        %get3A_238 = tpu.vector_load %arg7[%get3A_236, %get3A_237] {strides = array<i32>} : memref<32x1024xf32, #tpu.memory_space<vmem>>, vector<1x16xf32>,
        %get3A_239 = vector.shape_cast %get3A_238 : vector<1x16xf32> to vector<16xf32>
        %mul3A_240 = arith.constant 16 : i32
        %mul3A_241 = arith.muli %scan3A_227, %mul3A_240 : i32
        %get3A_242 = arith.index_cast %scan3A_60 : i32 to index
        %get3A_243 = arith.index_cast %mul3A_241 : i32 to index
        %get3A_244 = tpu.vector_load %arg8[%get3A_242, %get3A_243] {strides = array<i32>} : memref<32x1024xf32, #tpu.memory_space<vmem>>, vector<1x16xf32>,
        %get3A_245 = vector.shape_cast %get3A_244 : vector<1x16xf32> to vector<16xf32>
        %add3A_246 = arith.addf %get3A_239, %get3A_245 : vector<16xf32>
        %add3A_247 = arith.addf %get3A_233, %add3A_246 : vector<16xf32>
        %swap3A_248 = arith.index_cast %scan3A_60 : i32 to index
        %swap3A_249 = arith.index_cast %mul3A_229 : i32 to index
        %swap3A_250 = tpu.vector_load %arg9[%swap3A_248, %swap3A_249] {strides = array<i32>} : memref<32x1024xf32, #tpu.memory_space<vmem>>, vector<1x16xf32>,
        %swap3A_251 = vector.shape_cast %swap3A_250 : vector<1x16xf32> to vector<16xf32>
        %swap3A_252 = vector.shape_cast %add3A_247 : vector<16xf32> to vector<1x16xf32>
        tpu.vector_store %arg9[%swap3A_248, %swap3A_249], %swap3A_252 {strides = array<i32>} : memref<32x1024xf32, #tpu.memory_space<vmem>>, vector<1x16xf32>,
        %scan3A_253 = arith.constant 7 : i32
        %scan3A_254 = arith.addi %scan3A_67, %scan3A_253 : i32
        %mul3A_255 = arith.constant 16 : i32
        %mul3A_256 = arith.muli %scan3A_254, %mul3A_255 : i32
        %get3A_257 = arith.index_cast %scan3A_60 : i32 to index
        %get3A_258 = arith.index_cast %mul3A_256 : i32 to index
        %get3A_259 = tpu.vector_load %arg9[%get3A_257, %get3A_258] {strides = array<i32>} : memref<32x1024xf32, #tpu.memory_space<vmem>>, vector<1x16xf32>,
        %get3A_260 = vector.shape_cast %get3A_259 : vector<1x16xf32> to vector<16xf32>
        %mul3A_261 = arith.constant 16 : i32
        %mul3A_262 = arith.muli %scan3A_254, %mul3A_261 : i32
        %get3A_263 = arith.index_cast %scan3A_60 : i32 to index
        %get3A_264 = arith.index_cast %mul3A_262 : i32 to index
        %get3A_265 = tpu.vector_load %arg7[%get3A_263, %get3A_264] {strides = array<i32>} : memref<32x1024xf32, #tpu.memory_space<vmem>>, vector<1x16xf32>,
        %get3A_266 = vector.shape_cast %get3A_265 : vector<1x16xf32> to vector<16xf32>
        %mul3A_267 = arith.constant 16 : i32
        %mul3A_268 = arith.muli %scan3A_254, %mul3A_267 : i32
        %get3A_269 = arith.index_cast %scan3A_60 : i32 to index
        %get3A_270 = arith.index_cast %mul3A_268 : i32 to index
        %get3A_271 = tpu.vector_load %arg8[%get3A_269, %get3A_270] {strides = array<i32>} : memref<32x1024xf32, #tpu.memory_space<vmem>>, vector<1x16xf32>,
        %get3A_272 = vector.shape_cast %get3A_271 : vector<1x16xf32> to vector<16xf32>
        %add3A_273 = arith.addf %get3A_266, %get3A_272 : vector<16xf32>
        %add3A_274 = arith.addf %get3A_260, %add3A_273 : vector<16xf32>
        %swap3A_275 = arith.index_cast %scan3A_60 : i32 to index
        %swap3A_276 = arith.index_cast %mul3A_256 : i32 to index
        %swap3A_277 = tpu.vector_load %arg9[%swap3A_275, %swap3A_276] {strides = array<i32>} : memref<32x1024xf32, #tpu.memory_space<vmem>>, vector<1x16xf32>,
        %swap3A_278 = vector.shape_cast %swap3A_277 : vector<1x16xf32> to vector<16xf32>
        %swap3A_279 = vector.shape_cast %add3A_274 : vector<16xf32> to vector<1x16xf32>
        tpu.vector_store %arg9[%swap3A_275, %swap3A_276], %swap3A_279 {strides = array<i32>} : memref<32x1024xf32, #tpu.memory_space<vmem>>, vector<1x16xf32>,
      }
      %scan3A_66 = arith.constant 64 : i32
    }
    %scan3A_27 = arith.constant 32 : i32
    %add3A_28 = arith.constant 0 : i32
    %add3A_29 = arith.addi %mul3A_2, %add3A_28 : i32
    "tpu.region"() ({
      %run_scoped3A = tpu.sem_alloc : memref<!tpu.dma_semaphore, #tpu.memory_space<semaphore_mem>>
      %dma_start3A_60 = arith.constant 0 : i32
      %dma_start3A_61 = tpu.memref_slice %arg6[%add3A_29, %dma_start3A_60] : memref<2048x1024xf32, #tpu.memory_space<hbm>> -> memref<32x1024xf32, #tpu.memory_space<hbm>>
      %dma_start3A_62 = arith.constant 0 : i32
      %dma_start3A_63 = tpu.memref_slice %arg6[%add3A_29, %dma_start3A_62] : memref<2048x1024xf32, #tpu.memory_space<hbm>> -> memref<32x1024xf32, #tpu.memory_space<hbm>>
      tpu.enqueue_dma source(%arg9 : memref<32x1024xf32, #tpu.memory_space<vmem>>) target(%dma_start3A_63 : memref<32x1024xf32, #tpu.memory_space<hbm>>) target_semaphore(%run_scoped3A : memref<!tpu.dma_semaphore, #tpu.memory_space<semaphore_mem>>)
      %dma_wait3A_64 = arith.constant 0 : i32
      %dma_wait3A_65 = tpu.memref_slice %arg6[%add3A_29, %dma_wait3A_64] : memref<2048x1024xf32, #tpu.memory_space<hbm>> -> memref<32x1024xf32, #tpu.memory_space<hbm>>
      %dma_wait3A_66 = arith.constant 0 : i32
      %dma_wait3A_67 = tpu.memref_slice %arg6[%add3A_29, %dma_wait3A_66] : memref<2048x1024xf32, #tpu.memory_space<hbm>> -> memref<32x1024xf32, #tpu.memory_space<hbm>>
      tpu.wait_dma2 semaphore(%run_scoped3A : memref<!tpu.dma_semaphore, #tpu.memory_space<semaphore_mem>>) src(%arg9 : memref<32x1024xf32, #tpu.memory_space<vmem>>) dst(%dma_wait3A_67 : memref<32x1024xf32, #tpu.memory_space<hbm>>)
      tpu.yield
    }) : () -> ()
    %dma_start3A_30 = arith.constant 32 : i32
    %dma_start3A_31 = tpu.memref_slice %arg10[%dma_start3A_30] : memref<64xi32, #tpu.memory_space<vmem>> -> memref<32xi32, #tpu.memory_space<vmem>>
    %dma_start3A_32 = arith.constant 0 : i32
    %dma_start3A_33 = arith.constant 0 : i32
    %dma_start3A_34 = tpu.memref_slice %arg2[%dma_start3A_32, %dma_start3A_33] : memref<5120x1024xf32, #tpu.memory_space<hbm>> -> memref<5120x1024xf32, #tpu.memory_space<hbm>>
    tpu.enqueue_indirect_dma source(%dma_start3A_34 : memref<5120x1024xf32, #tpu.memory_space<hbm>>) target(%arg7 : memref<32x1024xf32, #tpu.memory_space<vmem>>) offsets(%dma_start3A_31 : memref<32xi32, #tpu.memory_space<vmem>>) semaphore(%arg12 : memref<!tpu.dma_semaphore, #tpu.memory_space<semaphore_mem>>)
    %dma_start3A_35 = arith.constant 32 : i32
    %dma_start3A_36 = tpu.memref_slice %arg11[%dma_start3A_35] : memref<64xi32, #tpu.memory_space<vmem>> -> memref<32xi32, #tpu.memory_space<vmem>>
    %dma_start3A_37 = arith.constant 0 : i32
    %dma_start3A_38 = arith.constant 0 : i32
    %dma_start3A_39 = tpu.memref_slice %arg2[%dma_start3A_37, %dma_start3A_38] : memref<5120x1024xf32, #tpu.memory_space<hbm>> -> memref<5120x1024xf32, #tpu.memory_space<hbm>>
    tpu.enqueue_indirect_dma source(%dma_start3A_39 : memref<5120x1024xf32, #tpu.memory_space<hbm>>) target(%arg8 : memref<32x1024xf32, #tpu.memory_space<vmem>>) offsets(%dma_start3A_36 : memref<32xi32, #tpu.memory_space<vmem>>) semaphore(%arg12 : memref<!tpu.dma_semaphore, #tpu.memory_space<semaphore_mem>>)
    %add3A_40 = arith.constant 32 : i32
    %add3A_41 = arith.addi %mul3A_2, %add3A_40 : i32
    "tpu.region"() ({
      %run_scoped3A = tpu.sem_alloc : memref<!tpu.dma_semaphore, #tpu.memory_space<semaphore_mem>>
      %dma_start3A_60 = arith.constant 0 : i32
      %dma_start3A_61 = tpu.memref_slice %arg5[%add3A_41, %dma_start3A_60] : memref<2048x1024xf32, #tpu.memory_space<hbm>> -> memref<32x1024xf32, #tpu.memory_space<hbm>>
      %dma_start3A_62 = arith.constant 0 : i32
      %dma_start3A_63 = tpu.memref_slice %arg5[%add3A_41, %dma_start3A_62] : memref<2048x1024xf32, #tpu.memory_space<hbm>> -> memref<32x1024xf32, #tpu.memory_space<hbm>>
      tpu.enqueue_dma source(%dma_start3A_63 : memref<32x1024xf32, #tpu.memory_space<hbm>>) target(%arg9 : memref<32x1024xf32, #tpu.memory_space<vmem>>) target_semaphore(%run_scoped3A : memref<!tpu.dma_semaphore, #tpu.memory_space<semaphore_mem>>)
      %dma_wait3A_64 = arith.constant 0 : i32
      %dma_wait3A_65 = tpu.memref_slice %arg5[%add3A_41, %dma_wait3A_64] : memref<2048x1024xf32, #tpu.memory_space<hbm>> -> memref<32x1024xf32, #tpu.memory_space<hbm>>
      %dma_wait3A_66 = arith.constant 0 : i32
      %dma_wait3A_67 = tpu.memref_slice %arg5[%add3A_41, %dma_wait3A_66] : memref<2048x1024xf32, #tpu.memory_space<hbm>> -> memref<32x1024xf32, #tpu.memory_space<hbm>>
      tpu.wait_dma2 semaphore(%run_scoped3A : memref<!tpu.dma_semaphore, #tpu.memory_space<semaphore_mem>>) src(%dma_wait3A_67 : memref<32x1024xf32, #tpu.memory_space<hbm>>) dst(%arg9 : memref<32x1024xf32, #tpu.memory_space<vmem>>)
      tpu.yield
    }) : () -> ()
    %dma_wait3A_42 = arith.constant 32 : i32
    %dma_wait3A_43 = tpu.memref_slice %arg10[%dma_wait3A_42] : memref<64xi32, #tpu.memory_space<vmem>> -> memref<32xi32, #tpu.memory_space<vmem>>
    %dma_wait3A_44 = arith.constant 0 : i32
    %dma_wait3A_45 = arith.constant 0 : i32
    %dma_wait3A_46 = tpu.memref_slice %arg2[%dma_wait3A_44, %dma_wait3A_45] : memref<5120x1024xf32, #tpu.memory_space<hbm>> -> memref<5120x1024xf32, #tpu.memory_space<hbm>>
    tpu.wait_indirect_dma semaphore(%arg12 : memref<!tpu.dma_semaphore, #tpu.memory_space<semaphore_mem>>) src(%dma_wait3A_46 : memref<5120x1024xf32, #tpu.memory_space<hbm>>) dst(%arg7 : memref<32x1024xf32, #tpu.memory_space<vmem>>)
    %dma_wait3A_47 = arith.constant 32 : i32
    %dma_wait3A_48 = tpu.memref_slice %arg11[%dma_wait3A_47] : memref<64xi32, #tpu.memory_space<vmem>> -> memref<32xi32, #tpu.memory_space<vmem>>
    %dma_wait3A_49 = arith.constant 0 : i32
    %dma_wait3A_50 = arith.constant 0 : i32
    %dma_wait3A_51 = tpu.memref_slice %arg2[%dma_wait3A_49, %dma_wait3A_50] : memref<5120x1024xf32, #tpu.memory_space<hbm>> -> memref<5120x1024xf32, #tpu.memory_space<hbm>>
    tpu.wait_indirect_dma semaphore(%arg12 : memref<!tpu.dma_semaphore, #tpu.memory_space<semaphore_mem>>) src(%dma_wait3A_51 : memref<5120x1024xf32, #tpu.memory_space<hbm>>) dst(%arg8 : memref<32x1024xf32, #tpu.memory_space<vmem>>)
    %scan3A_52 = arith.constant 0 : i32
    %scan3A_53 = arith.constant 0 : i32
    %scan3A_54 = arith.constant 32 : i32
    %scan3A_55 = arith.addi %scan3A_53, %scan3A_54 : i32
    %scan3A_56 = arith.constant 1 : i32
    scf.for %scan3A_60 = %scan3A_53 to %scan3A_55 step %scan3A_56  : i32 {
      %scan3A_61 = arith.constant 0 : i32
      %scan3A_62 = arith.constant 0 : i32
      %scan3A_63 = arith.constant 64 : i32
      %scan3A_64 = arith.addi %scan3A_62, %scan3A_63 : i32
      %scan3A_65 = arith.constant 8 : i32
      scf.for %scan3A_67 = %scan3A_62 to %scan3A_64 step %scan3A_65  : i32 {
        %mul3A_68 = arith.constant 16 : i32
        %mul3A_69 = arith.muli %scan3A_67, %mul3A_68 : i32
        %get3A = arith.index_cast %scan3A_60 : i32 to index
        %get3A_70 = arith.index_cast %mul3A_69 : i32 to index
        %get3A_71 = tpu.vector_load %arg9[%get3A, %get3A_70] {strides = array<i32>} : memref<32x1024xf32, #tpu.memory_space<vmem>>, vector<1x16xf32>,
        %get3A_72 = vector.shape_cast %get3A_71 : vector<1x16xf32> to vector<16xf32>
        %mul3A_73 = arith.constant 16 : i32
        %mul3A_74 = arith.muli %scan3A_67, %mul3A_73 : i32
        %get3A_75 = arith.index_cast %scan3A_60 : i32 to index
        %get3A_76 = arith.index_cast %mul3A_74 : i32 to index
        %get3A_77 = tpu.vector_load %arg7[%get3A_75, %get3A_76] {strides = array<i32>} : memref<32x1024xf32, #tpu.memory_space<vmem>>, vector<1x16xf32>,
        %get3A_78 = vector.shape_cast %get3A_77 : vector<1x16xf32> to vector<16xf32>
        %mul3A_79 = arith.constant 16 : i32
        %mul3A_80 = arith.muli %scan3A_67, %mul3A_79 : i32
        %get3A_81 = arith.index_cast %scan3A_60 : i32 to index
        %get3A_82 = arith.index_cast %mul3A_80 : i32 to index
        %get3A_83 = tpu.vector_load %arg8[%get3A_81, %get3A_82] {strides = array<i32>} : memref<32x1024xf32, #tpu.memory_space<vmem>>, vector<1x16xf32>,
        %get3A_84 = vector.shape_cast %get3A_83 : vector<1x16xf32> to vector<16xf32>
        %add3A_85 = arith.addf %get3A_78, %get3A_84 : vector<16xf32>
        %add3A_86 = arith.addf %get3A_72, %add3A_85 : vector<16xf32>
        %swap3A = arith.index_cast %scan3A_60 : i32 to index
        %swap3A_87 = arith.index_cast %mul3A_69 : i32 to index
        %swap3A_88 = tpu.vector_load %arg9[%swap3A, %swap3A_87] {strides = array<i32>} : memref<32x1024xf32, #tpu.memory_space<vmem>>, vector<1x16xf32>,
        %swap3A_89 = vector.shape_cast %swap3A_88 : vector<1x16xf32> to vector<16xf32>
        %swap3A_90 = vector.shape_cast %add3A_86 : vector<16xf32> to vector<1x16xf32>
        tpu.vector_store %arg9[%swap3A, %swap3A_87], %swap3A_90 {strides = array<i32>} : memref<32x1024xf32, #tpu.memory_space<vmem>>, vector<1x16xf32>,
        %scan3A_91 = arith.constant 1 : i32
        %scan3A_92 = arith.addi %scan3A_67, %scan3A_91 : i32
        %mul3A_93 = arith.constant 16 : i32
        %mul3A_94 = arith.muli %scan3A_92, %mul3A_93 : i32
        %get3A_95 = arith.index_cast %scan3A_60 : i32 to index
        %get3A_96 = arith.index_cast %mul3A_94 : i32 to index
        %get3A_97 = tpu.vector_load %arg9[%get3A_95, %get3A_96] {strides = array<i32>} : memref<32x1024xf32, #tpu.memory_space<vmem>>, vector<1x16xf32>,
        %get3A_98 = vector.shape_cast %get3A_97 : vector<1x16xf32> to vector<16xf32>
        %mul3A_99 = arith.constant 16 : i32
        %mul3A_100 = arith.muli %scan3A_92, %mul3A_99 : i32
        %get3A_101 = arith.index_cast %scan3A_60 : i32 to index
        %get3A_102 = arith.index_cast %mul3A_100 : i32 to index
        %get3A_103 = tpu.vector_load %arg7[%get3A_101, %get3A_102] {strides = array<i32>} : memref<32x1024xf32, #tpu.memory_space<vmem>>, vector<1x16xf32>,
        %get3A_104 = vector.shape_cast %get3A_103 : vector<1x16xf32> to vector<16xf32>
        %mul3A_105 = arith.constant 16 : i32
        %mul3A_106 = arith.muli %scan3A_92, %mul3A_105 : i32
        %get3A_107 = arith.index_cast %scan3A_60 : i32 to index
        %get3A_108 = arith.index_cast %mul3A_106 : i32 to index
        %get3A_109 = tpu.vector_load %arg8[%get3A_107, %get3A_108] {strides = array<i32>} : memref<32x1024xf32, #tpu.memory_space<vmem>>, vector<1x16xf32>,
        %get3A_110 = vector.shape_cast %get3A_109 : vector<1x16xf32> to vector<16xf32>
        %add3A_111 = arith.addf %get3A_104, %get3A_110 : vector<16xf32>
        %add3A_112 = arith.addf %get3A_98, %add3A_111 : vector<16xf32>
        %swap3A_113 = arith.index_cast %scan3A_60 : i32 to index
        %swap3A_114 = arith.index_cast %mul3A_94 : i32 to index
        %swap3A_115 = tpu.vector_load %arg9[%swap3A_113, %swap3A_114] {strides = array<i32>} : memref<32x1024xf32, #tpu.memory_space<vmem>>, vector<1x16xf32>,
        %swap3A_116 = vector.shape_cast %swap3A_115 : vector<1x16xf32> to vector<16xf32>
        %swap3A_117 = vector.shape_cast %add3A_112 : vector<16xf32> to vector<1x16xf32>
        tpu.vector_store %arg9[%swap3A_113, %swap3A_114], %swap3A_117 {strides = array<i32>} : memref<32x1024xf32, #tpu.memory_space<vmem>>, vector<1x16xf32>,
        %scan3A_118 = arith.constant 2 : i32
        %scan3A_119 = arith.addi %scan3A_67, %scan3A_118 : i32
        %mul3A_120 = arith.constant 16 : i32
        %mul3A_121 = arith.muli %scan3A_119, %mul3A_120 : i32
        %get3A_122 = arith.index_cast %scan3A_60 : i32 to index
        %get3A_123 = arith.index_cast %mul3A_121 : i32 to index
        %get3A_124 = tpu.vector_load %arg9[%get3A_122, %get3A_123] {strides = array<i32>} : memref<32x1024xf32, #tpu.memory_space<vmem>>, vector<1x16xf32>,
        %get3A_125 = vector.shape_cast %get3A_124 : vector<1x16xf32> to vector<16xf32>
        %mul3A_126 = arith.constant 16 : i32
        %mul3A_127 = arith.muli %scan3A_119, %mul3A_126 : i32
        %get3A_128 = arith.index_cast %scan3A_60 : i32 to index
        %get3A_129 = arith.index_cast %mul3A_127 : i32 to index
        %get3A_130 = tpu.vector_load %arg7[%get3A_128, %get3A_129] {strides = array<i32>} : memref<32x1024xf32, #tpu.memory_space<vmem>>, vector<1x16xf32>,
        %get3A_131 = vector.shape_cast %get3A_130 : vector<1x16xf32> to vector<16xf32>
        %mul3A_132 = arith.constant 16 : i32
        %mul3A_133 = arith.muli %scan3A_119, %mul3A_132 : i32
        %get3A_134 = arith.index_cast %scan3A_60 : i32 to index
        %get3A_135 = arith.index_cast %mul3A_133 : i32 to index
        %get3A_136 = tpu.vector_load %arg8[%get3A_134, %get3A_135] {strides = array<i32>} : memref<32x1024xf32, #tpu.memory_space<vmem>>, vector<1x16xf32>,
        %get3A_137 = vector.shape_cast %get3A_136 : vector<1x16xf32> to vector<16xf32>
        %add3A_138 = arith.addf %get3A_131, %get3A_137 : vector<16xf32>
        %add3A_139 = arith.addf %get3A_125, %add3A_138 : vector<16xf32>
        %swap3A_140 = arith.index_cast %scan3A_60 : i32 to index
        %swap3A_141 = arith.index_cast %mul3A_121 : i32 to index
        %swap3A_142 = tpu.vector_load %arg9[%swap3A_140, %swap3A_141] {strides = array<i32>} : memref<32x1024xf32, #tpu.memory_space<vmem>>, vector<1x16xf32>,
        %swap3A_143 = vector.shape_cast %swap3A_142 : vector<1x16xf32> to vector<16xf32>
        %swap3A_144 = vector.shape_cast %add3A_139 : vector<16xf32> to vector<1x16xf32>
        tpu.vector_store %arg9[%swap3A_140, %swap3A_141], %swap3A_144 {strides = array<i32>} : memref<32x1024xf32, #tpu.memory_space<vmem>>, vector<1x16xf32>,
        %scan3A_145 = arith.constant 3 : i32
        %scan3A_146 = arith.addi %scan3A_67, %scan3A_145 : i32
        %mul3A_147 = arith.constant 16 : i32
        %mul3A_148 = arith.muli %scan3A_146, %mul3A_147 : i32
        %get3A_149 = arith.index_cast %scan3A_60 : i32 to index
        %get3A_150 = arith.index_cast %mul3A_148 : i32 to index
        %get3A_151 = tpu.vector_load %arg9[%get3A_149, %get3A_150] {strides = array<i32>} : memref<32x1024xf32, #tpu.memory_space<vmem>>, vector<1x16xf32>,
        %get3A_152 = vector.shape_cast %get3A_151 : vector<1x16xf32> to vector<16xf32>
        %mul3A_153 = arith.constant 16 : i32
        %mul3A_154 = arith.muli %scan3A_146, %mul3A_153 : i32
        %get3A_155 = arith.index_cast %scan3A_60 : i32 to index
        %get3A_156 = arith.index_cast %mul3A_154 : i32 to index
        %get3A_157 = tpu.vector_load %arg7[%get3A_155, %get3A_156] {strides = array<i32>} : memref<32x1024xf32, #tpu.memory_space<vmem>>, vector<1x16xf32>,
        %get3A_158 = vector.shape_cast %get3A_157 : vector<1x16xf32> to vector<16xf32>
        %mul3A_159 = arith.constant 16 : i32
        %mul3A_160 = arith.muli %scan3A_146, %mul3A_159 : i32
        %get3A_161 = arith.index_cast %scan3A_60 : i32 to index
        %get3A_162 = arith.index_cast %mul3A_160 : i32 to index
        %get3A_163 = tpu.vector_load %arg8[%get3A_161, %get3A_162] {strides = array<i32>} : memref<32x1024xf32, #tpu.memory_space<vmem>>, vector<1x16xf32>,
        %get3A_164 = vector.shape_cast %get3A_163 : vector<1x16xf32> to vector<16xf32>
        %add3A_165 = arith.addf %get3A_158, %get3A_164 : vector<16xf32>
        %add3A_166 = arith.addf %get3A_152, %add3A_165 : vector<16xf32>
        %swap3A_167 = arith.index_cast %scan3A_60 : i32 to index
        %swap3A_168 = arith.index_cast %mul3A_148 : i32 to index
        %swap3A_169 = tpu.vector_load %arg9[%swap3A_167, %swap3A_168] {strides = array<i32>} : memref<32x1024xf32, #tpu.memory_space<vmem>>, vector<1x16xf32>,
        %swap3A_170 = vector.shape_cast %swap3A_169 : vector<1x16xf32> to vector<16xf32>
        %swap3A_171 = vector.shape_cast %add3A_166 : vector<16xf32> to vector<1x16xf32>
        tpu.vector_store %arg9[%swap3A_167, %swap3A_168], %swap3A_171 {strides = array<i32>} : memref<32x1024xf32, #tpu.memory_space<vmem>>, vector<1x16xf32>,
        %scan3A_172 = arith.constant 4 : i32
        %scan3A_173 = arith.addi %scan3A_67, %scan3A_172 : i32
        %mul3A_174 = arith.constant 16 : i32
        %mul3A_175 = arith.muli %scan3A_173, %mul3A_174 : i32
        %get3A_176 = arith.index_cast %scan3A_60 : i32 to index
        %get3A_177 = arith.index_cast %mul3A_175 : i32 to index
        %get3A_178 = tpu.vector_load %arg9[%get3A_176, %get3A_177] {strides = array<i32>} : memref<32x1024xf32, #tpu.memory_space<vmem>>, vector<1x16xf32>,
        %get3A_179 = vector.shape_cast %get3A_178 : vector<1x16xf32> to vector<16xf32>
        %mul3A_180 = arith.constant 16 : i32
        %mul3A_181 = arith.muli %scan3A_173, %mul3A_180 : i32
        %get3A_182 = arith.index_cast %scan3A_60 : i32 to index
        %get3A_183 = arith.index_cast %mul3A_181 : i32 to index
        %get3A_184 = tpu.vector_load %arg7[%get3A_182, %get3A_183] {strides = array<i32>} : memref<32x1024xf32, #tpu.memory_space<vmem>>, vector<1x16xf32>,
        %get3A_185 = vector.shape_cast %get3A_184 : vector<1x16xf32> to vector<16xf32>
        %mul3A_186 = arith.constant 16 : i32
        %mul3A_187 = arith.muli %scan3A_173, %mul3A_186 : i32
        %get3A_188 = arith.index_cast %scan3A_60 : i32 to index
        %get3A_189 = arith.index_cast %mul3A_187 : i32 to index
        %get3A_190 = tpu.vector_load %arg8[%get3A_188, %get3A_189] {strides = array<i32>} : memref<32x1024xf32, #tpu.memory_space<vmem>>, vector<1x16xf32>,
        %get3A_191 = vector.shape_cast %get3A_190 : vector<1x16xf32> to vector<16xf32>
        %add3A_192 = arith.addf %get3A_185, %get3A_191 : vector<16xf32>
        %add3A_193 = arith.addf %get3A_179, %add3A_192 : vector<16xf32>
        %swap3A_194 = arith.index_cast %scan3A_60 : i32 to index
        %swap3A_195 = arith.index_cast %mul3A_175 : i32 to index
        %swap3A_196 = tpu.vector_load %arg9[%swap3A_194, %swap3A_195] {strides = array<i32>} : memref<32x1024xf32, #tpu.memory_space<vmem>>, vector<1x16xf32>,
        %swap3A_197 = vector.shape_cast %swap3A_196 : vector<1x16xf32> to vector<16xf32>
        %swap3A_198 = vector.shape_cast %add3A_193 : vector<16xf32> to vector<1x16xf32>
        tpu.vector_store %arg9[%swap3A_194, %swap3A_195], %swap3A_198 {strides = array<i32>} : memref<32x1024xf32, #tpu.memory_space<vmem>>, vector<1x16xf32>,
        %scan3A_199 = arith.constant 5 : i32
        %scan3A_200 = arith.addi %scan3A_67, %scan3A_199 : i32
        %mul3A_201 = arith.constant 16 : i32
        %mul3A_202 = arith.muli %scan3A_200, %mul3A_201 : i32
        %get3A_203 = arith.index_cast %scan3A_60 : i32 to index
        %get3A_204 = arith.index_cast %mul3A_202 : i32 to index
        %get3A_205 = tpu.vector_load %arg9[%get3A_203, %get3A_204] {strides = array<i32>} : memref<32x1024xf32, #tpu.memory_space<vmem>>, vector<1x16xf32>,
        %get3A_206 = vector.shape_cast %get3A_205 : vector<1x16xf32> to vector<16xf32>
        %mul3A_207 = arith.constant 16 : i32
        %mul3A_208 = arith.muli %scan3A_200, %mul3A_207 : i32
        %get3A_209 = arith.index_cast %scan3A_60 : i32 to index
        %get3A_210 = arith.index_cast %mul3A_208 : i32 to index
        %get3A_211 = tpu.vector_load %arg7[%get3A_209, %get3A_210] {strides = array<i32>} : memref<32x1024xf32, #tpu.memory_space<vmem>>, vector<1x16xf32>,
        %get3A_212 = vector.shape_cast %get3A_211 : vector<1x16xf32> to vector<16xf32>
        %mul3A_213 = arith.constant 16 : i32
        %mul3A_214 = arith.muli %scan3A_200, %mul3A_213 : i32
        %get3A_215 = arith.index_cast %scan3A_60 : i32 to index
        %get3A_216 = arith.index_cast %mul3A_214 : i32 to index
        %get3A_217 = tpu.vector_load %arg8[%get3A_215, %get3A_216] {strides = array<i32>} : memref<32x1024xf32, #tpu.memory_space<vmem>>, vector<1x16xf32>,
        %get3A_218 = vector.shape_cast %get3A_217 : vector<1x16xf32> to vector<16xf32>
        %add3A_219 = arith.addf %get3A_212, %get3A_218 : vector<16xf32>
        %add3A_220 = arith.addf %get3A_206, %add3A_219 : vector<16xf32>
        %swap3A_221 = arith.index_cast %scan3A_60 : i32 to index
        %swap3A_222 = arith.index_cast %mul3A_202 : i32 to index
        %swap3A_223 = tpu.vector_load %arg9[%swap3A_221, %swap3A_222] {strides = array<i32>} : memref<32x1024xf32, #tpu.memory_space<vmem>>, vector<1x16xf32>,
        %swap3A_224 = vector.shape_cast %swap3A_223 : vector<1x16xf32> to vector<16xf32>
        %swap3A_225 = vector.shape_cast %add3A_220 : vector<16xf32> to vector<1x16xf32>
        tpu.vector_store %arg9[%swap3A_221, %swap3A_222], %swap3A_225 {strides = array<i32>} : memref<32x1024xf32, #tpu.memory_space<vmem>>, vector<1x16xf32>,
        %scan3A_226 = arith.constant 6 : i32
        %scan3A_227 = arith.addi %scan3A_67, %scan3A_226 : i32
        %mul3A_228 = arith.constant 16 : i32
        %mul3A_229 = arith.muli %scan3A_227, %mul3A_228 : i32
        %get3A_230 = arith.index_cast %scan3A_60 : i32 to index
        %get3A_231 = arith.index_cast %mul3A_229 : i32 to index
        %get3A_232 = tpu.vector_load %arg9[%get3A_230, %get3A_231] {strides = array<i32>} : memref<32x1024xf32, #tpu.memory_space<vmem>>, vector<1x16xf32>,
        %get3A_233 = vector.shape_cast %get3A_232 : vector<1x16xf32> to vector<16xf32>
        %mul3A_234 = arith.constant 16 : i32
        %mul3A_235 = arith.muli %scan3A_227, %mul3A_234 : i32
        %get3A_236 = arith.index_cast %scan3A_60 : i32 to index
        %get3A_237 = arith.index_cast %mul3A_235 : i32 to index
        %get3A_238 = tpu.vector_load %arg7[%get3A_236, %get3A_237] {strides = array<i32>} : memref<32x1024xf32, #tpu.memory_space<vmem>>, vector<1x16xf32>,
        %get3A_239 = vector.shape_cast %get3A_238 : vector<1x16xf32> to vector<16xf32>
        %mul3A_240 = arith.constant 16 : i32
        %mul3A_241 = arith.muli %scan3A_227, %mul3A_240 : i32
        %get3A_242 = arith.index_cast %scan3A_60 : i32 to index
        %get3A_243 = arith.index_cast %mul3A_241 : i32 to index
        %get3A_244 = tpu.vector_load %arg8[%get3A_242, %get3A_243] {strides = array<i32>} : memref<32x1024xf32, #tpu.memory_space<vmem>>, vector<1x16xf32>,
        %get3A_245 = vector.shape_cast %get3A_244 : vector<1x16xf32> to vector<16xf32>
        %add3A_246 = arith.addf %get3A_239, %get3A_245 : vector<16xf32>
        %add3A_247 = arith.addf %get3A_233, %add3A_246 : vector<16xf32>
        %swap3A_248 = arith.index_cast %scan3A_60 : i32 to index
        %swap3A_249 = arith.index_cast %mul3A_229 : i32 to index
        %swap3A_250 = tpu.vector_load %arg9[%swap3A_248, %swap3A_249] {strides = array<i32>} : memref<32x1024xf32, #tpu.memory_space<vmem>>, vector<1x16xf32>,
        %swap3A_251 = vector.shape_cast %swap3A_250 : vector<1x16xf32> to vector<16xf32>
        %swap3A_252 = vector.shape_cast %add3A_247 : vector<16xf32> to vector<1x16xf32>
        tpu.vector_store %arg9[%swap3A_248, %swap3A_249], %swap3A_252 {strides = array<i32>} : memref<32x1024xf32, #tpu.memory_space<vmem>>, vector<1x16xf32>,
        %scan3A_253 = arith.constant 7 : i32
        %scan3A_254 = arith.addi %scan3A_67, %scan3A_253 : i32
        %mul3A_255 = arith.constant 16 : i32
        %mul3A_256 = arith.muli %scan3A_254, %mul3A_255 : i32
        %get3A_257 = arith.index_cast %scan3A_60 : i32 to index
        %get3A_258 = arith.index_cast %mul3A_256 : i32 to index
        %get3A_259 = tpu.vector_load %arg9[%get3A_257, %get3A_258] {strides = array<i32>} : memref<32x1024xf32, #tpu.memory_space<vmem>>, vector<1x16xf32>,
        %get3A_260 = vector.shape_cast %get3A_259 : vector<1x16xf32> to vector<16xf32>
        %mul3A_261 = arith.constant 16 : i32
        %mul3A_262 = arith.muli %scan3A_254, %mul3A_261 : i32
        %get3A_263 = arith.index_cast %scan3A_60 : i32 to index
        %get3A_264 = arith.index_cast %mul3A_262 : i32 to index
        %get3A_265 = tpu.vector_load %arg7[%get3A_263, %get3A_264] {strides = array<i32>} : memref<32x1024xf32, #tpu.memory_space<vmem>>, vector<1x16xf32>,
        %get3A_266 = vector.shape_cast %get3A_265 : vector<1x16xf32> to vector<16xf32>
        %mul3A_267 = arith.constant 16 : i32
        %mul3A_268 = arith.muli %scan3A_254, %mul3A_267 : i32
        %get3A_269 = arith.index_cast %scan3A_60 : i32 to index
        %get3A_270 = arith.index_cast %mul3A_268 : i32 to index
        %get3A_271 = tpu.vector_load %arg8[%get3A_269, %get3A_270] {strides = array<i32>} : memref<32x1024xf32, #tpu.memory_space<vmem>>, vector<1x16xf32>,
        %get3A_272 = vector.shape_cast %get3A_271 : vector<1x16xf32> to vector<16xf32>
        %add3A_273 = arith.addf %get3A_266, %get3A_272 : vector<16xf32>
        %add3A_274 = arith.addf %get3A_260, %add3A_273 : vector<16xf32>
        %swap3A_275 = arith.index_cast %scan3A_60 : i32 to index
        %swap3A_276 = arith.index_cast %mul3A_256 : i32 to index
        %swap3A_277 = tpu.vector_load %arg9[%swap3A_275, %swap3A_276] {strides = array<i32>} : memref<32x1024xf32, #tpu.memory_space<vmem>>, vector<1x16xf32>,
        %swap3A_278 = vector.shape_cast %swap3A_277 : vector<1x16xf32> to vector<16xf32>
        %swap3A_279 = vector.shape_cast %add3A_274 : vector<16xf32> to vector<1x16xf32>
        tpu.vector_store %arg9[%swap3A_275, %swap3A_276], %swap3A_279 {strides = array<i32>} : memref<32x1024xf32, #tpu.memory_space<vmem>>, vector<1x16xf32>,
      }
      %scan3A_66 = arith.constant 64 : i32
    }
    %scan3A_57 = arith.constant 32 : i32
    %add3A_58 = arith.constant 32 : i32
    %add3A_59 = arith.addi %mul3A_2, %add3A_58 : i32
    "tpu.region"() ({
      %run_scoped3A = tpu.sem_alloc : memref<!tpu.dma_semaphore, #tpu.memory_space<semaphore_mem>>
      %dma_start3A_60 = arith.constant 0 : i32
      %dma_start3A_61 = tpu.memref_slice %arg6[%add3A_59, %dma_start3A_60] : memref<2048x1024xf32, #tpu.memory_space<hbm>> -> memref<32x1024xf32, #tpu.memory_space<hbm>>
      %dma_start3A_62 = arith.constant 0 : i32
      %dma_start3A_63 = tpu.memref_slice %arg6[%add3A_59, %dma_start3A_62] : memref<2048x1024xf32, #tpu.memory_space<hbm>> -> memref<32x1024xf32, #tpu.memory_space<hbm>>
      tpu.enqueue_dma source(%arg9 : memref<32x1024xf32, #tpu.memory_space<vmem>>) target(%dma_start3A_63 : memref<32x1024xf32, #tpu.memory_space<hbm>>) target_semaphore(%run_scoped3A : memref<!tpu.dma_semaphore, #tpu.memory_space<semaphore_mem>>)
      %dma_wait3A_64 = arith.constant 0 : i32
      %dma_wait3A_65 = tpu.memref_slice %arg6[%add3A_59, %dma_wait3A_64] : memref<2048x1024xf32, #tpu.memory_space<hbm>> -> memref<32x1024xf32, #tpu.memory_space<hbm>>
      %dma_wait3A_66 = arith.constant 0 : i32
      %dma_wait3A_67 = tpu.memref_slice %arg6[%add3A_59, %dma_wait3A_66] : memref<2048x1024xf32, #tpu.memory_space<hbm>> -> memref<32x1024xf32, #tpu.memory_space<hbm>>
      tpu.wait_dma2 semaphore(%run_scoped3A : memref<!tpu.dma_semaphore, #tpu.memory_space<semaphore_mem>>) src(%arg9 : memref<32x1024xf32, #tpu.memory_space<vmem>>) dst(%dma_wait3A_67 : memref<32x1024xf32, #tpu.memory_space<hbm>>)
      tpu.yield
    }) : () -> ()
    return
  }
}

#map = affine_map<(d0, d1) -> (0, 0)>
#map1 = affine_map<(d0, d1) -> (0)>
module attributes {stable_mosaic.version = 14 : i64} {
  func.func @_scatter_rows(%arg0: i32, %arg1: i32, %arg2: memref<2048x1024xf32, #tpu.memory_space<hbm>>, %arg3: memref<2048xi32, #tpu.memory_space<hbm>>, %arg4: memref<2048xi32, #tpu.memory_space<hbm>>, %arg5: memref<2048xf32, #tpu.memory_space<hbm>>, %arg6: memref<2048xf32, #tpu.memory_space<hbm>>, %arg7: memref<5120x1024xf32, #tpu.memory_space<hbm>>, %arg8: memref<5120xf32, #tpu.memory_space<hbm>>, %arg9: memref<64x1024xf32, #tpu.memory_space<vmem>>, %arg10: memref<64xi32, #tpu.memory_space<vmem>>, %arg11: memref<64xi32, #tpu.memory_space<vmem>>, %arg12: memref<64xf32, #tpu.memory_space<vmem>>, %arg13: memref<64xf32, #tpu.memory_space<vmem>>, %arg14: memref<!tpu.dma_semaphore, #tpu.memory_space<semaphore_mem>>) attributes {dimension_semantics = [#tpu.dimension_semantics<core_parallel>, #tpu.dimension_semantics<subcore_parallel>], iteration_bounds = array<i64: 2, 16>, scalar_prefetch = 0 : i64, scratch_operands = 6 : i64, tpu.core_type = #tpu.core_type<sc_vector_subcore>, window_params = [{transform_indices = #map}, {transform_indices = #map1}, {transform_indices = #map1}, {transform_indices = #map1}, {transform_indices = #map1}, {transform_indices = #map}, {transform_indices = #map1}]} {
    %mul3A = arith.constant 2 : i32
    %mul3A_0 = arith.muli %arg1, %mul3A : i32
    %add3A = arith.addi %mul3A_0, %arg0 : i32
    %mul3A_1 = arith.constant 64 : i32
    %mul3A_2 = arith.muli %add3A, %mul3A_1 : i32
    "tpu.region"() ({
      %run_scoped3A = tpu.sem_alloc : memref<!tpu.dma_semaphore, #tpu.memory_space<semaphore_mem>>
      %dma_start3A_21 = tpu.memref_slice %arg3[%mul3A_2] : memref<2048xi32, #tpu.memory_space<hbm>> -> memref<64xi32, #tpu.memory_space<hbm>>
      %dma_start3A_22 = tpu.memref_slice %arg3[%mul3A_2] : memref<2048xi32, #tpu.memory_space<hbm>> -> memref<64xi32, #tpu.memory_space<hbm>>
      tpu.enqueue_dma source(%dma_start3A_22 : memref<64xi32, #tpu.memory_space<hbm>>) target(%arg10 : memref<64xi32, #tpu.memory_space<vmem>>) target_semaphore(%run_scoped3A : memref<!tpu.dma_semaphore, #tpu.memory_space<semaphore_mem>>)
      %dma_wait3A_23 = tpu.memref_slice %arg3[%mul3A_2] : memref<2048xi32, #tpu.memory_space<hbm>> -> memref<64xi32, #tpu.memory_space<hbm>>
      %dma_wait3A_24 = tpu.memref_slice %arg3[%mul3A_2] : memref<2048xi32, #tpu.memory_space<hbm>> -> memref<64xi32, #tpu.memory_space<hbm>>
      tpu.wait_dma2 semaphore(%run_scoped3A : memref<!tpu.dma_semaphore, #tpu.memory_space<semaphore_mem>>) src(%dma_wait3A_24 : memref<64xi32, #tpu.memory_space<hbm>>) dst(%arg10 : memref<64xi32, #tpu.memory_space<vmem>>)
      tpu.yield
    }) : () -> ()
    "tpu.region"() ({
      %run_scoped3A = tpu.sem_alloc : memref<!tpu.dma_semaphore, #tpu.memory_space<semaphore_mem>>
      %dma_start3A_21 = tpu.memref_slice %arg4[%mul3A_2] : memref<2048xi32, #tpu.memory_space<hbm>> -> memref<64xi32, #tpu.memory_space<hbm>>
      %dma_start3A_22 = tpu.memref_slice %arg4[%mul3A_2] : memref<2048xi32, #tpu.memory_space<hbm>> -> memref<64xi32, #tpu.memory_space<hbm>>
      tpu.enqueue_dma source(%dma_start3A_22 : memref<64xi32, #tpu.memory_space<hbm>>) target(%arg11 : memref<64xi32, #tpu.memory_space<vmem>>) target_semaphore(%run_scoped3A : memref<!tpu.dma_semaphore, #tpu.memory_space<semaphore_mem>>)
      %dma_wait3A_23 = tpu.memref_slice %arg4[%mul3A_2] : memref<2048xi32, #tpu.memory_space<hbm>> -> memref<64xi32, #tpu.memory_space<hbm>>
      %dma_wait3A_24 = tpu.memref_slice %arg4[%mul3A_2] : memref<2048xi32, #tpu.memory_space<hbm>> -> memref<64xi32, #tpu.memory_space<hbm>>
      tpu.wait_dma2 semaphore(%run_scoped3A : memref<!tpu.dma_semaphore, #tpu.memory_space<semaphore_mem>>) src(%dma_wait3A_24 : memref<64xi32, #tpu.memory_space<hbm>>) dst(%arg11 : memref<64xi32, #tpu.memory_space<vmem>>)
      tpu.yield
    }) : () -> ()
    "tpu.region"() ({
      %run_scoped3A = tpu.sem_alloc : memref<!tpu.dma_semaphore, #tpu.memory_space<semaphore_mem>>
      %dma_start3A_21 = tpu.memref_slice %arg5[%mul3A_2] : memref<2048xf32, #tpu.memory_space<hbm>> -> memref<64xf32, #tpu.memory_space<hbm>>
      %dma_start3A_22 = tpu.memref_slice %arg5[%mul3A_2] : memref<2048xf32, #tpu.memory_space<hbm>> -> memref<64xf32, #tpu.memory_space<hbm>>
      tpu.enqueue_dma source(%dma_start3A_22 : memref<64xf32, #tpu.memory_space<hbm>>) target(%arg12 : memref<64xf32, #tpu.memory_space<vmem>>) target_semaphore(%run_scoped3A : memref<!tpu.dma_semaphore, #tpu.memory_space<semaphore_mem>>)
      %dma_wait3A_23 = tpu.memref_slice %arg5[%mul3A_2] : memref<2048xf32, #tpu.memory_space<hbm>> -> memref<64xf32, #tpu.memory_space<hbm>>
      %dma_wait3A_24 = tpu.memref_slice %arg5[%mul3A_2] : memref<2048xf32, #tpu.memory_space<hbm>> -> memref<64xf32, #tpu.memory_space<hbm>>
      tpu.wait_dma2 semaphore(%run_scoped3A : memref<!tpu.dma_semaphore, #tpu.memory_space<semaphore_mem>>) src(%dma_wait3A_24 : memref<64xf32, #tpu.memory_space<hbm>>) dst(%arg12 : memref<64xf32, #tpu.memory_space<vmem>>)
      tpu.yield
    }) : () -> ()
    "tpu.region"() ({
      %run_scoped3A = tpu.sem_alloc : memref<!tpu.dma_semaphore, #tpu.memory_space<semaphore_mem>>
      %dma_start3A_21 = tpu.memref_slice %arg6[%mul3A_2] : memref<2048xf32, #tpu.memory_space<hbm>> -> memref<64xf32, #tpu.memory_space<hbm>>
      %dma_start3A_22 = tpu.memref_slice %arg6[%mul3A_2] : memref<2048xf32, #tpu.memory_space<hbm>> -> memref<64xf32, #tpu.memory_space<hbm>>
      tpu.enqueue_dma source(%dma_start3A_22 : memref<64xf32, #tpu.memory_space<hbm>>) target(%arg13 : memref<64xf32, #tpu.memory_space<vmem>>) target_semaphore(%run_scoped3A : memref<!tpu.dma_semaphore, #tpu.memory_space<semaphore_mem>>)
      %dma_wait3A_23 = tpu.memref_slice %arg6[%mul3A_2] : memref<2048xf32, #tpu.memory_space<hbm>> -> memref<64xf32, #tpu.memory_space<hbm>>
      %dma_wait3A_24 = tpu.memref_slice %arg6[%mul3A_2] : memref<2048xf32, #tpu.memory_space<hbm>> -> memref<64xf32, #tpu.memory_space<hbm>>
      tpu.wait_dma2 semaphore(%run_scoped3A : memref<!tpu.dma_semaphore, #tpu.memory_space<semaphore_mem>>) src(%dma_wait3A_24 : memref<64xf32, #tpu.memory_space<hbm>>) dst(%arg13 : memref<64xf32, #tpu.memory_space<vmem>>)
      tpu.yield
    }) : () -> ()
    "tpu.region"() ({
      %run_scoped3A = tpu.sem_alloc : memref<!tpu.dma_semaphore, #tpu.memory_space<semaphore_mem>>
      %dma_start3A_21 = arith.constant 0 : i32
      %dma_start3A_22 = tpu.memref_slice %arg2[%mul3A_2, %dma_start3A_21] : memref<2048x1024xf32, #tpu.memory_space<hbm>> -> memref<64x1024xf32, #tpu.memory_space<hbm>>
      %dma_start3A_23 = arith.constant 0 : i32
      %dma_start3A_24 = tpu.memref_slice %arg2[%mul3A_2, %dma_start3A_23] : memref<2048x1024xf32, #tpu.memory_space<hbm>> -> memref<64x1024xf32, #tpu.memory_space<hbm>>
      tpu.enqueue_dma source(%dma_start3A_24 : memref<64x1024xf32, #tpu.memory_space<hbm>>) target(%arg9 : memref<64x1024xf32, #tpu.memory_space<vmem>>) target_semaphore(%run_scoped3A : memref<!tpu.dma_semaphore, #tpu.memory_space<semaphore_mem>>)
      %dma_wait3A_25 = arith.constant 0 : i32
      %dma_wait3A_26 = tpu.memref_slice %arg2[%mul3A_2, %dma_wait3A_25] : memref<2048x1024xf32, #tpu.memory_space<hbm>> -> memref<64x1024xf32, #tpu.memory_space<hbm>>
      %dma_wait3A_27 = arith.constant 0 : i32
      %dma_wait3A_28 = tpu.memref_slice %arg2[%mul3A_2, %dma_wait3A_27] : memref<2048x1024xf32, #tpu.memory_space<hbm>> -> memref<64x1024xf32, #tpu.memory_space<hbm>>
      tpu.wait_dma2 semaphore(%run_scoped3A : memref<!tpu.dma_semaphore, #tpu.memory_space<semaphore_mem>>) src(%dma_wait3A_28 : memref<64x1024xf32, #tpu.memory_space<hbm>>) dst(%arg9 : memref<64x1024xf32, #tpu.memory_space<vmem>>)
      tpu.yield
    }) : () -> ()
    %dma_start3A = arith.constant 0 : i32
    %dma_start3A_3 = arith.constant 0 : i32
    %dma_start3A_4 = tpu.memref_slice %arg7[%dma_start3A, %dma_start3A_3] : memref<5120x1024xf32, #tpu.memory_space<hbm>> -> memref<5120x1024xf32, #tpu.memory_space<hbm>>
    tpu.enqueue_indirect_dma source(%arg9 : memref<64x1024xf32, #tpu.memory_space<vmem>>) target(%dma_start3A_4 : memref<5120x1024xf32, #tpu.memory_space<hbm>>) offsets(%arg10 : memref<64xi32, #tpu.memory_space<vmem>>) semaphore(%arg14 : memref<!tpu.dma_semaphore, #tpu.memory_space<semaphore_mem>>)
    %dma_start3A_5 = arith.constant 0 : i32
    %dma_start3A_6 = arith.constant 0 : i32
    %dma_start3A_7 = tpu.memref_slice %arg7[%dma_start3A_5, %dma_start3A_6] : memref<5120x1024xf32, #tpu.memory_space<hbm>> -> memref<5120x1024xf32, #tpu.memory_space<hbm>>
    tpu.enqueue_indirect_dma source(%arg9 : memref<64x1024xf32, #tpu.memory_space<vmem>>) target(%dma_start3A_7 : memref<5120x1024xf32, #tpu.memory_space<hbm>>) offsets(%arg11 : memref<64xi32, #tpu.memory_space<vmem>>) semaphore(%arg14 : memref<!tpu.dma_semaphore, #tpu.memory_space<semaphore_mem>>)
    %dma_start3A_8 = arith.constant 0 : i32
    %dma_start3A_9 = tpu.memref_slice %arg8[%dma_start3A_8] : memref<5120xf32, #tpu.memory_space<hbm>> -> memref<5120xf32, #tpu.memory_space<hbm>>
    tpu.enqueue_indirect_dma source(%arg12 : memref<64xf32, #tpu.memory_space<vmem>>) target(%dma_start3A_9 : memref<5120xf32, #tpu.memory_space<hbm>>) offsets(%arg10 : memref<64xi32, #tpu.memory_space<vmem>>) semaphore(%arg14 : memref<!tpu.dma_semaphore, #tpu.memory_space<semaphore_mem>>)
    %dma_start3A_10 = arith.constant 0 : i32
    %dma_start3A_11 = tpu.memref_slice %arg8[%dma_start3A_10] : memref<5120xf32, #tpu.memory_space<hbm>> -> memref<5120xf32, #tpu.memory_space<hbm>>
    tpu.enqueue_indirect_dma source(%arg13 : memref<64xf32, #tpu.memory_space<vmem>>) target(%dma_start3A_11 : memref<5120xf32, #tpu.memory_space<hbm>>) offsets(%arg11 : memref<64xi32, #tpu.memory_space<vmem>>) semaphore(%arg14 : memref<!tpu.dma_semaphore, #tpu.memory_space<semaphore_mem>>)
    %dma_wait3A = arith.constant 0 : i32
    %dma_wait3A_12 = arith.constant 0 : i32
    %dma_wait3A_13 = tpu.memref_slice %arg7[%dma_wait3A, %dma_wait3A_12] : memref<5120x1024xf32, #tpu.memory_space<hbm>> -> memref<5120x1024xf32, #tpu.memory_space<hbm>>
    tpu.wait_indirect_dma semaphore(%arg14 : memref<!tpu.dma_semaphore, #tpu.memory_space<semaphore_mem>>) src(%arg9 : memref<64x1024xf32, #tpu.memory_space<vmem>>) dst(%dma_wait3A_13 : memref<5120x1024xf32, #tpu.memory_space<hbm>>)
    %dma_wait3A_14 = arith.constant 0 : i32
    %dma_wait3A_15 = arith.constant 0 : i32
    %dma_wait3A_16 = tpu.memref_slice %arg7[%dma_wait3A_14, %dma_wait3A_15] : memref<5120x1024xf32, #tpu.memory_space<hbm>> -> memref<5120x1024xf32, #tpu.memory_space<hbm>>
    tpu.wait_indirect_dma semaphore(%arg14 : memref<!tpu.dma_semaphore, #tpu.memory_space<semaphore_mem>>) src(%arg9 : memref<64x1024xf32, #tpu.memory_space<vmem>>) dst(%dma_wait3A_16 : memref<5120x1024xf32, #tpu.memory_space<hbm>>)
    %dma_wait3A_17 = arith.constant 0 : i32
    %dma_wait3A_18 = tpu.memref_slice %arg8[%dma_wait3A_17] : memref<5120xf32, #tpu.memory_space<hbm>> -> memref<5120xf32, #tpu.memory_space<hbm>>
    tpu.wait_indirect_dma semaphore(%arg14 : memref<!tpu.dma_semaphore, #tpu.memory_space<semaphore_mem>>) src(%arg12 : memref<64xf32, #tpu.memory_space<vmem>>) dst(%dma_wait3A_18 : memref<5120xf32, #tpu.memory_space<hbm>>)
    %dma_wait3A_19 = arith.constant 0 : i32
    %dma_wait3A_20 = tpu.memref_slice %arg8[%dma_wait3A_19] : memref<5120xf32, #tpu.memory_space<hbm>> -> memref<5120xf32, #tpu.memory_space<hbm>>
    tpu.wait_indirect_dma semaphore(%arg14 : memref<!tpu.dma_semaphore, #tpu.memory_space<semaphore_mem>>) src(%arg13 : memref<64xf32, #tpu.memory_space<vmem>>) dst(%dma_wait3A_20 : memref<5120xf32, #tpu.memory_space<hbm>>)
    return
  }
}

module attributes {stable_mosaic.version = 14 : i64} {
  func.func @_pre_body(%arg0: i32, %arg1: memref<128x1024xf32, #tpu.memory_space<vmem>>, %arg2: memref<1024x8xf32, #tpu.memory_space<vmem>>, %arg3: memref<1x8xf32, #tpu.memory_space<vmem>>, %arg4: memref<1x1024xf32, #tpu.memory_space<vmem>>, %arg5: memref<128x1024xf32, #tpu.memory_space<vmem>>, %arg6: memref<2048x1xi32, #tpu.memory_space<vmem>>, %arg7: memref<2048x1xi32, #tpu.memory_space<vmem>>, %arg8: memref<2048x1xf32, #tpu.memory_space<vmem>>, %arg9: memref<2048x1xf32, #tpu.memory_space<vmem>>, %arg10: memref<8x64xi32, #tpu.memory_space<vmem>>, %arg11: memref<2048x8xf32, #tpu.memory_space<vmem>>) attributes {dimension_semantics = [#tpu.dimension_semantics<arbitrary>], iteration_bounds = array<i64: 16>, scalar_prefetch = 0 : i64, scratch_operands = 1 : i64, tpu.core_type = #tpu.core_type<tc>, window_params = [{transform_indices = @transform_0, window_bounds = array<i64: 128, 1024>}, {pipeline_mode = #tpu.pipeline_mode<synchronous>, transform_indices = @transform_1, window_bounds = array<i64: 1024, 8>}, {pipeline_mode = #tpu.pipeline_mode<synchronous>, transform_indices = @transform_2, window_bounds = array<i64: 1, 8>}, {pipeline_mode = #tpu.pipeline_mode<synchronous>, transform_indices = @transform_3, window_bounds = array<i64: 1, 1024>}, {transform_indices = @transform_4, window_bounds = array<i64: 128, 1024>}, {pipeline_mode = #tpu.pipeline_mode<synchronous>, transform_indices = @transform_5, window_bounds = array<i64: 2048, 1>}, {pipeline_mode = #tpu.pipeline_mode<synchronous>, transform_indices = @transform_6, window_bounds = array<i64: 2048, 1>}, {pipeline_mode = #tpu.pipeline_mode<synchronous>, transform_indices = @transform_7, window_bounds = array<i64: 2048, 1>}, {pipeline_mode = #tpu.pipeline_mode<synchronous>, transform_indices = @transform_8, window_bounds = array<i64: 2048, 1>}, {pipeline_mode = #tpu.pipeline_mode<synchronous>, transform_indices = @transform_9, window_bounds = array<i64: 8, 64>}]} {
    %get3A = arith.constant 0 : index
    %get3A_0 = arith.constant 0 : index
    %get3A_1 = vector.load %arg1[%get3A, %get3A_0] : memref<128x1024xf32, #tpu.memory_space<vmem>>, vector<128x1024xf32>
    %mul3A = arith.mulf %get3A_1, %get3A_1 : vector<128x1024xf32>
    %reduce_sum3A = arith.constant dense<0.000000e+00> : vector<128xf32>
    %reduce_sum3A_2 = vector.multi_reduction <add>, %mul3A, %reduce_sum3A [1] : vector<128x1024xf32> to vector<128xf32>
    %broadcast_in_dim3A = vector.shape_cast %reduce_sum3A_2 : vector<128xf32> to vector<128x1xf32>
    %div3A = arith.constant 1.024000e+03 : f32
    %div3A_3 = vector.broadcast %div3A : f32 to vector<128x1xf32>
    %div3A_4 = arith.divf %broadcast_in_dim3A, %div3A_3 : vector<128x1xf32>
    %add3A = arith.constant 9.99999997E-7 : f32
    %add3A_5 = vector.broadcast %add3A : f32 to vector<128x1xf32>
    %add3A_6 = arith.addf %div3A_4, %add3A_5 : vector<128x1xf32>
    %rsqrt3A = math.rsqrt %add3A_6 : vector<128x1xf32>
    %mul3A_7 = vector.broadcast %rsqrt3A : vector<128x1xf32> to vector<128x1024xf32>
    %mul3A_8 = arith.mulf %get3A_1, %mul3A_7 : vector<128x1024xf32>
    %get3A_9 = arith.constant 0 : index
    %get3A_10 = arith.constant 0 : index
    %get3A_11 = vector.load %arg4[%get3A_9, %get3A_10] : memref<1x1024xf32, #tpu.memory_space<vmem>>, vector<1x1024xf32>
    %mul3A_12 = vector.broadcast %get3A_11 : vector<1x1024xf32> to vector<128x1024xf32>
    %mul3A_13 = arith.mulf %mul3A_8, %mul3A_12 : vector<128x1024xf32>
    %swap3A = arith.constant 0 : index
    %swap3A_14 = arith.constant 0 : index
    %swap3A_15 = vector.load %arg5[%swap3A, %swap3A_14] : memref<128x1024xf32, #tpu.memory_space<vmem>>, vector<128x1024xf32>
    tpu.vector_store %arg5[%swap3A, %swap3A_14], %mul3A_13 {strides = array<i32>} : memref<128x1024xf32, #tpu.memory_space<vmem>>, vector<128x1024xf32>,
    %get3A_16 = arith.constant 0 : index
    %get3A_17 = arith.constant 0 : index
    %get3A_18 = vector.load %arg2[%get3A_16, %get3A_17] : memref<1024x8xf32, #tpu.memory_space<vmem>>, vector<1024x8xf32>
    %dot_general3A = arith.constant dense<0.000000e+00> : vector<128x8xf32>
    %dot_general3A_19 = tpu.matmul %mul3A_13, %get3A_18, %dot_general3A {dimension_numbers = #tpu.dot_dimension_numbers<[1], [0], [0], [1], [0, 0, 1, 1], [], []>, transpose_lhs_hint = false} : vector<128x1024xf32>, vector<1024x8xf32>, vector<128x8xf32> -> vector<128x8xf32>
    %mul3A_20 = arith.constant 128 : i32
    %mul3A_21 = arith.muli %arg0, %mul3A_20 : i32
    %swap3A_22 = arith.index_cast %mul3A_21 : i32 to index
    %swap3A_23 = arith.constant 0 : index
    %swap3A_24 = vector.load %arg11[%swap3A_22, %swap3A_23] : memref<2048x8xf32, #tpu.memory_space<vmem>>, vector<128x8xf32>
    tpu.vector_store %arg11[%swap3A_22, %swap3A_23], %dot_general3A_19 {strides = array<i32>} : memref<2048x8xf32, #tpu.memory_space<vmem>>, vector<128x8xf32>,
    %eq3A = arith.constant 15 : i32
    %eq3A_25 = arith.cmpi eq, %arg0, %eq3A : i32
    %convert_element_type3A = arith.extui %eq3A_25 : i1 to i32
    %cond3A = arith.constant 0 : i32
    %cond3A_26 = arith.cmpi ne, %convert_element_type3A, %cond3A : i32
    scf.if %cond3A_26 {
      %get3A_27 = arith.constant 0 : index
      %get3A_28 = arith.constant 0 : index
      %get3A_29 = vector.load %arg11[%get3A_27, %get3A_28] : memref<2048x8xf32, #tpu.memory_space<vmem>>, vector<2048x8xf32>
      %logistic3A = arith.negf %get3A_29 : vector<2048x8xf32>
      %logistic3A_30 = math.exp %logistic3A : vector<2048x8xf32>
      %logistic3A_31 = arith.constant 1.000000e+00 : f32
      %logistic3A_32 = vector.broadcast %logistic3A_31 : f32 to vector<2048x8xf32>
      %logistic3A_33 = arith.addf %logistic3A_32, %logistic3A_30 : vector<2048x8xf32>
      %logistic3A_34 = arith.divf %logistic3A_32, %logistic3A_33 : vector<2048x8xf32>
      %get3A_35 = arith.constant 0 : index
      %get3A_36 = arith.constant 0 : index
      %get3A_37 = vector.load %arg3[%get3A_35, %get3A_36] : memref<1x8xf32, #tpu.memory_space<vmem>>, vector<1x8xf32>
      %add3A_38 = vector.broadcast %get3A_37 : vector<1x8xf32> to vector<2048x8xf32>
      %add3A_39 = arith.addf %logistic3A_34, %add3A_38 : vector<2048x8xf32>
      %iota3A = tpu.iota {dimensions = array<i32: 1>} : vector<2048x8xi32>
      %reduce_max3A = arith.constant dense<0xFF800000> : vector<2048xf32>
      %reduce_max3A_40 = vector.multi_reduction <maximumf>, %add3A_39, %reduce_max3A [1] : vector<2048x8xf32> to vector<2048xf32>
      %broadcast_in_dim3A_41 = vector.shape_cast %reduce_max3A_40 : vector<2048xf32> to vector<2048x1xf32>
      %eq3A_42 = vector.broadcast %broadcast_in_dim3A_41 : vector<2048x1xf32> to vector<2048x8xf32>
      %eq3A_43 = arith.cmpf oeq, %add3A_39, %eq3A_42 : vector<2048x8xf32>
      %jit3A = arith.constant 8 : i32
      %broadcast_in_dim3A_44 = vector.broadcast %jit3A : i32 to vector<2048x8xi32>
      %select_n3A = arith.select %eq3A_43, %iota3A, %broadcast_in_dim3A_44 : vector<2048x8xi1>, vector<2048x8xi32>
      %reduce_min3A = arith.constant dense<2147483647> : vector<2048xi32>
      %reduce_min3A_45 = vector.multi_reduction <minsi>, %select_n3A, %reduce_min3A [1] : vector<2048x8xi32> to vector<2048xi32>
      %broadcast_in_dim3A_46 = vector.shape_cast %reduce_min3A_45 : vector<2048xi32> to vector<2048x1xi32>
      %eq3A_47 = vector.broadcast %broadcast_in_dim3A_46 : vector<2048x1xi32> to vector<2048x8xi32>
      %eq3A_48 = arith.cmpi eq, %iota3A, %eq3A_47 : vector<2048x8xi32>
      %jit3A_49 = arith.constant 0xFF800000 : f32
      %broadcast_in_dim3A_50 = vector.broadcast %jit3A_49 : f32 to vector<2048x8xf32>
      %select_n3A_51 = arith.select %eq3A_48, %broadcast_in_dim3A_50, %add3A_39 : vector<2048x8xi1>, vector<2048x8xf32>
      %reduce_max3A_52 = arith.constant dense<0xFF800000> : vector<2048xf32>
      %reduce_max3A_53 = vector.multi_reduction <maximumf>, %select_n3A_51, %reduce_max3A_52 [1] : vector<2048x8xf32> to vector<2048xf32>
      %broadcast_in_dim3A_54 = vector.shape_cast %reduce_max3A_53 : vector<2048xf32> to vector<2048x1xf32>
      %eq3A_55 = vector.broadcast %broadcast_in_dim3A_54 : vector<2048x1xf32> to vector<2048x8xf32>
      %eq3A_56 = arith.cmpf oeq, %select_n3A_51, %eq3A_55 : vector<2048x8xf32>
      %jit3A_57 = arith.constant 8 : i32
      %broadcast_in_dim3A_58 = vector.broadcast %jit3A_57 : i32 to vector<2048x8xi32>
      %select_n3A_59 = arith.select %eq3A_56, %iota3A, %broadcast_in_dim3A_58 : vector<2048x8xi1>, vector<2048x8xi32>
      %reduce_min3A_60 = arith.constant dense<2147483647> : vector<2048xi32>
      %reduce_min3A_61 = vector.multi_reduction <minsi>, %select_n3A_59, %reduce_min3A_60 [1] : vector<2048x8xi32> to vector<2048xi32>
      %broadcast_in_dim3A_62 = vector.shape_cast %reduce_min3A_61 : vector<2048xi32> to vector<2048x1xi32>
      %eq3A_63 = vector.broadcast %broadcast_in_dim3A_46 : vector<2048x1xi32> to vector<2048x8xi32>
      %eq3A_64 = arith.cmpi eq, %iota3A, %eq3A_63 : vector<2048x8xi32>
      %jit3A_65 = arith.constant 0.000000e+00 : f32
      %broadcast_in_dim3A_66 = vector.broadcast %jit3A_65 : f32 to vector<2048x8xf32>
      %select_n3A_67 = arith.select %eq3A_64, %logistic3A_34, %broadcast_in_dim3A_66 : vector<2048x8xi1>, vector<2048x8xf32>
      %reduce_sum3A_68 = arith.constant dense<0.000000e+00> : vector<2048xf32>
      %reduce_sum3A_69 = vector.multi_reduction <add>, %select_n3A_67, %reduce_sum3A_68 [1] : vector<2048x8xf32> to vector<2048xf32>
      %broadcast_in_dim3A_70 = vector.shape_cast %reduce_sum3A_69 : vector<2048xf32> to vector<2048x1xf32>
      %eq3A_71 = vector.broadcast %broadcast_in_dim3A_62 : vector<2048x1xi32> to vector<2048x8xi32>
      %eq3A_72 = arith.cmpi eq, %iota3A, %eq3A_71 : vector<2048x8xi32>
      %jit3A_73 = arith.constant 0.000000e+00 : f32
      %broadcast_in_dim3A_74 = vector.broadcast %jit3A_73 : f32 to vector<2048x8xf32>
      %select_n3A_75 = arith.select %eq3A_72, %logistic3A_34, %broadcast_in_dim3A_74 : vector<2048x8xi1>, vector<2048x8xf32>
      %reduce_sum3A_76 = arith.constant dense<0.000000e+00> : vector<2048xf32>
      %reduce_sum3A_77 = vector.multi_reduction <add>, %select_n3A_75, %reduce_sum3A_76 [1] : vector<2048x8xf32> to vector<2048xf32>
      %broadcast_in_dim3A_78 = vector.shape_cast %reduce_sum3A_77 : vector<2048xf32> to vector<2048x1xf32>
      %add3A_79 = arith.addf %broadcast_in_dim3A_70, %broadcast_in_dim3A_78 : vector<2048x1xf32>
      %add3A_80 = arith.constant 9.99999968E-21 : f32
      %add3A_81 = vector.broadcast %add3A_80 : f32 to vector<2048x1xf32>
      %add3A_82 = arith.addf %add3A_79, %add3A_81 : vector<2048x1xf32>
      %div3A_83 = arith.divf %broadcast_in_dim3A_70, %add3A_82 : vector<2048x1xf32>
      %mul3A_84 = arith.constant 2.500000e+00 : f32
      %mul3A_85 = vector.broadcast %mul3A_84 : f32 to vector<2048x1xf32>
      %mul3A_86 = arith.mulf %div3A_83, %mul3A_85 : vector<2048x1xf32>
      %swap3A_87 = arith.constant 0 : index
      %swap3A_88 = arith.constant 0 : index
      %swap3A_89 = vector.load %arg8[%swap3A_87, %swap3A_88] : memref<2048x1xf32, #tpu.memory_space<vmem>>, vector<2048x1xf32>
      tpu.vector_store %arg8[%swap3A_87, %swap3A_88], %mul3A_86 {strides = array<i32>} : memref<2048x1xf32, #tpu.memory_space<vmem>>, vector<2048x1xf32>,
      %div3A_90 = arith.divf %broadcast_in_dim3A_78, %add3A_82 : vector<2048x1xf32>
      %mul3A_91 = arith.constant 2.500000e+00 : f32
      %mul3A_92 = vector.broadcast %mul3A_91 : f32 to vector<2048x1xf32>
      %mul3A_93 = arith.mulf %div3A_90, %mul3A_92 : vector<2048x1xf32>
      %swap3A_94 = arith.constant 0 : index
      %swap3A_95 = arith.constant 0 : index
      %swap3A_96 = vector.load %arg9[%swap3A_94, %swap3A_95] : memref<2048x1xf32, #tpu.memory_space<vmem>>, vector<2048x1xf32>
      tpu.vector_store %arg9[%swap3A_94, %swap3A_95], %mul3A_93 {strides = array<i32>} : memref<2048x1xf32, #tpu.memory_space<vmem>>, vector<2048x1xf32>,
      %eq3A_97 = vector.broadcast %broadcast_in_dim3A_46 : vector<2048x1xi32> to vector<2048x8xi32>
      %eq3A_98 = arith.cmpi eq, %iota3A, %eq3A_97 : vector<2048x8xi32>
      %jit3A_99 = arith.constant 1.000000e+00 : f32
      %jit3A_100 = arith.constant 0.000000e+00 : f32
      %broadcast_in_dim3A_101 = vector.broadcast %jit3A_99 : f32 to vector<2048x8xf32>
      %broadcast_in_dim3A_102 = vector.broadcast %jit3A_100 : f32 to vector<2048x8xf32>
      %select_n3A_103 = arith.select %eq3A_98, %broadcast_in_dim3A_101, %broadcast_in_dim3A_102 : vector<2048x8xi1>, vector<2048x8xf32>
      %eq3A_104 = vector.broadcast %broadcast_in_dim3A_62 : vector<2048x1xi32> to vector<2048x8xi32>
      %eq3A_105 = arith.cmpi eq, %iota3A, %eq3A_104 : vector<2048x8xi32>
      %jit3A_106 = arith.constant 1.000000e+00 : f32
      %jit3A_107 = arith.constant 0.000000e+00 : f32
      %broadcast_in_dim3A_108 = vector.broadcast %jit3A_106 : f32 to vector<2048x8xf32>
      %broadcast_in_dim3A_109 = vector.broadcast %jit3A_107 : f32 to vector<2048x8xf32>
      %select_n3A_110 = arith.select %eq3A_105, %broadcast_in_dim3A_108, %broadcast_in_dim3A_109 : vector<2048x8xi1>, vector<2048x8xf32>
      %add3A_111 = arith.addf %select_n3A_103, %select_n3A_110 : vector<2048x8xf32>
      %iota3A_112 = tpu.iota {dimensions = array<i32: 1>} : vector<256x2048xi32>
      %iota3A_113 = tpu.iota {dimensions = array<i32: 0>} : vector<256x2048xi32>
      %add3A_114 = arith.constant 0 : i32
      %add3A_115 = vector.broadcast %add3A_114 : i32 to vector<256x2048xi32>
      %add3A_116 = arith.addi %iota3A_113, %add3A_115 : vector<256x2048xi32>
      %lt3A = arith.cmpi slt, %iota3A_112, %add3A_116 : vector<256x2048xi32>
      %jit3A_117 = arith.constant 1.000000e+00 : f32
      %jit3A_118 = arith.constant 0.000000e+00 : f32
      %broadcast_in_dim3A_119 = vector.broadcast %jit3A_117 : f32 to vector<256x2048xf32>
      %broadcast_in_dim3A_120 = vector.broadcast %jit3A_118 : f32 to vector<256x2048xf32>
      %select_n3A_121 = arith.select %lt3A, %broadcast_in_dim3A_119, %broadcast_in_dim3A_120 : vector<256x2048xi1>, vector<256x2048xf32>
      %dot_general3A_122 = arith.constant dense<0.000000e+00> : vector<256x8xf32>
      %dot_general3A_123 = tpu.matmul %select_n3A_121, %add3A_111, %dot_general3A_122 {dimension_numbers = #tpu.dot_dimension_numbers<[1], [0], [0], [1], [0, 0, 1, 1], [], []>, transpose_lhs_hint = false} : vector<256x2048xf32>, vector<2048x8xf32>, vector<256x8xf32> -> vector<256x8xf32>
      %slice3A = vector.extract_strided_slice %iota3A {offsets = [0, 0], sizes = [256, 8], strides = [1, 1]} : vector<2048x8xi32> to vector<256x8xi32>
      %slice3A_124 = vector.extract_strided_slice %broadcast_in_dim3A_46 {offsets = [0, 0], sizes = [256, 1], strides = [1, 1]} : vector<2048x1xi32> to vector<256x1xi32>
      %eq3A_125 = vector.broadcast %slice3A_124 : vector<256x1xi32> to vector<256x8xi32>
      %eq3A_126 = arith.cmpi eq, %slice3A, %eq3A_125 : vector<256x8xi32>
      %jit3A_127 = arith.constant 0.000000e+00 : f32
      %broadcast_in_dim3A_128 = vector.broadcast %jit3A_127 : f32 to vector<256x8xf32>
      %select_n3A_129 = arith.select %eq3A_126, %dot_general3A_123, %broadcast_in_dim3A_128 : vector<256x8xi1>, vector<256x8xf32>
      %reduce_sum3A_130 = arith.constant dense<0.000000e+00> : vector<256xf32>
      %reduce_sum3A_131 = vector.multi_reduction <add>, %select_n3A_129, %reduce_sum3A_130 [1] : vector<256x8xf32> to vector<256xf32>
      %broadcast_in_dim3A_132 = vector.shape_cast %reduce_sum3A_131 : vector<256xf32> to vector<256x1xf32>
      %slice3A_133 = vector.extract_strided_slice %iota3A {offsets = [0, 0], sizes = [256, 8], strides = [1, 1]} : vector<2048x8xi32> to vector<256x8xi32>
      %slice3A_134 = vector.extract_strided_slice %broadcast_in_dim3A_62 {offsets = [0, 0], sizes = [256, 1], strides = [1, 1]} : vector<2048x1xi32> to vector<256x1xi32>
      %eq3A_135 = vector.broadcast %slice3A_134 : vector<256x1xi32> to vector<256x8xi32>
      %eq3A_136 = arith.cmpi eq, %slice3A_133, %eq3A_135 : vector<256x8xi32>
      %jit3A_137 = arith.constant 0.000000e+00 : f32
      %broadcast_in_dim3A_138 = vector.broadcast %jit3A_137 : f32 to vector<256x8xf32>
      %select_n3A_139 = arith.select %eq3A_136, %dot_general3A_123, %broadcast_in_dim3A_138 : vector<256x8xi1>, vector<256x8xf32>
      %reduce_sum3A_140 = arith.constant dense<0.000000e+00> : vector<256xf32>
      %reduce_sum3A_141 = vector.multi_reduction <add>, %select_n3A_139, %reduce_sum3A_140 [1] : vector<256x8xf32> to vector<256xf32>
      %broadcast_in_dim3A_142 = vector.shape_cast %reduce_sum3A_141 : vector<256xf32> to vector<256x1xf32>
      %add3A_143 = arith.constant 256 : i32
      %add3A_144 = vector.broadcast %add3A_143 : i32 to vector<256x2048xi32>
      %add3A_145 = arith.addi %iota3A_113, %add3A_144 : vector<256x2048xi32>
      %lt3A_146 = arith.cmpi slt, %iota3A_112, %add3A_145 : vector<256x2048xi32>
      %jit3A_147 = arith.constant 1.000000e+00 : f32
      %jit3A_148 = arith.constant 0.000000e+00 : f32
      %broadcast_in_dim3A_149 = vector.broadcast %jit3A_147 : f32 to vector<256x2048xf32>
      %broadcast_in_dim3A_150 = vector.broadcast %jit3A_148 : f32 to vector<256x2048xf32>
      %select_n3A_151 = arith.select %lt3A_146, %broadcast_in_dim3A_149, %broadcast_in_dim3A_150 : vector<256x2048xi1>, vector<256x2048xf32>
      %dot_general3A_152 = arith.constant dense<0.000000e+00> : vector<256x8xf32>
      %dot_general3A_153 = tpu.matmul %select_n3A_151, %add3A_111, %dot_general3A_152 {dimension_numbers = #tpu.dot_dimension_numbers<[1], [0], [0], [1], [0, 0, 1, 1], [], []>, transpose_lhs_hint = false} : vector<256x2048xf32>, vector<2048x8xf32>, vector<256x8xf32> -> vector<256x8xf32>
      %slice3A_154 = vector.extract_strided_slice %iota3A {offsets = [256, 0], sizes = [256, 8], strides = [1, 1]} : vector<2048x8xi32> to vector<256x8xi32>
      %slice3A_155 = vector.extract_strided_slice %broadcast_in_dim3A_46 {offsets = [256, 0], sizes = [256, 1], strides = [1, 1]} : vector<2048x1xi32> to vector<256x1xi32>
      %eq3A_156 = vector.broadcast %slice3A_155 : vector<256x1xi32> to vector<256x8xi32>
      %eq3A_157 = arith.cmpi eq, %slice3A_154, %eq3A_156 : vector<256x8xi32>
      %jit3A_158 = arith.constant 0.000000e+00 : f32
      %broadcast_in_dim3A_159 = vector.broadcast %jit3A_158 : f32 to vector<256x8xf32>
      %select_n3A_160 = arith.select %eq3A_157, %dot_general3A_153, %broadcast_in_dim3A_159 : vector<256x8xi1>, vector<256x8xf32>
      %reduce_sum3A_161 = arith.constant dense<0.000000e+00> : vector<256xf32>
      %reduce_sum3A_162 = vector.multi_reduction <add>, %select_n3A_160, %reduce_sum3A_161 [1] : vector<256x8xf32> to vector<256xf32>
      %broadcast_in_dim3A_163 = vector.shape_cast %reduce_sum3A_162 : vector<256xf32> to vector<256x1xf32>
      %slice3A_164 = vector.extract_strided_slice %iota3A {offsets = [256, 0], sizes = [256, 8], strides = [1, 1]} : vector<2048x8xi32> to vector<256x8xi32>
      %slice3A_165 = vector.extract_strided_slice %broadcast_in_dim3A_62 {offsets = [256, 0], sizes = [256, 1], strides = [1, 1]} : vector<2048x1xi32> to vector<256x1xi32>
      %eq3A_166 = vector.broadcast %slice3A_165 : vector<256x1xi32> to vector<256x8xi32>
      %eq3A_167 = arith.cmpi eq, %slice3A_164, %eq3A_166 : vector<256x8xi32>
      %jit3A_168 = arith.constant 0.000000e+00 : f32
      %broadcast_in_dim3A_169 = vector.broadcast %jit3A_168 : f32 to vector<256x8xf32>
      %select_n3A_170 = arith.select %eq3A_167, %dot_general3A_153, %broadcast_in_dim3A_169 : vector<256x8xi1>, vector<256x8xf32>
      %reduce_sum3A_171 = arith.constant dense<0.000000e+00> : vector<256xf32>
      %reduce_sum3A_172 = vector.multi_reduction <add>, %select_n3A_170, %reduce_sum3A_171 [1] : vector<256x8xf32> to vector<256xf32>
      %broadcast_in_dim3A_173 = vector.shape_cast %reduce_sum3A_172 : vector<256xf32> to vector<256x1xf32>
      %add3A_174 = arith.constant 512 : i32
      %add3A_175 = vector.broadcast %add3A_174 : i32 to vector<256x2048xi32>
      %add3A_176 = arith.addi %iota3A_113, %add3A_175 : vector<256x2048xi32>
      %lt3A_177 = arith.cmpi slt, %iota3A_112, %add3A_176 : vector<256x2048xi32>
      %jit3A_178 = arith.constant 1.000000e+00 : f32
      %jit3A_179 = arith.constant 0.000000e+00 : f32
      %broadcast_in_dim3A_180 = vector.broadcast %jit3A_178 : f32 to vector<256x2048xf32>
      %broadcast_in_dim3A_181 = vector.broadcast %jit3A_179 : f32 to vector<256x2048xf32>
      %select_n3A_182 = arith.select %lt3A_177, %broadcast_in_dim3A_180, %broadcast_in_dim3A_181 : vector<256x2048xi1>, vector<256x2048xf32>
      %dot_general3A_183 = arith.constant dense<0.000000e+00> : vector<256x8xf32>
      %dot_general3A_184 = tpu.matmul %select_n3A_182, %add3A_111, %dot_general3A_183 {dimension_numbers = #tpu.dot_dimension_numbers<[1], [0], [0], [1], [0, 0, 1, 1], [], []>, transpose_lhs_hint = false} : vector<256x2048xf32>, vector<2048x8xf32>, vector<256x8xf32> -> vector<256x8xf32>
      %slice3A_185 = vector.extract_strided_slice %iota3A {offsets = [512, 0], sizes = [256, 8], strides = [1, 1]} : vector<2048x8xi32> to vector<256x8xi32>
      %slice3A_186 = vector.extract_strided_slice %broadcast_in_dim3A_46 {offsets = [512, 0], sizes = [256, 1], strides = [1, 1]} : vector<2048x1xi32> to vector<256x1xi32>
      %eq3A_187 = vector.broadcast %slice3A_186 : vector<256x1xi32> to vector<256x8xi32>
      %eq3A_188 = arith.cmpi eq, %slice3A_185, %eq3A_187 : vector<256x8xi32>
      %jit3A_189 = arith.constant 0.000000e+00 : f32
      %broadcast_in_dim3A_190 = vector.broadcast %jit3A_189 : f32 to vector<256x8xf32>
      %select_n3A_191 = arith.select %eq3A_188, %dot_general3A_184, %broadcast_in_dim3A_190 : vector<256x8xi1>, vector<256x8xf32>
      %reduce_sum3A_192 = arith.constant dense<0.000000e+00> : vector<256xf32>
      %reduce_sum3A_193 = vector.multi_reduction <add>, %select_n3A_191, %reduce_sum3A_192 [1] : vector<256x8xf32> to vector<256xf32>
      %broadcast_in_dim3A_194 = vector.shape_cast %reduce_sum3A_193 : vector<256xf32> to vector<256x1xf32>
      %slice3A_195 = vector.extract_strided_slice %iota3A {offsets = [512, 0], sizes = [256, 8], strides = [1, 1]} : vector<2048x8xi32> to vector<256x8xi32>
      %slice3A_196 = vector.extract_strided_slice %broadcast_in_dim3A_62 {offsets = [512, 0], sizes = [256, 1], strides = [1, 1]} : vector<2048x1xi32> to vector<256x1xi32>
      %eq3A_197 = vector.broadcast %slice3A_196 : vector<256x1xi32> to vector<256x8xi32>
      %eq3A_198 = arith.cmpi eq, %slice3A_195, %eq3A_197 : vector<256x8xi32>
      %jit3A_199 = arith.constant 0.000000e+00 : f32
      %broadcast_in_dim3A_200 = vector.broadcast %jit3A_199 : f32 to vector<256x8xf32>
      %select_n3A_201 = arith.select %eq3A_198, %dot_general3A_184, %broadcast_in_dim3A_200 : vector<256x8xi1>, vector<256x8xf32>
      %reduce_sum3A_202 = arith.constant dense<0.000000e+00> : vector<256xf32>
      %reduce_sum3A_203 = vector.multi_reduction <add>, %select_n3A_201, %reduce_sum3A_202 [1] : vector<256x8xf32> to vector<256xf32>
      %broadcast_in_dim3A_204 = vector.shape_cast %reduce_sum3A_203 : vector<256xf32> to vector<256x1xf32>
      %add3A_205 = arith.constant 768 : i32
      %add3A_206 = vector.broadcast %add3A_205 : i32 to vector<256x2048xi32>
      %add3A_207 = arith.addi %iota3A_113, %add3A_206 : vector<256x2048xi32>
      %lt3A_208 = arith.cmpi slt, %iota3A_112, %add3A_207 : vector<256x2048xi32>
      %jit3A_209 = arith.constant 1.000000e+00 : f32
      %jit3A_210 = arith.constant 0.000000e+00 : f32
      %broadcast_in_dim3A_211 = vector.broadcast %jit3A_209 : f32 to vector<256x2048xf32>
      %broadcast_in_dim3A_212 = vector.broadcast %jit3A_210 : f32 to vector<256x2048xf32>
      %select_n3A_213 = arith.select %lt3A_208, %broadcast_in_dim3A_211, %broadcast_in_dim3A_212 : vector<256x2048xi1>, vector<256x2048xf32>
      %dot_general3A_214 = arith.constant dense<0.000000e+00> : vector<256x8xf32>
      %dot_general3A_215 = tpu.matmul %select_n3A_213, %add3A_111, %dot_general3A_214 {dimension_numbers = #tpu.dot_dimension_numbers<[1], [0], [0], [1], [0, 0, 1, 1], [], []>, transpose_lhs_hint = false} : vector<256x2048xf32>, vector<2048x8xf32>, vector<256x8xf32> -> vector<256x8xf32>
      %slice3A_216 = vector.extract_strided_slice %iota3A {offsets = [768, 0], sizes = [256, 8], strides = [1, 1]} : vector<2048x8xi32> to vector<256x8xi32>
      %slice3A_217 = vector.extract_strided_slice %broadcast_in_dim3A_46 {offsets = [768, 0], sizes = [256, 1], strides = [1, 1]} : vector<2048x1xi32> to vector<256x1xi32>
      %eq3A_218 = vector.broadcast %slice3A_217 : vector<256x1xi32> to vector<256x8xi32>
      %eq3A_219 = arith.cmpi eq, %slice3A_216, %eq3A_218 : vector<256x8xi32>
      %jit3A_220 = arith.constant 0.000000e+00 : f32
      %broadcast_in_dim3A_221 = vector.broadcast %jit3A_220 : f32 to vector<256x8xf32>
      %select_n3A_222 = arith.select %eq3A_219, %dot_general3A_215, %broadcast_in_dim3A_221 : vector<256x8xi1>, vector<256x8xf32>
      %reduce_sum3A_223 = arith.constant dense<0.000000e+00> : vector<256xf32>
      %reduce_sum3A_224 = vector.multi_reduction <add>, %select_n3A_222, %reduce_sum3A_223 [1] : vector<256x8xf32> to vector<256xf32>
      %broadcast_in_dim3A_225 = vector.shape_cast %reduce_sum3A_224 : vector<256xf32> to vector<256x1xf32>
      %slice3A_226 = vector.extract_strided_slice %iota3A {offsets = [768, 0], sizes = [256, 8], strides = [1, 1]} : vector<2048x8xi32> to vector<256x8xi32>
      %slice3A_227 = vector.extract_strided_slice %broadcast_in_dim3A_62 {offsets = [768, 0], sizes = [256, 1], strides = [1, 1]} : vector<2048x1xi32> to vector<256x1xi32>
      %eq3A_228 = vector.broadcast %slice3A_227 : vector<256x1xi32> to vector<256x8xi32>
      %eq3A_229 = arith.cmpi eq, %slice3A_226, %eq3A_228 : vector<256x8xi32>
      %jit3A_230 = arith.constant 0.000000e+00 : f32
      %broadcast_in_dim3A_231 = vector.broadcast %jit3A_230 : f32 to vector<256x8xf32>
      %select_n3A_232 = arith.select %eq3A_229, %dot_general3A_215, %broadcast_in_dim3A_231 : vector<256x8xi1>, vector<256x8xf32>
      %reduce_sum3A_233 = arith.constant dense<0.000000e+00> : vector<256xf32>
      %reduce_sum3A_234 = vector.multi_reduction <add>, %select_n3A_232, %reduce_sum3A_233 [1] : vector<256x8xf32> to vector<256xf32>
      %broadcast_in_dim3A_235 = vector.shape_cast %reduce_sum3A_234 : vector<256xf32> to vector<256x1xf32>
      %add3A_236 = arith.constant 1024 : i32
      %add3A_237 = vector.broadcast %add3A_236 : i32 to vector<256x2048xi32>
      %add3A_238 = arith.addi %iota3A_113, %add3A_237 : vector<256x2048xi32>
      %lt3A_239 = arith.cmpi slt, %iota3A_112, %add3A_238 : vector<256x2048xi32>
      %jit3A_240 = arith.constant 1.000000e+00 : f32
      %jit3A_241 = arith.constant 0.000000e+00 : f32
      %broadcast_in_dim3A_242 = vector.broadcast %jit3A_240 : f32 to vector<256x2048xf32>
      %broadcast_in_dim3A_243 = vector.broadcast %jit3A_241 : f32 to vector<256x2048xf32>
      %select_n3A_244 = arith.select %lt3A_239, %broadcast_in_dim3A_242, %broadcast_in_dim3A_243 : vector<256x2048xi1>, vector<256x2048xf32>
      %dot_general3A_245 = arith.constant dense<0.000000e+00> : vector<256x8xf32>
      %dot_general3A_246 = tpu.matmul %select_n3A_244, %add3A_111, %dot_general3A_245 {dimension_numbers = #tpu.dot_dimension_numbers<[1], [0], [0], [1], [0, 0, 1, 1], [], []>, transpose_lhs_hint = false} : vector<256x2048xf32>, vector<2048x8xf32>, vector<256x8xf32> -> vector<256x8xf32>
      %slice3A_247 = vector.extract_strided_slice %iota3A {offsets = [1024, 0], sizes = [256, 8], strides = [1, 1]} : vector<2048x8xi32> to vector<256x8xi32>
      %slice3A_248 = vector.extract_strided_slice %broadcast_in_dim3A_46 {offsets = [1024, 0], sizes = [256, 1], strides = [1, 1]} : vector<2048x1xi32> to vector<256x1xi32>
      %eq3A_249 = vector.broadcast %slice3A_248 : vector<256x1xi32> to vector<256x8xi32>
      %eq3A_250 = arith.cmpi eq, %slice3A_247, %eq3A_249 : vector<256x8xi32>
      %jit3A_251 = arith.constant 0.000000e+00 : f32
      %broadcast_in_dim3A_252 = vector.broadcast %jit3A_251 : f32 to vector<256x8xf32>
      %select_n3A_253 = arith.select %eq3A_250, %dot_general3A_246, %broadcast_in_dim3A_252 : vector<256x8xi1>, vector<256x8xf32>
      %reduce_sum3A_254 = arith.constant dense<0.000000e+00> : vector<256xf32>
      %reduce_sum3A_255 = vector.multi_reduction <add>, %select_n3A_253, %reduce_sum3A_254 [1] : vector<256x8xf32> to vector<256xf32>
      %broadcast_in_dim3A_256 = vector.shape_cast %reduce_sum3A_255 : vector<256xf32> to vector<256x1xf32>
      %slice3A_257 = vector.extract_strided_slice %iota3A {offsets = [1024, 0], sizes = [256, 8], strides = [1, 1]} : vector<2048x8xi32> to vector<256x8xi32>
      %slice3A_258 = vector.extract_strided_slice %broadcast_in_dim3A_62 {offsets = [1024, 0], sizes = [256, 1], strides = [1, 1]} : vector<2048x1xi32> to vector<256x1xi32>
      %eq3A_259 = vector.broadcast %slice3A_258 : vector<256x1xi32> to vector<256x8xi32>
      %eq3A_260 = arith.cmpi eq, %slice3A_257, %eq3A_259 : vector<256x8xi32>
      %jit3A_261 = arith.constant 0.000000e+00 : f32
      %broadcast_in_dim3A_262 = vector.broadcast %jit3A_261 : f32 to vector<256x8xf32>
      %select_n3A_263 = arith.select %eq3A_260, %dot_general3A_246, %broadcast_in_dim3A_262 : vector<256x8xi1>, vector<256x8xf32>
      %reduce_sum3A_264 = arith.constant dense<0.000000e+00> : vector<256xf32>
      %reduce_sum3A_265 = vector.multi_reduction <add>, %select_n3A_263, %reduce_sum3A_264 [1] : vector<256x8xf32> to vector<256xf32>
      %broadcast_in_dim3A_266 = vector.shape_cast %reduce_sum3A_265 : vector<256xf32> to vector<256x1xf32>
      %add3A_267 = arith.constant 1280 : i32
      %add3A_268 = vector.broadcast %add3A_267 : i32 to vector<256x2048xi32>
      %add3A_269 = arith.addi %iota3A_113, %add3A_268 : vector<256x2048xi32>
      %lt3A_270 = arith.cmpi slt, %iota3A_112, %add3A_269 : vector<256x2048xi32>
      %jit3A_271 = arith.constant 1.000000e+00 : f32
      %jit3A_272 = arith.constant 0.000000e+00 : f32
      %broadcast_in_dim3A_273 = vector.broadcast %jit3A_271 : f32 to vector<256x2048xf32>
      %broadcast_in_dim3A_274 = vector.broadcast %jit3A_272 : f32 to vector<256x2048xf32>
      %select_n3A_275 = arith.select %lt3A_270, %broadcast_in_dim3A_273, %broadcast_in_dim3A_274 : vector<256x2048xi1>, vector<256x2048xf32>
      %dot_general3A_276 = arith.constant dense<0.000000e+00> : vector<256x8xf32>
      %dot_general3A_277 = tpu.matmul %select_n3A_275, %add3A_111, %dot_general3A_276 {dimension_numbers = #tpu.dot_dimension_numbers<[1], [0], [0], [1], [0, 0, 1, 1], [], []>, transpose_lhs_hint = false} : vector<256x2048xf32>, vector<2048x8xf32>, vector<256x8xf32> -> vector<256x8xf32>
      %slice3A_278 = vector.extract_strided_slice %iota3A {offsets = [1280, 0], sizes = [256, 8], strides = [1, 1]} : vector<2048x8xi32> to vector<256x8xi32>
      %slice3A_279 = vector.extract_strided_slice %broadcast_in_dim3A_46 {offsets = [1280, 0], sizes = [256, 1], strides = [1, 1]} : vector<2048x1xi32> to vector<256x1xi32>
      %eq3A_280 = vector.broadcast %slice3A_279 : vector<256x1xi32> to vector<256x8xi32>
      %eq3A_281 = arith.cmpi eq, %slice3A_278, %eq3A_280 : vector<256x8xi32>
      %jit3A_282 = arith.constant 0.000000e+00 : f32
      %broadcast_in_dim3A_283 = vector.broadcast %jit3A_282 : f32 to vector<256x8xf32>
      %select_n3A_284 = arith.select %eq3A_281, %dot_general3A_277, %broadcast_in_dim3A_283 : vector<256x8xi1>, vector<256x8xf32>
      %reduce_sum3A_285 = arith.constant dense<0.000000e+00> : vector<256xf32>
      %reduce_sum3A_286 = vector.multi_reduction <add>, %select_n3A_284, %reduce_sum3A_285 [1] : vector<256x8xf32> to vector<256xf32>
      %broadcast_in_dim3A_287 = vector.shape_cast %reduce_sum3A_286 : vector<256xf32> to vector<256x1xf32>
      %slice3A_288 = vector.extract_strided_slice %iota3A {offsets = [1280, 0], sizes = [256, 8], strides = [1, 1]} : vector<2048x8xi32> to vector<256x8xi32>
      %slice3A_289 = vector.extract_strided_slice %broadcast_in_dim3A_62 {offsets = [1280, 0], sizes = [256, 1], strides = [1, 1]} : vector<2048x1xi32> to vector<256x1xi32>
      %eq3A_290 = vector.broadcast %slice3A_289 : vector<256x1xi32> to vector<256x8xi32>
      %eq3A_291 = arith.cmpi eq, %slice3A_288, %eq3A_290 : vector<256x8xi32>
      %jit3A_292 = arith.constant 0.000000e+00 : f32
      %broadcast_in_dim3A_293 = vector.broadcast %jit3A_292 : f32 to vector<256x8xf32>
      %select_n3A_294 = arith.select %eq3A_291, %dot_general3A_277, %broadcast_in_dim3A_293 : vector<256x8xi1>, vector<256x8xf32>
      %reduce_sum3A_295 = arith.constant dense<0.000000e+00> : vector<256xf32>
      %reduce_sum3A_296 = vector.multi_reduction <add>, %select_n3A_294, %reduce_sum3A_295 [1] : vector<256x8xf32> to vector<256xf32>
      %broadcast_in_dim3A_297 = vector.shape_cast %reduce_sum3A_296 : vector<256xf32> to vector<256x1xf32>
      %add3A_298 = arith.constant 1536 : i32
      %add3A_299 = vector.broadcast %add3A_298 : i32 to vector<256x2048xi32>
      %add3A_300 = arith.addi %iota3A_113, %add3A_299 : vector<256x2048xi32>
      %lt3A_301 = arith.cmpi slt, %iota3A_112, %add3A_300 : vector<256x2048xi32>
      %jit3A_302 = arith.constant 1.000000e+00 : f32
      %jit3A_303 = arith.constant 0.000000e+00 : f32
      %broadcast_in_dim3A_304 = vector.broadcast %jit3A_302 : f32 to vector<256x2048xf32>
      %broadcast_in_dim3A_305 = vector.broadcast %jit3A_303 : f32 to vector<256x2048xf32>
      %select_n3A_306 = arith.select %lt3A_301, %broadcast_in_dim3A_304, %broadcast_in_dim3A_305 : vector<256x2048xi1>, vector<256x2048xf32>
      %dot_general3A_307 = arith.constant dense<0.000000e+00> : vector<256x8xf32>
      %dot_general3A_308 = tpu.matmul %select_n3A_306, %add3A_111, %dot_general3A_307 {dimension_numbers = #tpu.dot_dimension_numbers<[1], [0], [0], [1], [0, 0, 1, 1], [], []>, transpose_lhs_hint = false} : vector<256x2048xf32>, vector<2048x8xf32>, vector<256x8xf32> -> vector<256x8xf32>
      %slice3A_309 = vector.extract_strided_slice %iota3A {offsets = [1536, 0], sizes = [256, 8], strides = [1, 1]} : vector<2048x8xi32> to vector<256x8xi32>
      %slice3A_310 = vector.extract_strided_slice %broadcast_in_dim3A_46 {offsets = [1536, 0], sizes = [256, 1], strides = [1, 1]} : vector<2048x1xi32> to vector<256x1xi32>
      %eq3A_311 = vector.broadcast %slice3A_310 : vector<256x1xi32> to vector<256x8xi32>
      %eq3A_312 = arith.cmpi eq, %slice3A_309, %eq3A_311 : vector<256x8xi32>
      %jit3A_313 = arith.constant 0.000000e+00 : f32
      %broadcast_in_dim3A_314 = vector.broadcast %jit3A_313 : f32 to vector<256x8xf32>
      %select_n3A_315 = arith.select %eq3A_312, %dot_general3A_308, %broadcast_in_dim3A_314 : vector<256x8xi1>, vector<256x8xf32>
      %reduce_sum3A_316 = arith.constant dense<0.000000e+00> : vector<256xf32>
      %reduce_sum3A_317 = vector.multi_reduction <add>, %select_n3A_315, %reduce_sum3A_316 [1] : vector<256x8xf32> to vector<256xf32>
      %broadcast_in_dim3A_318 = vector.shape_cast %reduce_sum3A_317 : vector<256xf32> to vector<256x1xf32>
      %slice3A_319 = vector.extract_strided_slice %iota3A {offsets = [1536, 0], sizes = [256, 8], strides = [1, 1]} : vector<2048x8xi32> to vector<256x8xi32>
      %slice3A_320 = vector.extract_strided_slice %broadcast_in_dim3A_62 {offsets = [1536, 0], sizes = [256, 1], strides = [1, 1]} : vector<2048x1xi32> to vector<256x1xi32>
      %eq3A_321 = vector.broadcast %slice3A_320 : vector<256x1xi32> to vector<256x8xi32>
      %eq3A_322 = arith.cmpi eq, %slice3A_319, %eq3A_321 : vector<256x8xi32>
      %jit3A_323 = arith.constant 0.000000e+00 : f32
      %broadcast_in_dim3A_324 = vector.broadcast %jit3A_323 : f32 to vector<256x8xf32>
      %select_n3A_325 = arith.select %eq3A_322, %dot_general3A_308, %broadcast_in_dim3A_324 : vector<256x8xi1>, vector<256x8xf32>
      %reduce_sum3A_326 = arith.constant dense<0.000000e+00> : vector<256xf32>
      %reduce_sum3A_327 = vector.multi_reduction <add>, %select_n3A_325, %reduce_sum3A_326 [1] : vector<256x8xf32> to vector<256xf32>
      %broadcast_in_dim3A_328 = vector.shape_cast %reduce_sum3A_327 : vector<256xf32> to vector<256x1xf32>
      %add3A_329 = arith.constant 1792 : i32
      %add3A_330 = vector.broadcast %add3A_329 : i32 to vector<256x2048xi32>
      %add3A_331 = arith.addi %iota3A_113, %add3A_330 : vector<256x2048xi32>
      %lt3A_332 = arith.cmpi slt, %iota3A_112, %add3A_331 : vector<256x2048xi32>
      %jit3A_333 = arith.constant 1.000000e+00 : f32
      %jit3A_334 = arith.constant 0.000000e+00 : f32
      %broadcast_in_dim3A_335 = vector.broadcast %jit3A_333 : f32 to vector<256x2048xf32>
      %broadcast_in_dim3A_336 = vector.broadcast %jit3A_334 : f32 to vector<256x2048xf32>
      %select_n3A_337 = arith.select %lt3A_332, %broadcast_in_dim3A_335, %broadcast_in_dim3A_336 : vector<256x2048xi1>, vector<256x2048xf32>
      %dot_general3A_338 = arith.constant dense<0.000000e+00> : vector<256x8xf32>
      %dot_general3A_339 = tpu.matmul %select_n3A_337, %add3A_111, %dot_general3A_338 {dimension_numbers = #tpu.dot_dimension_numbers<[1], [0], [0], [1], [0, 0, 1, 1], [], []>, transpose_lhs_hint = false} : vector<256x2048xf32>, vector<2048x8xf32>, vector<256x8xf32> -> vector<256x8xf32>
      %slice3A_340 = vector.extract_strided_slice %iota3A {offsets = [1792, 0], sizes = [256, 8], strides = [1, 1]} : vector<2048x8xi32> to vector<256x8xi32>
      %slice3A_341 = vector.extract_strided_slice %broadcast_in_dim3A_46 {offsets = [1792, 0], sizes = [256, 1], strides = [1, 1]} : vector<2048x1xi32> to vector<256x1xi32>
      %eq3A_342 = vector.broadcast %slice3A_341 : vector<256x1xi32> to vector<256x8xi32>
      %eq3A_343 = arith.cmpi eq, %slice3A_340, %eq3A_342 : vector<256x8xi32>
      %jit3A_344 = arith.constant 0.000000e+00 : f32
      %broadcast_in_dim3A_345 = vector.broadcast %jit3A_344 : f32 to vector<256x8xf32>
      %select_n3A_346 = arith.select %eq3A_343, %dot_general3A_339, %broadcast_in_dim3A_345 : vector<256x8xi1>, vector<256x8xf32>
      %reduce_sum3A_347 = arith.constant dense<0.000000e+00> : vector<256xf32>
      %reduce_sum3A_348 = vector.multi_reduction <add>, %select_n3A_346, %reduce_sum3A_347 [1] : vector<256x8xf32> to vector<256xf32>
      %broadcast_in_dim3A_349 = vector.shape_cast %reduce_sum3A_348 : vector<256xf32> to vector<256x1xf32>
      %slice3A_350 = vector.extract_strided_slice %iota3A {offsets = [1792, 0], sizes = [256, 8], strides = [1, 1]} : vector<2048x8xi32> to vector<256x8xi32>
      %slice3A_351 = vector.extract_strided_slice %broadcast_in_dim3A_62 {offsets = [1792, 0], sizes = [256, 1], strides = [1, 1]} : vector<2048x1xi32> to vector<256x1xi32>
      %eq3A_352 = vector.broadcast %slice3A_351 : vector<256x1xi32> to vector<256x8xi32>
      %eq3A_353 = arith.cmpi eq, %slice3A_350, %eq3A_352 : vector<256x8xi32>
      %jit3A_354 = arith.constant 0.000000e+00 : f32
      %broadcast_in_dim3A_355 = vector.broadcast %jit3A_354 : f32 to vector<256x8xf32>
      %select_n3A_356 = arith.select %eq3A_353, %dot_general3A_339, %broadcast_in_dim3A_355 : vector<256x8xi1>, vector<256x8xf32>
      %reduce_sum3A_357 = arith.constant dense<0.000000e+00> : vector<256xf32>
      %reduce_sum3A_358 = vector.multi_reduction <add>, %select_n3A_356, %reduce_sum3A_357 [1] : vector<256x8xf32> to vector<256xf32>
      %broadcast_in_dim3A_359 = vector.shape_cast %reduce_sum3A_358 : vector<256xf32> to vector<256x1xf32>
      %concatenate3A = tpu.concatenate %broadcast_in_dim3A_132, %broadcast_in_dim3A_163, %broadcast_in_dim3A_194, %broadcast_in_dim3A_225, %broadcast_in_dim3A_256, %broadcast_in_dim3A_287, %broadcast_in_dim3A_318, %broadcast_in_dim3A_349 in 0 : vector<256x1xf32>, vector<256x1xf32>, vector<256x1xf32>, vector<256x1xf32>, vector<256x1xf32>, vector<256x1xf32>, vector<256x1xf32>, vector<256x1xf32> -> vector<2048x1xf32>
      %concatenate3A_360 = tpu.concatenate %broadcast_in_dim3A_142, %broadcast_in_dim3A_173, %broadcast_in_dim3A_204, %broadcast_in_dim3A_235, %broadcast_in_dim3A_266, %broadcast_in_dim3A_297, %broadcast_in_dim3A_328, %broadcast_in_dim3A_359 in 0 : vector<256x1xf32>, vector<256x1xf32>, vector<256x1xf32>, vector<256x1xf32>, vector<256x1xf32>, vector<256x1xf32>, vector<256x1xf32>, vector<256x1xf32> -> vector<2048x1xf32>
      %broadcast_in_dim3A_361 = arith.constant 1.000000e+00 : f32
      %broadcast_in_dim3A_362 = vector.broadcast %broadcast_in_dim3A_361 : f32 to vector<1x2048xf32>
      %dot_general3A_363 = arith.constant dense<0.000000e+00> : vector<1x8xf32>
      %dot_general3A_364 = tpu.matmul %broadcast_in_dim3A_362, %add3A_111, %dot_general3A_363 {dimension_numbers = #tpu.dot_dimension_numbers<[1], [0], [0], [1], [0, 0, 1, 1], [], []>, transpose_lhs_hint = false} : vector<1x2048xf32>, vector<2048x8xf32>, vector<1x8xf32> -> vector<1x8xf32>
      %add3A_365 = arith.constant 1.270000e+02 : f32
      %add3A_366 = vector.broadcast %add3A_365 : f32 to vector<1x8xf32>
      %add3A_367 = arith.addf %dot_general3A_364, %add3A_366 : vector<1x8xf32>
      %div3A_368 = arith.constant 1.280000e+02 : f32
      %div3A_369 = vector.broadcast %div3A_368 : f32 to vector<1x8xf32>
      %div3A_370 = arith.divf %add3A_367, %div3A_369 : vector<1x8xf32>
      %floor3A = math.floor %div3A_370 : vector<1x8xf32>
      %mul3A_371 = arith.constant 1.280000e+02 : f32
      %mul3A_372 = vector.broadcast %mul3A_371 : f32 to vector<1x8xf32>
      %mul3A_373 = arith.mulf %floor3A, %mul3A_372 : vector<1x8xf32>
      %iota3A_374 = tpu.iota {dimensions = array<i32: 0>} : vector<8x8xi32>
      %iota3A_375 = tpu.iota {dimensions = array<i32: 1>} : vector<8x8xi32>
      %lt3A_376 = arith.cmpi slt, %iota3A_374, %iota3A_375 : vector<8x8xi32>
      %jit3A_377 = arith.constant 1.000000e+00 : f32
      %jit3A_378 = arith.constant 0.000000e+00 : f32
      %broadcast_in_dim3A_379 = vector.broadcast %jit3A_377 : f32 to vector<8x8xf32>
      %broadcast_in_dim3A_380 = vector.broadcast %jit3A_378 : f32 to vector<8x8xf32>
      %select_n3A_381 = arith.select %lt3A_376, %broadcast_in_dim3A_379, %broadcast_in_dim3A_380 : vector<8x8xi1>, vector<8x8xf32>
      %dot_general3A_382 = arith.constant dense<0.000000e+00> : vector<1x8xf32>
      %dot_general3A_383 = tpu.matmul %mul3A_373, %select_n3A_381, %dot_general3A_382 {dimension_numbers = #tpu.dot_dimension_numbers<[1], [0], [0], [1], [0, 0, 1, 1], [], []>, transpose_lhs_hint = false} : vector<1x8xf32>, vector<8x8xf32>, vector<1x8xf32> -> vector<1x8xf32>
      %eq3A_384 = vector.broadcast %broadcast_in_dim3A_46 : vector<2048x1xi32> to vector<2048x8xi32>
      %eq3A_385 = arith.cmpi eq, %iota3A, %eq3A_384 : vector<2048x8xi32>
      %jit3A_386 = arith.constant 0.000000e+00 : f32
      %broadcast_in_dim3A_387 = vector.shape_cast %dot_general3A_383 : vector<1x8xf32> to vector<1x8xf32>
      %broadcast_in_dim3A_388 = vector.broadcast %broadcast_in_dim3A_387 : vector<1x8xf32> to vector<2048x8xf32>
      %broadcast_in_dim3A_389 = vector.broadcast %jit3A_386 : f32 to vector<2048x8xf32>
      %select_n3A_390 = arith.select %eq3A_385, %broadcast_in_dim3A_388, %broadcast_in_dim3A_389 : vector<2048x8xi1>, vector<2048x8xf32>
      %reduce_sum3A_391 = arith.constant dense<0.000000e+00> : vector<2048xf32>
      %reduce_sum3A_392 = vector.multi_reduction <add>, %select_n3A_390, %reduce_sum3A_391 [1] : vector<2048x8xf32> to vector<2048xf32>
      %broadcast_in_dim3A_393 = vector.shape_cast %reduce_sum3A_392 : vector<2048xf32> to vector<2048x1xf32>
      %eq3A_394 = vector.broadcast %broadcast_in_dim3A_62 : vector<2048x1xi32> to vector<2048x8xi32>
      %eq3A_395 = arith.cmpi eq, %iota3A, %eq3A_394 : vector<2048x8xi32>
      %jit3A_396 = arith.constant 0.000000e+00 : f32
      %broadcast_in_dim3A_397 = vector.shape_cast %dot_general3A_383 : vector<1x8xf32> to vector<1x8xf32>
      %broadcast_in_dim3A_398 = vector.broadcast %broadcast_in_dim3A_397 : vector<1x8xf32> to vector<2048x8xf32>
      %broadcast_in_dim3A_399 = vector.broadcast %jit3A_396 : f32 to vector<2048x8xf32>
      %select_n3A_400 = arith.select %eq3A_395, %broadcast_in_dim3A_398, %broadcast_in_dim3A_399 : vector<2048x8xi1>, vector<2048x8xf32>
      %reduce_sum3A_401 = arith.constant dense<0.000000e+00> : vector<2048xf32>
      %reduce_sum3A_402 = vector.multi_reduction <add>, %select_n3A_400, %reduce_sum3A_401 [1] : vector<2048x8xf32> to vector<2048xf32>
      %broadcast_in_dim3A_403 = vector.shape_cast %reduce_sum3A_402 : vector<2048xf32> to vector<2048x1xf32>
      %add3A_404 = arith.addf %broadcast_in_dim3A_393, %concatenate3A : vector<2048x1xf32>
      %convert_element_type3A_405 = arith.fptosi %add3A_404 : vector<2048x1xf32> to vector<2048x1xi32>
      %swap3A_406 = arith.constant 0 : index
      %swap3A_407 = arith.constant 0 : index
      %swap3A_408 = vector.load %arg6[%swap3A_406, %swap3A_407] : memref<2048x1xi32, #tpu.memory_space<vmem>>, vector<2048x1xi32>
      tpu.vector_store %arg6[%swap3A_406, %swap3A_407], %convert_element_type3A_405 {strides = array<i32>} : memref<2048x1xi32, #tpu.memory_space<vmem>>, vector<2048x1xi32>,
      %add3A_409 = arith.addf %broadcast_in_dim3A_403, %concatenate3A_360 : vector<2048x1xf32>
      %convert_element_type3A_410 = arith.fptosi %add3A_409 : vector<2048x1xf32> to vector<2048x1xi32>
      %swap3A_411 = arith.constant 0 : index
      %swap3A_412 = arith.constant 0 : index
      %swap3A_413 = vector.load %arg7[%swap3A_411, %swap3A_412] : memref<2048x1xi32, #tpu.memory_space<vmem>>, vector<2048x1xi32>
      tpu.vector_store %arg7[%swap3A_411, %swap3A_412], %convert_element_type3A_410 {strides = array<i32>} : memref<2048x1xi32, #tpu.memory_space<vmem>>, vector<2048x1xi32>,
      %broadcast_in_dim3A_414 = arith.constant 1.000000e+00 : f32
      %broadcast_in_dim3A_415 = vector.broadcast %broadcast_in_dim3A_414 : f32 to vector<2048x1xf32>
      %dot_general3A_416 = arith.constant dense<0.000000e+00> : vector<8x1xf32>
      %dot_general3A_417 = tpu.matmul %add3A_111, %broadcast_in_dim3A_415, %dot_general3A_416 {dimension_numbers = #tpu.dot_dimension_numbers<[0], [0], [1], [1], [0, 1, 1, 1], [], []>, transpose_lhs_hint = false} : vector<2048x8xf32>, vector<2048x1xf32>, vector<8x1xf32> -> vector<8x1xf32>
      %add3A_418 = arith.constant 1.270000e+02 : f32
      %add3A_419 = vector.broadcast %add3A_418 : f32 to vector<8x1xf32>
      %add3A_420 = arith.addf %dot_general3A_417, %add3A_419 : vector<8x1xf32>
      %div3A_421 = arith.constant 1.280000e+02 : f32
      %div3A_422 = vector.broadcast %div3A_421 : f32 to vector<8x1xf32>
      %div3A_423 = arith.divf %add3A_420, %div3A_422 : vector<8x1xf32>
      %floor3A_424 = math.floor %div3A_423 : vector<8x1xf32>
      %mul3A_425 = arith.constant 1.280000e+02 : f32
      %mul3A_426 = vector.broadcast %mul3A_425 : f32 to vector<8x1xf32>
      %mul3A_427 = arith.mulf %floor3A_424, %mul3A_426 : vector<8x1xf32>
      %lt3A_428 = arith.cmpi slt, %iota3A_375, %iota3A_374 : vector<8x8xi32>
      %jit3A_429 = arith.constant 1.000000e+00 : f32
      %jit3A_430 = arith.constant 0.000000e+00 : f32
      %broadcast_in_dim3A_431 = vector.broadcast %jit3A_429 : f32 to vector<8x8xf32>
      %broadcast_in_dim3A_432 = vector.broadcast %jit3A_430 : f32 to vector<8x8xf32>
      %select_n3A_433 = arith.select %lt3A_428, %broadcast_in_dim3A_431, %broadcast_in_dim3A_432 : vector<8x8xi1>, vector<8x8xf32>
      %dot_general3A_434 = arith.constant dense<0.000000e+00> : vector<8x1xf32>
      %dot_general3A_435 = tpu.matmul %select_n3A_433, %mul3A_427, %dot_general3A_434 {dimension_numbers = #tpu.dot_dimension_numbers<[1], [0], [0], [1], [0, 0, 1, 1], [], []>, transpose_lhs_hint = false} : vector<8x8xf32>, vector<8x1xf32>, vector<8x1xf32> -> vector<8x1xf32>
      %iota3A_436 = tpu.iota {dimensions = array<i32: 1>} : vector<8x64xi32>
      %mul3A_437 = arith.constant 128 : i32
      %mul3A_438 = vector.broadcast %mul3A_437 : i32 to vector<8x64xi32>
      %mul3A_439 = arith.muli %iota3A_436, %mul3A_438 : vector<8x64xi32>
      %iota3A_440 = tpu.iota {dimensions = array<i32: 0>} : vector<8x64xi32>
      %convert_element_type3A_441 = arith.sitofp %iota3A_440 : vector<8x64xi32> to vector<8x64xf32>
      %convert_element_type3A_442 = arith.fptosi %dot_general3A_435 : vector<8x1xf32> to vector<8x1xi32>
      %convert_element_type3A_443 = arith.fptosi %mul3A_427 : vector<8x1xf32> to vector<8x1xi32>
      %le3A = vector.broadcast %convert_element_type3A_442 : vector<8x1xi32> to vector<8x64xi32>
      %le3A_444 = arith.cmpi sle, %le3A, %mul3A_439 : vector<8x64xi32>
      %add3A_445 = arith.addi %convert_element_type3A_442, %convert_element_type3A_443 : vector<8x1xi32>
      %lt3A_446 = vector.broadcast %add3A_445 : vector<8x1xi32> to vector<8x64xi32>
      %lt3A_447 = arith.cmpi slt, %mul3A_439, %lt3A_446 : vector<8x64xi32>
      %and3A = arith.andi %le3A_444, %lt3A_447 : vector<8x64xi1>
      %jit3A_448 = arith.constant 0.000000e+00 : f32
      %broadcast_in_dim3A_449 = vector.broadcast %jit3A_448 : f32 to vector<8x64xf32>
      %select_n3A_450 = arith.select %and3A, %convert_element_type3A_441, %broadcast_in_dim3A_449 : vector<8x64xi1>, vector<8x64xf32>
      %reduce_sum3A_451 = arith.constant dense<0.000000e+00> : vector<64xf32>
      %reduce_sum3A_452 = vector.multi_reduction <add>, %select_n3A_450, %reduce_sum3A_451 [0] : vector<8x64xf32> to vector<64xf32>
      %broadcast_in_dim3A_453 = vector.shape_cast %reduce_sum3A_452 : vector<64xf32> to vector<1x64xf32>
      %convert_element_type3A_454 = arith.fptosi %broadcast_in_dim3A_453 : vector<1x64xf32> to vector<1x64xi32>
      %iota3A_455 = tpu.iota {dimensions = array<i32: 1>} : vector<1x64xi32>
      %ge3A = arith.constant 40 : i32
      %ge3A_456 = vector.broadcast %ge3A : i32 to vector<1x64xi32>
      %ge3A_457 = arith.cmpi sge, %iota3A_455, %ge3A_456 : vector<1x64xi32>
      %lt3A_458 = arith.constant 56 : i32
      %lt3A_459 = vector.broadcast %lt3A_458 : i32 to vector<1x64xi32>
      %lt3A_460 = arith.cmpi slt, %iota3A_455, %lt3A_459 : vector<1x64xi32>
      %and3A_461 = arith.andi %ge3A_457, %lt3A_460 : vector<1x64xi1>
      %jit3A_462 = arith.constant 8 : i32
      %broadcast_in_dim3A_463 = vector.broadcast %jit3A_462 : i32 to vector<1x64xi32>
      %select_n3A_464 = arith.select %and3A_461, %broadcast_in_dim3A_463, %convert_element_type3A_454 : vector<1x64xi1>, vector<1x64xi32>
      %broadcast_in_dim3A_465 = vector.shape_cast %select_n3A_464 : vector<1x64xi32> to vector<1x64xi32>
      %broadcast_in_dim3A_466 = vector.broadcast %broadcast_in_dim3A_465 : vector<1x64xi32> to vector<8x64xi32>
      %swap3A_467 = arith.constant 0 : index
      %swap3A_468 = arith.constant 0 : index
      %swap3A_469 = vector.load %arg10[%swap3A_467, %swap3A_468] : memref<8x64xi32, #tpu.memory_space<vmem>>, vector<8x64xi32>
      tpu.vector_store %arg10[%swap3A_467, %swap3A_468], %broadcast_in_dim3A_466 {strides = array<i32>} : memref<8x64xi32, #tpu.memory_space<vmem>>, vector<8x64xi32>,
    } else {
    }
    return
  }
  func.func @transform_0(%arg0: i32) -> (i32, i32) {
    %c0_i32 = arith.constant 0 : i32
    %c0_i32_0 = arith.constant 0 : i32
    return %arg0, %c0_i32 : i32, i32
  }
  func.func @transform_1(%arg0: i32) -> (i32, i32) {
    %c0_i32 = arith.constant 0 : i32
    %c0_i32_0 = arith.constant 0 : i32
    %c0_i32_1 = arith.constant 0 : i32
    return %c0_i32, %c0_i32_0 : i32, i32
  }
  func.func @transform_2(%arg0: i32) -> (i32, i32) {
    %c0_i32 = arith.constant 0 : i32
    %c0_i32_0 = arith.constant 0 : i32
    %c0_i32_1 = arith.constant 0 : i32
    return %c0_i32, %c0_i32_0 : i32, i32
  }
  func.func @transform_3(%arg0: i32) -> (i32, i32) {
    %c0_i32 = arith.constant 0 : i32
    %c0_i32_0 = arith.constant 0 : i32
    %c0_i32_1 = arith.constant 0 : i32
    return %c0_i32, %c0_i32_0 : i32, i32
  }
  func.func @transform_4(%arg0: i32) -> (i32, i32) {
    %c0_i32 = arith.constant 0 : i32
    %c0_i32_0 = arith.constant 0 : i32
    return %arg0, %c0_i32 : i32, i32
  }
  func.func @transform_5(%arg0: i32) -> (i32, i32) {
    %c0_i32 = arith.constant 0 : i32
    %c0_i32_0 = arith.constant 0 : i32
    %c0_i32_1 = arith.constant 0 : i32
    return %c0_i32, %c0_i32_0 : i32, i32
  }
  func.func @transform_6(%arg0: i32) -> (i32, i32) {
    %c0_i32 = arith.constant 0 : i32
    %c0_i32_0 = arith.constant 0 : i32
    %c0_i32_1 = arith.constant 0 : i32
    return %c0_i32, %c0_i32_0 : i32, i32
  }
  func.func @transform_7(%arg0: i32) -> (i32, i32) {
    %c0_i32 = arith.constant 0 : i32
    %c0_i32_0 = arith.constant 0 : i32
    %c0_i32_1 = arith.constant 0 : i32
    return %c0_i32, %c0_i32_0 : i32, i32
  }
  func.func @transform_8(%arg0: i32) -> (i32, i32) {
    %c0_i32 = arith.constant 0 : i32
    %c0_i32_0 = arith.constant 0 : i32
    %c0_i32_1 = arith.constant 0 : i32
    return %c0_i32, %c0_i32_0 : i32, i32
  }
  func.func @transform_9(%arg0: i32) -> (i32, i32) {
    %c0_i32 = arith.constant 0 : i32
    %c0_i32_0 = arith.constant 0 : i32
    %c0_i32_1 = arith.constant 0 : i32
    return %c0_i32, %c0_i32_0 : i32, i32
  }
}

module attributes {stable_mosaic.version = 14 : i64} {
  func.func @_shared_body(%arg0: i32, %arg1: memref<128x1024xf32, #tpu.memory_space<vmem>>, %arg2: memref<1024x512xf32, #tpu.memory_space<vmem>>, %arg3: memref<1024x512xf32, #tpu.memory_space<vmem>>, %arg4: memref<512x1024xf32, #tpu.memory_space<vmem>>, %arg5: memref<128x1024xf32, #tpu.memory_space<vmem>>) attributes {dimension_semantics = [#tpu.dimension_semantics<arbitrary>], iteration_bounds = array<i64: 16>, scalar_prefetch = 0 : i64, scratch_operands = 0 : i64, tpu.core_type = #tpu.core_type<tc>, window_params = [{transform_indices = @transform_0, window_bounds = array<i64: 128, 1024>}, {pipeline_mode = #tpu.pipeline_mode<synchronous>, transform_indices = @transform_1, window_bounds = array<i64: 1024, 512>}, {pipeline_mode = #tpu.pipeline_mode<synchronous>, transform_indices = @transform_2, window_bounds = array<i64: 1024, 512>}, {pipeline_mode = #tpu.pipeline_mode<synchronous>, transform_indices = @transform_3, window_bounds = array<i64: 512, 1024>}, {transform_indices = @transform_4, window_bounds = array<i64: 128, 1024>}]} {
    %get3A = arith.constant 0 : index
    %get3A_0 = arith.constant 0 : index
    %get3A_1 = vector.load %arg1[%get3A, %get3A_0] : memref<128x1024xf32, #tpu.memory_space<vmem>>, vector<128x1024xf32>
    %get3A_2 = arith.constant 0 : index
    %get3A_3 = arith.constant 0 : index
    %get3A_4 = vector.load %arg2[%get3A_2, %get3A_3] : memref<1024x512xf32, #tpu.memory_space<vmem>>, vector<1024x512xf32>
    %dot_general3A = arith.constant dense<0.000000e+00> : vector<128x512xf32>
    %dot_general3A_5 = tpu.matmul %get3A_1, %get3A_4, %dot_general3A {dimension_numbers = #tpu.dot_dimension_numbers<[1], [0], [0], [1], [0, 0, 1, 1], [], []>, transpose_lhs_hint = false} : vector<128x1024xf32>, vector<1024x512xf32>, vector<128x512xf32> -> vector<128x512xf32>
    %get3A_6 = arith.constant 0 : index
    %get3A_7 = arith.constant 0 : index
    %get3A_8 = vector.load %arg3[%get3A_6, %get3A_7] : memref<1024x512xf32, #tpu.memory_space<vmem>>, vector<1024x512xf32>
    %dot_general3A_9 = arith.constant dense<0.000000e+00> : vector<128x512xf32>
    %dot_general3A_10 = tpu.matmul %get3A_1, %get3A_8, %dot_general3A_9 {dimension_numbers = #tpu.dot_dimension_numbers<[1], [0], [0], [1], [0, 0, 1, 1], [], []>, transpose_lhs_hint = false} : vector<128x1024xf32>, vector<1024x512xf32>, vector<128x512xf32> -> vector<128x512xf32>
    %logistic3A = arith.negf %dot_general3A_5 : vector<128x512xf32>
    %logistic3A_11 = math.exp %logistic3A : vector<128x512xf32>
    %logistic3A_12 = arith.constant 1.000000e+00 : f32
    %logistic3A_13 = vector.broadcast %logistic3A_12 : f32 to vector<128x512xf32>
    %logistic3A_14 = arith.addf %logistic3A_13, %logistic3A_11 : vector<128x512xf32>
    %logistic3A_15 = arith.divf %logistic3A_13, %logistic3A_14 : vector<128x512xf32>
    %mul3A = arith.mulf %dot_general3A_5, %logistic3A_15 : vector<128x512xf32>
    %mul3A_16 = arith.mulf %mul3A, %dot_general3A_10 : vector<128x512xf32>
    %get3A_17 = arith.constant 0 : index
    %get3A_18 = arith.constant 0 : index
    %get3A_19 = vector.load %arg4[%get3A_17, %get3A_18] : memref<512x1024xf32, #tpu.memory_space<vmem>>, vector<512x1024xf32>
    %dot_general3A_20 = arith.constant dense<0.000000e+00> : vector<128x1024xf32>
    %dot_general3A_21 = tpu.matmul %mul3A_16, %get3A_19, %dot_general3A_20 {dimension_numbers = #tpu.dot_dimension_numbers<[1], [0], [0], [1], [0, 0, 1, 1], [], []>, transpose_lhs_hint = false} : vector<128x512xf32>, vector<512x1024xf32>, vector<128x1024xf32> -> vector<128x1024xf32>
    %swap3A = arith.constant 0 : index
    %swap3A_22 = arith.constant 0 : index
    %swap3A_23 = vector.load %arg5[%swap3A, %swap3A_22] : memref<128x1024xf32, #tpu.memory_space<vmem>>, vector<128x1024xf32>
    tpu.vector_store %arg5[%swap3A, %swap3A_22], %dot_general3A_21 {strides = array<i32>} : memref<128x1024xf32, #tpu.memory_space<vmem>>, vector<128x1024xf32>,
    return
  }
  func.func @transform_0(%arg0: i32) -> (i32, i32) {
    %c0_i32 = arith.constant 0 : i32
    %c0_i32_0 = arith.constant 0 : i32
    return %arg0, %c0_i32 : i32, i32
  }
  func.func @transform_1(%arg0: i32) -> (i32, i32) {
    %c0_i32 = arith.constant 0 : i32
    %c0_i32_0 = arith.constant 0 : i32
    %c0_i32_1 = arith.constant 0 : i32
    return %c0_i32, %c0_i32_0 : i32, i32
  }
  func.func @transform_2(%arg0: i32) -> (i32, i32) {
    %c0_i32 = arith.constant 0 : i32
    %c0_i32_0 = arith.constant 0 : i32
    %c0_i32_1 = arith.constant 0 : i32
    return %c0_i32, %c0_i32_0 : i32, i32
  }
  func.func @transform_3(%arg0: i32) -> (i32, i32) {
    %c0_i32 = arith.constant 0 : i32
    %c0_i32_0 = arith.constant 0 : i32
    %c0_i32_1 = arith.constant 0 : i32
    return %c0_i32, %c0_i32_0 : i32, i32
  }
  func.func @transform_4(%arg0: i32) -> (i32, i32) {
    %c0_i32 = arith.constant 0 : i32
    %c0_i32_0 = arith.constant 0 : i32
    return %arg0, %c0_i32 : i32, i32
  }
}

module attributes {stable_mosaic.version = 14 : i64} {
  func.func @_gemm_body(%arg0: i32, %arg1: memref<40xi32, #tpu.memory_space<smem>>, %arg2: memref<128x1024xf32, #tpu.memory_space<vmem>>, %arg3: memref<1x1024x512xf32, #tpu.memory_space<vmem>>, %arg4: memref<1x1024x512xf32, #tpu.memory_space<vmem>>, %arg5: memref<1x512x1024xf32, #tpu.memory_space<vmem>>, %arg6: memref<128x1xf32, #tpu.memory_space<vmem>>, %arg7: memref<128x1024xf32, #tpu.memory_space<vmem>>) attributes {dimension_semantics = [#tpu.dimension_semantics<arbitrary>], iteration_bounds = array<i64: 40>, scalar_prefetch = 1 : i64, scratch_operands = 0 : i64, tpu.core_type = #tpu.core_type<tc>, window_params = [{transform_indices = @transform_0, window_bounds = array<i64: 128, 1024>}, {transform_indices = @transform_1, window_bounds = array<i64: 1, 1024, 512>}, {transform_indices = @transform_2, window_bounds = array<i64: 1, 1024, 512>}, {transform_indices = @transform_3, window_bounds = array<i64: 1, 512, 1024>}, {transform_indices = @transform_4, window_bounds = array<i64: 128, 1>}, {transform_indices = @transform_5, window_bounds = array<i64: 128, 1024>}]} {
    %get3A = arith.constant 0 : index
    %get3A_0 = arith.constant 0 : index
    %get3A_1 = vector.load %arg2[%get3A, %get3A_0] : memref<128x1024xf32, #tpu.memory_space<vmem>>, vector<128x1024xf32>
    %get3A_2 = arith.constant 0 : index
    %get3A_3 = arith.constant 0 : index
    %get3A_4 = arith.constant 0 : index
    %get3A_5 = vector.load %arg3[%get3A_2, %get3A_3, %get3A_4] : memref<1x1024x512xf32, #tpu.memory_space<vmem>>, vector<1x1024x512xf32>
    %get3A_6 = vector.shape_cast %get3A_5 : vector<1x1024x512xf32> to vector<1024x512xf32>
    %dot_general3A = arith.constant dense<0.000000e+00> : vector<128x512xf32>
    %dot_general3A_7 = tpu.matmul %get3A_1, %get3A_6, %dot_general3A {dimension_numbers = #tpu.dot_dimension_numbers<[1], [0], [0], [1], [0, 0, 1, 1], [], []>, transpose_lhs_hint = false} : vector<128x1024xf32>, vector<1024x512xf32>, vector<128x512xf32> -> vector<128x512xf32>
    %get3A_8 = arith.constant 0 : index
    %get3A_9 = arith.constant 0 : index
    %get3A_10 = arith.constant 0 : index
    %get3A_11 = vector.load %arg4[%get3A_8, %get3A_9, %get3A_10] : memref<1x1024x512xf32, #tpu.memory_space<vmem>>, vector<1x1024x512xf32>
    %get3A_12 = vector.shape_cast %get3A_11 : vector<1x1024x512xf32> to vector<1024x512xf32>
    %dot_general3A_13 = arith.constant dense<0.000000e+00> : vector<128x512xf32>
    %dot_general3A_14 = tpu.matmul %get3A_1, %get3A_12, %dot_general3A_13 {dimension_numbers = #tpu.dot_dimension_numbers<[1], [0], [0], [1], [0, 0, 1, 1], [], []>, transpose_lhs_hint = false} : vector<128x1024xf32>, vector<1024x512xf32>, vector<128x512xf32> -> vector<128x512xf32>
    %logistic3A = arith.negf %dot_general3A_7 : vector<128x512xf32>
    %logistic3A_15 = math.exp %logistic3A : vector<128x512xf32>
    %logistic3A_16 = arith.constant 1.000000e+00 : f32
    %logistic3A_17 = vector.broadcast %logistic3A_16 : f32 to vector<128x512xf32>
    %logistic3A_18 = arith.addf %logistic3A_17, %logistic3A_15 : vector<128x512xf32>
    %logistic3A_19 = arith.divf %logistic3A_17, %logistic3A_18 : vector<128x512xf32>
    %mul3A = arith.mulf %dot_general3A_7, %logistic3A_19 : vector<128x512xf32>
    %mul3A_20 = arith.mulf %mul3A, %dot_general3A_14 : vector<128x512xf32>
    %get3A_21 = arith.constant 0 : index
    %get3A_22 = arith.constant 0 : index
    %get3A_23 = arith.constant 0 : index
    %get3A_24 = vector.load %arg5[%get3A_21, %get3A_22, %get3A_23] : memref<1x512x1024xf32, #tpu.memory_space<vmem>>, vector<1x512x1024xf32>
    %get3A_25 = vector.shape_cast %get3A_24 : vector<1x512x1024xf32> to vector<512x1024xf32>
    %dot_general3A_26 = arith.constant dense<0.000000e+00> : vector<128x1024xf32>
    %dot_general3A_27 = tpu.matmul %mul3A_20, %get3A_25, %dot_general3A_26 {dimension_numbers = #tpu.dot_dimension_numbers<[1], [0], [0], [1], [0, 0, 1, 1], [], []>, transpose_lhs_hint = false} : vector<128x512xf32>, vector<512x1024xf32>, vector<128x1024xf32> -> vector<128x1024xf32>
    %get3A_28 = arith.constant 0 : index
    %get3A_29 = arith.constant 0 : index
    %get3A_30 = vector.load %arg6[%get3A_28, %get3A_29] : memref<128x1xf32, #tpu.memory_space<vmem>>, vector<128x1xf32>
    %mul3A_31 = vector.broadcast %get3A_30 : vector<128x1xf32> to vector<128x1024xf32>
    %mul3A_32 = arith.mulf %dot_general3A_27, %mul3A_31 : vector<128x1024xf32>
    %swap3A = arith.constant 0 : index
    %swap3A_33 = arith.constant 0 : index
    %swap3A_34 = vector.load %arg7[%swap3A, %swap3A_33] : memref<128x1024xf32, #tpu.memory_space<vmem>>, vector<128x1024xf32>
    tpu.vector_store %arg7[%swap3A, %swap3A_33], %mul3A_32 {strides = array<i32>} : memref<128x1024xf32, #tpu.memory_space<vmem>>, vector<128x1024xf32>,
    return
  }
  func.func @transform_0(%arg0: i32, %arg1: memref<40xi32, #tpu.memory_space<smem>>) -> (i32, i32) {
    %c0_i32 = arith.constant 0 : i32
    %c0_i32_0 = arith.constant 0 : i32
    return %arg0, %c0_i32 : i32, i32
  }
  func.func @transform_1(%arg0: i32, %arg1: memref<40xi32, #tpu.memory_space<smem>>) -> (i32, i32, i32) {
    %get3A = arith.index_cast %arg0 : i32 to index
    %get3A_0 = memref.load %arg1[%get3A] : memref<40xi32, #tpu.memory_space<smem>>
    %c0_i32 = arith.constant 0 : i32
    %c0_i32_1 = arith.constant 0 : i32
    %c0_i32_2 = arith.constant 0 : i32
    return %get3A_0, %c0_i32, %c0_i32_1 : i32, i32, i32
  }
  func.func @transform_2(%arg0: i32, %arg1: memref<40xi32, #tpu.memory_space<smem>>) -> (i32, i32, i32) {
    %get3A = arith.index_cast %arg0 : i32 to index
    %get3A_0 = memref.load %arg1[%get3A] : memref<40xi32, #tpu.memory_space<smem>>
    %c0_i32 = arith.constant 0 : i32
    %c0_i32_1 = arith.constant 0 : i32
    %c0_i32_2 = arith.constant 0 : i32
    return %get3A_0, %c0_i32, %c0_i32_1 : i32, i32, i32
  }
  func.func @transform_3(%arg0: i32, %arg1: memref<40xi32, #tpu.memory_space<smem>>) -> (i32, i32, i32) {
    %get3A = arith.index_cast %arg0 : i32 to index
    %get3A_0 = memref.load %arg1[%get3A] : memref<40xi32, #tpu.memory_space<smem>>
    %c0_i32 = arith.constant 0 : i32
    %c0_i32_1 = arith.constant 0 : i32
    %c0_i32_2 = arith.constant 0 : i32
    return %get3A_0, %c0_i32, %c0_i32_1 : i32, i32, i32
  }
  func.func @transform_4(%arg0: i32, %arg1: memref<40xi32, #tpu.memory_space<smem>>) -> (i32, i32) {
    %c0_i32 = arith.constant 0 : i32
    %c0_i32_0 = arith.constant 0 : i32
    return %arg0, %c0_i32 : i32, i32
  }
  func.func @transform_5(%arg0: i32, %arg1: memref<40xi32, #tpu.memory_space<smem>>) -> (i32, i32) {
    %c0_i32 = arith.constant 0 : i32
    %c0_i32_0 = arith.constant 0 : i32
    return %arg0, %c0_i32 : i32, i32
  }
}

</mosaic_0001>

<sc_bundles>
// kernel: kernel.10.cloned.1.call-start
scs
__scs_entry_jumppad:
0x0: {  	(pc) =	sbr.rel $0x88, $3  }
0x1: {  	(tag) =	ssettag $0x0;
	lr =	simm.s32 $0x1  }
0x2: {  	[smem:$0x3F97] =	sst lr;
	_ =	strace $0xD0000000  }
0x3: {  	_ = 	snop  }
0x4: {  	_ = 	snop  }
0x5: {  	_ = 	snop  }
0x6: {  	_ = 	snop  }
0x7: {  	_ = 	snop  }
__scs_overlays_trampoline_lowered:
0x8: {  	[smem:$0x3FA6] =	sst s0  }
0x9: {  	[smem:$0x3FA7] =	sst s1  }
0xa: {  	[smem:$0x3FA8] =	sst s2  }
0xb: {  	[smem:$0x3FA9] =	sst s3  }
0xc: {  	[smem:$0x3FAA] =	sst s4  }
0xd: {  	[smem:$0x3FAB] =	sst s5  }
0xe: {  	[smem:$0x3FAC] =	sst s6  }
0xf: {  	[smem:$0x3FAD] =	sst s7  }
0x10: {  	[smem:$0x3FAE] =	sst s8  }
0x11: {  	[smem:$0x3FAF] =	sst s9;
	s0 =	simm.s32 @!p0 $0x0  }
0x12: {  	s1 =	sld [smem:$0x3F95];
	s0 =	simm.s32 @p0 $0x1  }
0x13: {  	[smem:$0x3FB0] =	sst s0;
	s0 =	simm.s32 @!p1 $0x0  }
0x14: {  	s2 =	sld [smem:$0x3F94];
	s0 =	simm.s32 @p1 $0x1  }
0x15: {  	[smem:$0x3FB1] =	sst s0;
	s0 =	simm.s32 @!p2 $0x0  }
0x16: {  	s3 =	sld [smem:$0x3FDB];
	s0 =	simm.s32 @p2 $0x1  }
0x17: {  	s4 =	simm.s32 $0x1BF5;
	[smem:$0x3FB3] =	sst s0  }
0x18: {  	s0 =	sld [smem:$0x3F96];
	_ =	swait.ge [sflag:s4], $0x0  }
0x19: {  	s7 =	sld [smem:$0x3F97]  }
0x1a: {  	s8 =	sadd.s32 $0xFFFFE003, lr  }
0x1b: {  	s9 =	sadd.s32 $0xFFFFFEF7, lr;
	s5 =	simm.s32 $0xFFFFFFFF;
	p2 =	slt.u32 s8, $0xFFFFF086  }
0x1c: {  	p1 =	slt.u32 s9, $0xF7A;
	s5 =	simm.s32 @!p2 $0x0  }
0x1d: {  	s5 =	simm.s32 @p1 $0x1;
	p0 =	seq.s32 s7, s2  }
0x1e: {  	s7 =	smul.u32 @!p0 $0xF7A, s2;
	p2 =	seq.s32 @!p0 s5, $0x0  }
0x1f: {  	s9 =	smul.u32 $0xF7A, s1;
	s8 =	simm.s32 @!p0 $0x1BF5;
	p2 =	por !p2, p0  }
0x20: {  	[sflag:s8] =	ssyncset.s32 @!p0 $0xFFFFF086;
	s6 =	sadd.s32 @!p0 s3, s7;
	s7 =	simm.s32 @!p0 $0x108  }
0x21: {  	s3 =	sadd.s32 s3, s9;
	s6 =	sadd.s32 @!p0 $0x88, s6;
	s7 =	simm.s32 @p2 $0x1082  }
0x22: {  	[simem:s7], [sflag:s8] =	dma.local @!p0 [hbm:s6], $0xF7A  }
0x23: {  	s9 =	sor.u32 $0xD0000000, s2;
	s6 =	simm.s32 $0x108;
	_ =	swait.ge @!p0 [sflag:s8], $0x0  }
0x24: {  	s3 =	sadd.s32 $0x88, s3;
	s6 =	simm.s32 @!p1 $0x1082;
	[sflag:s4] =	ssyncset.s32 $0xFFFFF086  }
0x25: {  	[simem:s6], [sflag:s4] =	dma.local [hbm:s3], $0xF7A  }
0x26: {  	[smem:$0x3F97] =	sst s1;
	(tag) =	ssettag s2;
	_ =	strace s9  }
0x27: {  	s1 =	sld [smem:$0x3FA7]  }
0x28: {  	s2 =	sld [smem:$0x3FA8]  }
0x29: {  	s4 =	sld [smem:$0x3FAA]  }
0x2a: {  	p0 =	seq.s32 s5, $0x0;
	s5 =	sld [smem:$0x3FAB]  }
0x2b: {  	s6 =	sld [smem:$0x3FAC]  }
0x2c: {  	s7 =	sld [smem:$0x3FAD]  }
0x2d: {  	s3 =	simm.s32 $0x108;
	s8 =	sld [smem:$0x3FAE]  }
0x2e: {  	s3 =	simm.s32 @!p0 $0x1082;
	s9 =	sld [smem:$0x3FAF]  }
0x2f: {  	lr =	sadd.s32 s0, s3;
	s0 =	sld [smem:$0x3FA6]  }
0x30: {  	s3 =	sld [smem:$0x3FA9]  }
0x31: {  	[smem:$0x3FB2] =	sst s10  }
0x32: {  	s10 =	sld [smem:$0x3FB0];
	_ =	sdelay $0x3  }
0x33: {  	p0 =	seq.s32 s10, $0x1;
	s10 =	sld [smem:$0x3FB2];
	_ =	sdelay $0x3  }
0x34: {  	[smem:$0x3FB2] =	sst s10  }
0x35: {  	s10 =	sld [smem:$0x3FB1];
	_ =	sdelay $0x3  }
0x36: {  	p1 =	seq.s32 s10, $0x1;
	s10 =	sld [smem:$0x3FB2];
	_ =	sdelay $0x3  }
0x37: {  	[smem:$0x3FB2] =	sst s10  }
0x38: {  	s10 =	sld [smem:$0x3FB3]  }
0x39: {  	_ = 	snop;
	(pc) =	sbr.ind lr, $3  }
0x3a: {  	_ = 	snop  }
0x3b: {  	_ = 	snop  }
0x3c: {  	p2 =	seq.s32 s10, $0x1;
	s10 =	sld [smem:$0x3FB2]  }
0x3d: {  	_ =	shalt  }
0x3e: {  	_ =	shalt  }
0x3f: {  	_ =	shalt  }
0x40: {  	_ =	shalt  }
0x41: {  	_ =	shalt  }
0x42: {  	_ =	shalt  }
0x43: {  	_ =	shalt  }
0x44: {  	_ =	shalt  }
0x45: {  	_ =	shalt  }
0x46: {  	_ =	shalt  }
0x47: {  	_ =	shalt  }
0x48: {  	_ =	shalt  }
0x49: {  	_ =	shalt  }
0x4a: {  	_ =	shalt  }
0x4b: {  	_ =	shalt  }
0x4c: {  	_ =	shalt  }
0x4d: {  	_ =	shalt  }
0x4e: {  	_ =	shalt  }
0x4f: {  	_ =	shalt  }
0x50: {  	_ =	shalt  }
0x51: {  	_ =	shalt  }
0x52: {  	_ =	shalt  }
0x53: {  	_ =	shalt  }
0x54: {  	_ =	shalt  }
0x55: {  	_ =	shalt  }
0x56: {  	_ =	shalt  }
0x57: {  	_ =	shalt  }
0x58: {  	_ =	shalt  }
0x59: {  	_ =	shalt  }
0x5a: {  	_ =	shalt  }
0x5b: {  	_ =	shalt  }
0x5c: {  	_ =	shalt  }
0x5d: {  	_ =	shalt  }
0x5e: {  	_ =	shalt  }
0x5f: {  	_ =	shalt  }
0x60: {  	_ =	shalt  }
0x61: {  	_ =	shalt  }
0x62: {  	_ =	shalt  }
0x63: {  	_ =	shalt  }
0x64: {  	_ =	shalt  }
0x65: {  	_ =	shalt  }
0x66: {  	_ =	shalt  }
0x67: {  	_ =	shalt  }
0x68: {  	_ =	shalt  }
0x69: {  	_ =	shalt  }
0x6a: {  	_ =	shalt  }
0x6b: {  	_ =	shalt  }
0x6c: {  	_ =	shalt  }
0x6d: {  	_ =	shalt  }
0x6e: {  	_ =	shalt  }
0x6f: {  	_ =	shalt  }
0x70: {  	_ =	shalt  }
0x71: {  	_ =	shalt  }
0x72: {  	_ =	shalt  }
0x73: {  	_ =	shalt  }
0x74: {  	_ =	shalt  }
0x75: {  	_ =	shalt  }
0x76: {  	_ =	shalt  }
0x77: {  	_ =	shalt  }
0x78: {  	_ =	shalt  }
0x79: {  	_ =	shalt  }
0x7a: {  	_ =	shalt  }
0x7b: {  	_ =	shalt  }
0x7c: {  	_ =	shalt  }
0x7d: {  	_ =	shalt  }
0x7e: {  	_ =	shalt  }
0x7f: {  	_ =	shalt  }
0x80: {  	_ =	shalt  }
0x81: {  	_ =	shalt  }
0x82: {  	_ =	shalt  }
0x83: {  	_ =	shalt  }
0x84: {  	_ =	shalt  }
0x85: {  	_ =	shalt  }
0x86: {  	_ =	shalt  }
0x87: {  	_ =	shalt  }
.Lfunc_end0:
.L_simem_size_0:
called_computation.1_lowered:
.L_overlay_start_0:
0x88: {  	s2 =	sld [smem:$0x3FD9]  }
0x89: {  	s3 =	sld [smem:$0x3FFE];
	_ =	sdelay $0x1  }
0x8a: {  	s1 =	srdreg.scid  }
0x8b: {  	s0 =	sand.u32 $0x1, s1  }
0x8c: {  	s17 =	sshll.u32 s0, $0xA;
	s2 =	sadd.s32 s3, s2  }
0x8d: {  	s2 =	sadd.s32 s2, s17  }
0x8e: {  	[smem:$0x3FBE] =	sst s2  }
0x8f: {  	_ = 	snop  }
0x90: {  	s2 =	sld [smem:$0x3FD0];
	(tm) =	ssettm $0x1  }
0x91: {  	s18 =	sld [smem:$0x3FFB];
	_ =	sdelay $0x3  }
0x92: {  	_ =	strace s18  }
0x93: {  	s3 =	sld [smem:$0x3FFC];
	_ =	sdelay $0x3  }
0x94: {  	_ =	strace s3  }
0x95: {  	s3 =	sld [smem:$0x3FFD];
	_ =	sdelay $0x3  }
0x96: {  	_ =	strace s3  }
0x97: {  	_ =	strace $0x8FFFFFFF  }
0x98: {  	s19 =	sld [smem:$0x3FDB];
	_ =	sdelay $0x1  }
0x99: {  	s4 =	simm.s32 $_scs_section_size  }
0x9a: {  	s5 =	simm.s32 $_size__tile_overlayer_lowered;
	s6 =	simm.s32 $_tile_overlayer_lowered  }
0x9b: {  	s22 =	simm.s32 $0x1BFF;
	s21 =	sshll.u32 s6, $0x1;
	s3 =	sadd.s32 s4, s19  }
0x9c: {  	s7 =	simm.s32 $0x0;
	s20 =	sshll.u32 s5, $0x1;
	s5 =	sadd.s32 s21, s3  }
0x9d: {  	[timem:s7], [sflag:s22] =	dma.local [hbm:s5], s20  }
0x9e: {  	_ =	swait.ge [sflag:s22], s20  }
0x9f: {  	s4 =	ssub.s32 $0x0, s20;
	[sflag:s22] =	ssyncset.done $0x0  }
0xa0: {  	[sflag:s22] =	ssyncadd.s32 s4;
	_ =	sdelay $0x1  }
0xa1: {  	s23 =	simm.s32 $0x1B8B  }
0xa2: {  	_ =	swait.ge [sflag:s23], $0x1  }
0xa3: {  	[sflag:s23] =	ssyncset.done $0x0  }
0xa4: {  	s25 =	simm.s32 $0x1B8E;
	s24 =	sld [smem:$0x3FFE];
	[sflag:s23] =	ssyncadd.s32 $0xFFFFFFFF  }
0xa5: {  	s26 =	simm.s32 $execute0_lowered;
	[smem:$0x3FD2] =	sst s25  }
0xa6: {  	s5 =	sshll.u32 s26, $0x1;
	_ =	strace $0x80000049;
	[dreg:$0x1] =	wrdreg $0xFFFFFFFF  }
0xa7: {  	s28 =	simm.s32 $_size_execute0_lowered;
	s3 =	sadd.s32 s3, s5;
	[dreg:$0x0] =	wrdreg $0x0  }
0xa8: {  	s5 =	sshll.u32 s28, $0x1;
	[dreg:$0x2] =	wrdreg s3  }
0xa9: {  	[dreg:$0x3] =	wrdreg s5  }
0xaa: {  	[dreg:$0x4] =	wrdreg $0xC0  }
0xab: {  	_ =	task [dreg:s7], $0x5FFFF  }
0xac: {  	[dreg:$0x1] =	wrdreg $0xFFFFFFFF  }
0xad: {  	[dreg:$0x0] =	wrdreg $0x60  }
0xae: {  	[dreg:$0x2] =	wrdreg s24  }
0xaf: {  	[dreg:$0x3] =	wrdreg s2  }
0xb0: {  	[dreg:$0x4] =	wrdreg $0x9  }
0xb1: {  	_ =	task.clear_ibuf [dreg:s7], $0x5FFFF;
	_ =	strace $0x90000049  }
0xb2: {  	s29 =	simm.s32 $0x9;
	_ =	strace $0x8000004B  }
0xb3: {  	_ =	swait.ge [sflag:s29], $0x1  }
0xb4: {  	[sflag:s29] =	ssyncadd.s32 $0xFFFFFFFF  }
0xb5: {  	_ =	strace $0x9000004B  }
0xb6: {  	_ =	sfence  }
0xb7: {  	s30 =	sld [smem:$0x0];
	_ =	sdelay $0x2  }
0xb8: {  	s31 =	sshll.u32 s1, $0xD;
	s1 =	sshrl.u32 s1, $0x2  }
0xb9: {  	s3 =	sand.u32 $0x4000, s31;
	s1 =	sadd.s32 s1, s30  }
0xba: {  	s0 =	sor.u32 s3, s0;
	s1 =	sshll.u32 s1, $0x11  }
0xbb: {  	s0 =	sor.u32 s1, s0  }
0xbc: {  	s0 =	sadd.s32 $0x8F2B, s0  }
0xbd: {  	[sflag:s0] =	ssyncadd.remote.s32 $0x1  }
0xbe: {  	_ =	sfence.sel $0xFFFF  }
0xbf: {  	[dreg:$0x0] =	wrdreg $0xFFFFFFFF;
	(pc) =	sbr.abs _section_cstart, $3  }
0xc0: {  	[dreg:$0x1] =	wrdreg $0xFFFFFFFF  }
0xc1: {  	_ =	task.clear_ibuf [dreg:s7], $0x2FFFF;
	_ =	strace $0x9FFFFFFF  }
0xc2: {  	(tm) =	ssettm $0x7FFFFFFF  }
0xc3: {  	_ =	shalt  }
tec
execute0_lowered:
.L_overlay_start_1:
0x0: {  	(tag) =	ssettag $0x1  }
0x1: {  	s0 =	rddreg [dreg:$0x0]  }
0x2: {  	s1 =	rddreg [dreg:$0x1]  }
0x3: {  	s2 =	srdreg.scid;
	s4 =	stileid.u32  }
0x4: {  	s15 =	simm.s32 $0x2;
	s16 =	simm.s32 $0x9000;
	s17 =	simm.s32 $0xA800  }
0x5: {  	s18 =	simm.s32 $0xB000;
	s19 =	simm.s32 $0xB800;
	s20 =	simm.s32 $0xC800  }
0x6: {  	s21 =	simm.s32 $0xD800;
	s11 =	simm.s32 $0xE000;
	s22 =	simm.s32 $0xE800  }
0x7: {  	s12 =	simm.s32 $0xF000;
	s23 =	simm.s32 $0xF800;
	s13 =	simm.s32 $0x10000  }
0x8: {  	s24 =	simm.s32 $0x1;
	s25 =	simm.s32 $0x0;
	s3 =	sand.u32 $0x1, s2  }
0x9: {  	s2 =	simm.s32 $0x0;
	s4 =	sshll.u32 s4, $0x7;
	s9 =	sadd.s32 $0xA1600, s0  }
0xa: {  	s8 =	sadd.s32 $0xE1900, s0;
	s5 =	sshll.u32 s3, $0x6;
	[smem:$0x7FF] =	sst s2  }
0xb: {  	s6 =	ssub.s32 $0x2, s3;
	s3 =	sadd.s32 $0xE1600, s0;
	s4 =	sor.u32 s5, s4  }
0xc: {  	s7 =	sshrl.u32 s6, $0x1;
	s5 =	sshrl.u32 s4, $0x3;
	s4 =	sshll.u32 s4, $0x7  }
0xd: {  	_ =	strace $0x8000004A;
	s10 =	ssub.s32 s6, s7;
	s29 =	sadd.s32 s9, s4  }
0xe: {  	s28 =	sor.u32 $0x1000, s4;
	s4 =	sadd.s32 s1, s4;
	[dreg:$0x5] =	wrdreg s29  }
0xf: {  	s5 =	sadd.s32 s5, s0;
	s31 =	smax.u32 s10, $0x1;
	[dreg:$0x6] =	wrdreg s4  }
0x10: {  	s6 =	sadd.s32 $0xE1700, s0;
	s26 =	sadd.s32 $0xA00, s5;
	[dreg:$0x9] =	wrdreg s31  }
0x11: {  	s7 =	sadd.s32 $0xE1800, s0;
	s5 =	sadd.s32 $0xC00, s5;
	[dreg:$0x3] =	wrdreg s26  }
0x12: {  	v2 =	vlaneseq.u32;
	s10 =	simm.s32 $0xD000;
	s30 =	sadd.s32 s9, s28;
	[dreg:$0x4] =	wrdreg s5  }
0x13: {  	vm0 =	vmmov $0xffff;
	v1 =	vshrl.u32 v2, $0x3;
	s0 =	sadd.s32 s1, s28;
	s4 =	simm.s32 $0x9800;
	[dreg:$0x7] =	wrdreg s30  }
0x14: {  	v0 =	vand.u32 $0x7, v2;
	v2 =	vor.u32 $0x8, v2;
	v1 =	vmul.u32 $0x8, v1;
	s9 =	simm.s32 $0xC000;
	[dreg:$0x8] =	wrdreg s0;
	s5 =	simm.s32 $0xA000  }
.LBB2_1:
0x15: {  	s0 =	rddreg [dreg:$0x3];
	s1 =	simm.s32 $0x18000  }
0x16: {  	[tilespmem:s1], [sflag:$0x2] =	stream.linear.gather [hbm4b:s0+s2], $0x40, $0x38;
	[tilespmem:$0x18100] =	vst v63  }
0x17: {  	_ =	swait.ge [sflag:s15], $0x40  }
0x18: {  	[sflag:s15] =	ssyncset.done $0x0  }
0x19: {  	s14 =	simm.s32 $0x18080;
	s1 =	rddreg [dreg:$0x4];
	[sflag:s15] =	ssyncadd.s32 $0xFFFFFFC0  }
0x1a: {  	[tilespmem:s14], [sflag:$0x2] =	stream.linear.gather [hbm4b:s1+s2], $0x40, $0x38;
	[tilespmem:$0x18100] =	vst v63  }
0x1b: {  	_ =	swait.ge [sflag:s15], $0x40  }
0x1c: {  	[sflag:s15] =	ssyncset.done $0x0  }
0x1d: {  	[sflag:s15] =	ssyncadd.s32 $0xFFFFFFC0  }
0x1e: {  	v3 =	vld [tilespmem:$0x18000];
	_ =	sdelay $0x4  }
0x1f: {  	v4 =	vshll.u32 v3, $0x3  }
0x20: {  	v3 =	vand.u32 $0x7, v3;
	v4 =	vand.u32 $0xFFFFFFC0, v4  }
0x21: {  	v3 =	vor.u32 v3, v4  }
0x22: {  	v4 =	vperm.xlane v3, v0;
	_ =	sdelay $0x1  }
0x23: {  	v4 =	vadd.s32 v1, v4;
	_ =	sdelay $0x4  }
0x24: {  	[tilespmem:s2], [sflag:$0x1] =	stream.indirect_vreg.gather [hbm4b:s3+s2], $0x80, v4, vm0, $0xb8;
	[tilespmem:$0x18100] =	vst v63  }
0x25: {  	s26 =	simm.s32 $0x800;
	v3 =	vperm.xlane v3, v2  }
0x26: {  	[tilespmem:s26], [sflag:$0x1] =	stream.indirect_vreg.gather [hbm4b:s6+s2], $0x80, v4, vm0, $0xb8;
	[tilespmem:$0x18100] =	vst v63  }
0x27: {  	s30 =	simm.s32 $0x1000;
	v3 =	vadd.s32 v1, v3  }
0x28: {  	[tilespmem:s30], [sflag:$0x1] =	stream.indirect_vreg.gather [hbm4b:s7+s2], $0x80, v4, vm0, $0xb8;
	[tilespmem:$0x18100] =	vst v63  }
0x29: {  	s31 =	simm.s32 $0x1800  }
0x2a: {  	[tilespmem:s31], [sflag:$0x1] =	stream.indirect_vreg.gather [hbm4b:s8+s2], $0x80, v4, vm0, $0xb8;
	[tilespmem:$0x18100] =	vst v63  }
0x2b: {  	s1 =	simm.s32 $0x2000  }
0x2c: {  	[tilespmem:s1], [sflag:$0x1] =	stream.indirect_vreg.gather [hbm4b:s3+s2], $0x80, v3, vm0, $0xb8;
	[tilespmem:$0x18100] =	vst v63  }
0x2d: {  	s14 =	simm.s32 $0x2800  }
0x2e: {  	[tilespmem:s14], [sflag:$0x1] =	stream.indirect_vreg.gather [hbm4b:s6+s2], $0x80, v3, vm0, $0xb8;
	[tilespmem:$0x18100] =	vst v63  }
0x2f: {  	s26 =	simm.s32 $0x3000  }
0x30: {  	[tilespmem:s26], [sflag:$0x1] =	stream.indirect_vreg.gather [hbm4b:s7+s2], $0x80, v3, vm0, $0xb8;
	[tilespmem:$0x18100] =	vst v63  }
0x31: {  	s30 =	simm.s32 $0x3800  }
0x32: {  	[tilespmem:s30], [sflag:$0x1] =	stream.indirect_vreg.gather [hbm4b:s8+s2], $0x80, v3, vm0, $0xb8;
	[tilespmem:$0x18100] =	vst v63  }
0x33: {  	v3 =	vld [tilespmem:$0x18010];
	_ =	sdelay $0x4  }
0x34: {  	v61 =	vshll.u32 v3, $0x3  }
0x35: {  	v3 =	vand.u32 $0x7, v3;
	v4 =	vand.u32 $0xFFFFFFC0, v61  }
0x36: {  	v3 =	vor.u32 v3, v4  }
0x37: {  	v4 =	vperm.xlane v3, v0;
	_ =	sdelay $0x1  }
0x38: {  	v4 =	vadd.s32 v1, v4;
	_ =	sdelay $0x3  }
0x39: {  	s31 =	simm.s32 $0x4000  }
0x3a: {  	[tilespmem:s31], [sflag:$0x1] =	stream.indirect_vreg.gather [hbm4b:s3+s2], $0x80, v4, vm0, $0xb8;
	[tilespmem:$0x18100] =	vst v63  }
0x3b: {  	s1 =	simm.s32 $0x4800;
	v3 =	vperm.xlane v3, v2  }
0x3c: {  	[tilespmem:s1], [sflag:$0x1] =	stream.indirect_vreg.gather [hbm4b:s6+s2], $0x80, v4, vm0, $0xb8;
	[tilespmem:$0x18100] =	vst v63  }
0x3d: {  	s14 =	simm.s32 $0x5000;
	v3 =	vadd.s32 v1, v3  }
0x3e: {  	[tilespmem:s14], [sflag:$0x1] =	stream.indirect_vreg.gather [hbm4b:s7+s2], $0x80, v4, vm0, $0xb8;
	[tilespmem:$0x18100] =	vst v63  }
0x3f: {  	s26 =	simm.s32 $0x5800  }
0x40: {  	[tilespmem:s26], [sflag:$0x1] =	stream.indirect_vreg.gather [hbm4b:s8+s2], $0x80, v4, vm0, $0xb8;
	[tilespmem:$0x18100] =	vst v63  }
0x41: {  	s30 =	simm.s32 $0x6000  }
0x42: {  	[tilespmem:s30], [sflag:$0x1] =	stream.indirect_vreg.gather [hbm4b:s3+s2], $0x80, v3, vm0, $0xb8;
	[tilespmem:$0x18100] =	vst v63  }
0x43: {  	s31 =	simm.s32 $0x6800  }
0x44: {  	[tilespmem:s31], [sflag:$0x1] =	stream.indirect_vreg.gather [hbm4b:s6+s2], $0x80, v3, vm0, $0xb8;
	[tilespmem:$0x18100] =	vst v63  }
0x45: {  	s1 =	simm.s32 $0x7000  }
0x46: {  	[tilespmem:s1], [sflag:$0x1] =	stream.indirect_vreg.gather [hbm4b:s7+s2], $0x80, v3, vm0, $0xb8;
	[tilespmem:$0x18100] =	vst v63  }
0x47: {  	s14 =	simm.s32 $0x7800  }
0x48: {  	[tilespmem:s14], [sflag:$0x1] =	stream.indirect_vreg.gather [hbm4b:s8+s2], $0x80, v3, vm0, $0xb8;
	[tilespmem:$0x18100] =	vst v63  }
0x49: {  	v3 =	vld [tilespmem:$0x18080];
	_ =	sdelay $0x4  }
0x4a: {  	v62 =	vshll.u32 v3, $0x3  }
0x4b: {  	v3 =	vand.u32 $0x7, v3;
	v4 =	vand.u32 $0xFFFFFFC0, v62  }
0x4c: {  	v3 =	vor.u32 v3, v4  }
0x4d: {  	v4 =	vperm.xlane v3, v0;
	_ =	sdelay $0x1  }
0x4e: {  	v4 =	vadd.s32 v1, v4;
	_ =	sdelay $0x3  }
0x4f: {  	s26 =	simm.s32 $0x8000  }
0x50: {  	[tilespmem:s26], [sflag:$0x1] =	stream.indirect_vreg.gather [hbm4b:s3+s2], $0x80, v4, vm0, $0xb8;
	[tilespmem:$0x18100] =	vst v63  }
0x51: {  	s30 =	simm.s32 $0x8800;
	v3 =	vperm.xlane v3, v2  }
0x52: {  	[tilespmem:s30], [sflag:$0x1] =	stream.indirect_vreg.gather [hbm4b:s6+s2], $0x80, v4, vm0, $0xb8;
	[tilespmem:$0x18100] =	vst v63  }
0x53: {  	v3 =	vadd.s32 v1, v3  }
0x54: {  	[tilespmem:s16], [sflag:$0x1] =	stream.indirect_vreg.gather [hbm4b:s7+s2], $0x80, v4, vm0, $0xb8;
	[tilespmem:$0x18100] =	vst v63  }
0x55: {  	_ = 	snop  }
0x56: {  	[tilespmem:s4], [sflag:$0x1] =	stream.indirect_vreg.gather [hbm4b:s8+s2], $0x80, v4, vm0, $0xb8;
	[tilespmem:$0x18100] =	vst v63  }
0x57: {  	_ = 	snop  }
0x58: {  	[tilespmem:s5], [sflag:$0x1] =	stream.indirect_vreg.gather [hbm4b:s3+s2], $0x80, v3, vm0, $0xb8;
	[tilespmem:$0x18100] =	vst v63  }
0x59: {  	_ = 	snop  }
0x5a: {  	[tilespmem:s17], [sflag:$0x1] =	stream.indirect_vreg.gather [hbm4b:s6+s2], $0x80, v3, vm0, $0xb8;
	[tilespmem:$0x18100] =	vst v63  }
0x5b: {  	_ = 	snop  }
0x5c: {  	[tilespmem:s18], [sflag:$0x1] =	stream.indirect_vreg.gather [hbm4b:s7+s2], $0x80, v3, vm0, $0xb8;
	[tilespmem:$0x18100] =	vst v63  }
0x5d: {  	_ = 	snop  }
0x5e: {  	[tilespmem:s19], [sflag:$0x1] =	stream.indirect_vreg.gather [hbm4b:s8+s2], $0x80, v3, vm0, $0xb8;
	[tilespmem:$0x18100] =	vst v63  }
0x5f: {  	v3 =	vld [tilespmem:$0x18090];
	_ =	sdelay $0x4  }
0x60: {  	v63 =	vshll.u32 v3, $0x3  }
0x61: {  	v3 =	vand.u32 $0x7, v3;
	v4 =	vand.u32 $0xFFFFFFC0, v63  }
0x62: {  	v3 =	vor.u32 v3, v4  }
0x63: {  	v4 =	vperm.xlane v3, v0;
	_ =	sdelay $0x1  }
0x64: {  	v4 =	vadd.s32 v1, v4;
	_ =	sdelay $0x4  }
0x65: {  	[tilespmem:s9], [sflag:$0x1] =	stream.indirect_vreg.gather [hbm4b:s3+s2], $0x80, v4, vm0, $0xb8;
	[tilespmem:$0x18100] =	vst v63  }
0x66: {  	v3 =	vperm.xlane v3, v2  }
0x67: {  	[tilespmem:s20], [sflag:$0x1] =	stream.indirect_vreg.gather [hbm4b:s6+s2], $0x80, v4, vm0, $0xb8;
	[tilespmem:$0x18100] =	vst v63  }
0x68: {  	v3 =	vadd.s32 v1, v3  }
0x69: {  	[tilespmem:s10], [sflag:$0x1] =	stream.indirect_vreg.gather [hbm4b:s7+s2], $0x80, v4, vm0, $0xb8;
	[tilespmem:$0x18100] =	vst v63  }
0x6a: {  	_ = 	snop  }
0x6b: {  	[tilespmem:s21], [sflag:$0x1] =	stream.indirect_vreg.gather [hbm4b:s8+s2], $0x80, v4, vm0, $0xb8;
	[tilespmem:$0x18100] =	vst v63  }
0x6c: {  	_ = 	snop  }
0x6d: {  	[tilespmem:s11], [sflag:$0x1] =	stream.indirect_vreg.gather [hbm4b:s3+s2], $0x80, v3, vm0, $0xb8;
	[tilespmem:$0x18100] =	vst v63  }
0x6e: {  	_ = 	snop  }
0x6f: {  	[tilespmem:s22], [sflag:$0x1] =	stream.indirect_vreg.gather [hbm4b:s6+s2], $0x80, v3, vm0, $0xb8;
	[tilespmem:$0x18100] =	vst v63  }
0x70: {  	_ = 	snop  }
0x71: {  	[tilespmem:s12], [sflag:$0x1] =	stream.indirect_vreg.gather [hbm4b:s7+s2], $0x80, v3, vm0, $0xb8;
	[tilespmem:$0x18100] =	vst v63  }
0x72: {  	_ = 	snop  }
0x73: {  	[tilespmem:s23], [sflag:$0x1] =	stream.indirect_vreg.gather [hbm4b:s8+s2], $0x80, v3, vm0, $0xb8;
	[tilespmem:$0x18100] =	vst v63  }
0x74: {  	s31 =	rddreg [dreg:$0x5]  }
0x75: {  	[tilespmem:s13], [sflag:$0x2] =	stream.linear.gather [hbm4b:s31+s2], $0x8000, $0x38;
	[tilespmem:$0x18100] =	vst v63  }
0x76: {  	_ =	swait.ge [sflag:s15], $0x8000  }
0x77: {  	[sflag:s15] =	ssyncset.done $0x0  }
0x78: {  	[sflag:s15] =	ssyncadd.s32 $0xFFFF8000  }
0x79: {  	_ =	swait.ge [sflag:s24], $0x8000  }
0x7a: {  	[sflag:s24] =	ssyncset.done $0x0  }
0x7b: {  	[sflag:s24] =	ssyncadd.s32 $0xFFFF8000  }
0x7c: {  	_ =	swait.ge [sflag:s24], $0x8000  }
0x7d: {  	s28 =	simm.s32 $0x0;
	[sflag:s24] =	ssyncset.done $0x0  }
0x7e: {  	s29 =	simm.s32 $0x0;
	s26 =	simm.s32 $0x0;
	[sflag:s24] =	ssyncadd.s32 $0xFFFF8000  }
.LBB2_2:
0x7f: {  	s0 =	sshll.u32 s28, $0x2;
	s1 =	sand.u32 $0x7, s26  }
0x80: {  	s0 =	sand.u32 $0xFFFF8000, s0;
	s1 =	sshll.u32 s1, $0x9  }
0x81: {  	s0 =	sor.u32 s1, s0  }
0x82: {  	s0 =	sshrl.u32 s0, $0x2  }
0x83: {  	s14 =	sadd.s32 $0x8040, s0  }
0x84: {  	s30 =	sor.u32 $0x40, s0;
	v3 =	vld [tilespmem:s14+$0xFFFFFFC0]  }
0x85: {  	v4 =	vld [tilespmem:s30+$0xFFFFFFC0]  }
0x86: {  	s31 =	sadd.s32 $0x10040, s0  }
0x87: {  	v5 =	vld [tilespmem:s31+$0xFFFFFFC0];
	_ =	sdelay $0x2  }
0x88: {  	v3 =	vadd.f32 v3, v4;
	_ =	sdelay $0x1  }
0x89: {  	v3 =	vadd.f32 v3, v5;
	_ =	sdelay $0x1  }
0x8a: {  	[tilespmem:s31+$0xFFFFFFC0] =	vst v3  }
0x8b: {  	v3 =	vld [tilespmem:s30+$0xFFFFFFD0]  }
0x8c: {  	v4 =	vld [tilespmem:s14+$0xFFFFFFD0];
	_ =	sdelay $0x1  }
0x8d: {  	v5 =	vld [tilespmem:s31+$0xFFFFFFD0];
	_ =	sdelay $0x2  }
0x8e: {  	v3 =	vadd.f32 v4, v3;
	_ =	sdelay $0x1  }
0x8f: {  	v3 =	vadd.f32 v3, v5;
	_ =	sdelay $0x1  }
0x90: {  	[tilespmem:s31+$0xFFFFFFD0] =	vst v3  }
0x91: {  	v3 =	vld [tilespmem:s30+$0xFFFFFFE0]  }
0x92: {  	v4 =	vld [tilespmem:s14+$0xFFFFFFE0];
	_ =	sdelay $0x1  }
0x93: {  	v5 =	vld [tilespmem:s31+$0xFFFFFFE0];
	_ =	sdelay $0x2  }
0x94: {  	v3 =	vadd.f32 v4, v3;
	_ =	sdelay $0x1  }
0x95: {  	v3 =	vadd.f32 v3, v5;
	_ =	sdelay $0x1  }
0x96: {  	[tilespmem:s31+$0xFFFFFFE0] =	vst v3  }
0x97: {  	v3 =	vld [tilespmem:s30+$0xFFFFFFF0]  }
0x98: {  	v4 =	vld [tilespmem:s14+$0xFFFFFFF0];
	_ =	sdelay $0x1  }
0x99: {  	v5 =	vld [tilespmem:s31+$0xFFFFFFF0];
	_ =	sdelay $0x2  }
0x9a: {  	v3 =	vadd.f32 v4, v3;
	_ =	sdelay $0x1  }
0x9b: {  	v3 =	vadd.f32 v3, v5;
	_ =	sdelay $0x1  }
0x9c: {  	[tilespmem:s31+$0xFFFFFFF0] =	vst v3  }
0x9d: {  	v3 =	vld [tilespmem:s30+$0x0]  }
0x9e: {  	v4 =	vld [tilespmem:s14+$0x0];
	_ =	sdelay $0x1  }
0x9f: {  	v5 =	vld [tilespmem:s31+$0x0];
	_ =	sdelay $0x2  }
0xa0: {  	v3 =	vadd.f32 v4, v3;
	_ =	sdelay $0x1  }
0xa1: {  	v3 =	vadd.f32 v3, v5;
	_ =	sdelay $0x1  }
0xa2: {  	[tilespmem:s31+$0x0] =	vst v3  }
0xa3: {  	v3 =	vld [tilespmem:s30+$0x10]  }
0xa4: {  	v5 =	vld [tilespmem:s14+$0x10];
	_ =	sdelay $0x1  }
0xa5: {  	v4 =	vld [tilespmem:s31+$0x10];
	_ =	sdelay $0x2  }
0xa6: {  	v3 =	vadd.f32 v5, v3;
	_ =	sdelay $0x1  }
0xa7: {  	v3 =	vadd.f32 v3, v4;
	_ =	sdelay $0x1  }
0xa8: {  	[tilespmem:s31+$0x10] =	vst v3  }
0xa9: {  	v3 =	vld [tilespmem:s30+$0x20]  }
0xaa: {  	v5 =	vld [tilespmem:s14+$0x20];
	_ =	sdelay $0x1  }
0xab: {  	v4 =	vld [tilespmem:s31+$0x20];
	_ =	sdelay $0x2  }
0xac: {  	v3 =	vadd.f32 v5, v3;
	_ =	sdelay $0x1  }
0xad: {  	v4 =	vadd.f32 v3, v4;
	_ =	sdelay $0x1  }
0xae: {  	[tilespmem:s31+$0x20] =	vst v4  }
0xaf: {  	v4 =	vld [tilespmem:s30+$0x30]  }
0xb0: {  	v5 =	vld [tilespmem:s14+$0x30]  }
0xb1: {  	s1 =	simm.s32 $0x0;
	s0 =	smov.u32 s31;
	v3 =	vld [tilespmem:s31+$0x30];
	s14 =	sadd.s32 $0x400, s14  }
.LBB2_3:
0xb2: {  	s1 =	sadd.s32 $0x8, s1;
	s31 =	sadd.s32 $0x400, s31;
	s30 =	sadd.s32 $0x400, s30  }
0xb3: {  	p0 =	slt.u32 s1, $0x38;
	_ =	sdelay $0x1  }
0xb4: {  	v4 =	vadd.f32 v5, v4;
	_ =	sdelay $0x1  }
0xb5: {  	v3 =	vadd.f32 v4, v3;
	_ =	sdelay $0x1  }
0xb6: {  	[tilespmem:s0+$0x30] =	vst v3;
	s0 =	smov.u32 s31  }
0xb7: {  	v3 =	vld [tilespmem:s14+$0xFFFFFFC0]  }
0xb8: {  	v4 =	vld [tilespmem:s30+$0xFFFFFFC0];
	_ =	sdelay $0x1  }
0xb9: {  	v5 =	vld [tilespmem:s31+$0xFFFFFFC0];
	_ =	sdelay $0x2  }
0xba: {  	v3 =	vadd.f32 v3, v4;
	_ =	sdelay $0x1  }
0xbb: {  	v3 =	vadd.f32 v3, v5;
	_ =	sdelay $0x1  }
0xbc: {  	[tilespmem:s31+$0xFFFFFFC0] =	vst v3  }
0xbd: {  	v3 =	vld [tilespmem:s30+$0xFFFFFFD0]  }
0xbe: {  	v4 =	vld [tilespmem:s14+$0xFFFFFFD0]  }
0xbf: {  	v5 =	vld [tilespmem:s31+$0xFFFFFFD0];
	_ =	sdelay $0x3  }
0xc0: {  	v3 =	vadd.f32 v4, v3;
	_ =	sdelay $0x1  }
0xc1: {  	v3 =	vadd.f32 v3, v5;
	_ =	sdelay $0x1  }
0xc2: {  	[tilespmem:s31+$0xFFFFFFD0] =	vst v3;
	v3 =	vld [tilespmem:s31+$0xFFFFFFE0]  }
0xc3: {  	v4 =	vld [tilespmem:s30+$0xFFFFFFE0]  }
0xc4: {  	v5 =	vld [tilespmem:s14+$0xFFFFFFE0];
	_ =	sdelay $0x4  }
0xc5: {  	v4 =	vadd.f32 v5, v4;
	_ =	sdelay $0x1  }
0xc6: {  	v3 =	vadd.f32 v4, v3;
	_ =	sdelay $0x1  }
0xc7: {  	[tilespmem:s31+$0xFFFFFFE0] =	vst v3;
	v3 =	vld [tilespmem:s31+$0xFFFFFFF0]  }
0xc8: {  	v4 =	vld [tilespmem:s30+$0xFFFFFFF0]  }
0xc9: {  	v5 =	vld [tilespmem:s14+$0xFFFFFFF0];
	_ =	sdelay $0x4  }
0xca: {  	v4 =	vadd.f32 v5, v4;
	_ =	sdelay $0x1  }
0xcb: {  	v3 =	vadd.f32 v4, v3;
	_ =	sdelay $0x1  }
0xcc: {  	[tilespmem:s31+$0xFFFFFFF0] =	vst v3;
	v3 =	vld [tilespmem:s31+$0x0]  }
0xcd: {  	v4 =	vld [tilespmem:s30+$0x0]  }
0xce: {  	v5 =	vld [tilespmem:s14+$0x0];
	_ =	sdelay $0x4  }
0xcf: {  	v4 =	vadd.f32 v5, v4;
	_ =	sdelay $0x1  }
0xd0: {  	v3 =	vadd.f32 v4, v3  }
0xd1: {  	v4 =	vld [tilespmem:s31+$0x10]  }
0xd2: {  	[tilespmem:s31+$0x0] =	vst v3  }
0xd3: {  	v3 =	vld [tilespmem:s30+$0x10]  }
0xd4: {  	v5 =	vld [tilespmem:s14+$0x10];
	_ =	sdelay $0x4  }
0xd5: {  	v3 =	vadd.f32 v5, v3;
	_ =	sdelay $0x1  }
0xd6: {  	v3 =	vadd.f32 v3, v4;
	v4 =	vld [tilespmem:s31+$0x20];
	_ =	sdelay $0x1  }
0xd7: {  	[tilespmem:s31+$0x10] =	vst v3  }
0xd8: {  	v3 =	vld [tilespmem:s30+$0x20]  }
0xd9: {  	v5 =	vld [tilespmem:s14+$0x20];
	_ =	sdelay $0x4  }
0xda: {  	v5 =	vadd.f32 v5, v3  }
0xdb: {  	v3 =	vld [tilespmem:s31+$0x30]  }
0xdc: {  	v4 =	vadd.f32 v5, v4  }
.Ltmp0:
0xdd: {  	(pc) =	sbr.rel @p0 .LBB2_3-.Ltmp0, $4  }
0xde: {  	[tilespmem:s31+$0x20] =	vst v4  }
0xdf: {  	v4 =	vld [tilespmem:s30+$0x30]  }
0xe0: {  	v5 =	vld [tilespmem:s14+$0x30]  }
0xe1: {  	s14 =	sadd.s32 $0x400, s14  }
0xe2: {  	_ = 	snop  }
0xe3: {  	s29 =	sadd.s32 $0x1, s29  }
0xe4: {  	p0 =	sne.s32 s29, $0x20  }
.Ltmp1:
0xe5: {  	v4 =	vadd.f32 v5, v4;
	(pc) =	sbr.rel @p0 .LBB2_2-.Ltmp1, $3  }
0xe6: {  	_ = 	snop  }
0xe7: {  	v3 =	vadd.f32 v4, v3;
	_ =	sdelay $0x1  }
0xe8: {  	s28 =	sadd.s32 $0x400, s28;
	s26 =	sadd.s32 $0x1, s26;
	[tilespmem:s0+$0x30] =	vst v3  }
0xe9: {  	s26 =	simm.s32 $0x0;
	s0 =	rddreg [dreg:$0x6]  }
0xea: {  	[hbm4b:s0+s26] =	stream.linear.scatter [tilespmem:s13], [sflag:$0x2], $0x8000, $0x38;
	[tilespmem:$0x18100] =	vst v63  }
0xeb: {  	_ =	swait.ge [sflag:s15], $0x8000  }
0xec: {  	[sflag:s15] =	ssyncset.done $0x0  }
0xed: {  	[sflag:s15] =	ssyncadd.s32 $0xFFFF8000  }
0xee: {  	v3 =	vld [tilespmem:$0x18020];
	_ =	sdelay $0x4  }
0xef: {  	v4 =	vshll.u32 v3, $0x3  }
0xf0: {  	v3 =	vand.u32 $0x7, v3;
	v4 =	vand.u32 $0xFFFFFFC0, v4  }
0xf1: {  	v3 =	vor.u32 v3, v4  }
0xf2: {  	v4 =	vperm.xlane v3, v0;
	_ =	sdelay $0x1  }
0xf3: {  	v4 =	vadd.s32 v1, v4;
	_ =	sdelay $0x4  }
0xf4: {  	[tilespmem:s26], [sflag:$0x1] =	stream.indirect_vreg.gather [hbm4b:s3+s26], $0x80, v4, vm0, $0xb8;
	[tilespmem:$0x18100] =	vst v63  }
0xf5: {  	s30 =	simm.s32 $0x800;
	v3 =	vperm.xlane v3, v2  }
0xf6: {  	[tilespmem:s30], [sflag:$0x1] =	stream.indirect_vreg.gather [hbm4b:s6+s26], $0x80, v4, vm0, $0xb8;
	[tilespmem:$0x18100] =	vst v63  }
0xf7: {  	s31 =	simm.s32 $0x1000;
	v3 =	vadd.s32 v1, v3  }
0xf8: {  	[tilespmem:s31], [sflag:$0x1] =	stream.indirect_vreg.gather [hbm4b:s7+s26], $0x80, v4, vm0, $0xb8;
	[tilespmem:$0x18100] =	vst v63  }
0xf9: {  	s1 =	simm.s32 $0x1800  }
0xfa: {  	[tilespmem:s1], [sflag:$0x1] =	stream.indirect_vreg.gather [hbm4b:s8+s26], $0x80, v4, vm0, $0xb8;
	[tilespmem:$0x18100] =	vst v63  }
0xfb: {  	s14 =	simm.s32 $0x2000  }
0xfc: {  	[tilespmem:s14], [sflag:$0x1] =	stream.indirect_vreg.gather [hbm4b:s3+s26], $0x80, v3, vm0, $0xb8;
	[tilespmem:$0x18100] =	vst v63  }
0xfd: {  	s30 =	simm.s32 $0x2800  }
0xfe: {  	[tilespmem:s30], [sflag:$0x1] =	stream.indirect_vreg.gather [hbm4b:s6+s26], $0x80, v3, vm0, $0xb8;
	[tilespmem:$0x18100] =	vst v63  }
0xff: {  	s31 =	simm.s32 $0x3000  }
0x100: {  	[tilespmem:s31], [sflag:$0x1] =	stream.indirect_vreg.gather [hbm4b:s7+s26], $0x80, v3, vm0, $0xb8;
	[tilespmem:$0x18100] =	vst v63  }
0x101: {  	s1 =	simm.s32 $0x3800  }
0x102: {  	[tilespmem:s1], [sflag:$0x1] =	stream.indirect_vreg.gather [hbm4b:s8+s26], $0x80, v3, vm0, $0xb8;
	[tilespmem:$0x18100] =	vst v63  }
0x103: {  	v3 =	vld [tilespmem:$0x18030];
	_ =	sdelay $0x4  }
0x104: {  	v61 =	vshll.u32 v3, $0x3  }
0x105: {  	v3 =	vand.u32 $0x7, v3;
	v4 =	vand.u32 $0xFFFFFFC0, v61  }
0x106: {  	v3 =	vor.u32 v3, v4  }
0x107: {  	v4 =	vperm.xlane v3, v0;
	_ =	sdelay $0x1  }
0x108: {  	v4 =	vadd.s32 v1, v4;
	_ =	sdelay $0x3  }
0x109: {  	s14 =	simm.s32 $0x4000  }
0x10a: {  	[tilespmem:s14], [sflag:$0x1] =	stream.indirect_vreg.gather [hbm4b:s3+s26], $0x80, v4, vm0, $0xb8;
	[tilespmem:$0x18100] =	vst v63  }
0x10b: {  	s30 =	simm.s32 $0x4800;
	v3 =	vperm.xlane v3, v2  }
0x10c: {  	[tilespmem:s30], [sflag:$0x1] =	stream.indirect_vreg.gather [hbm4b:s6+s26], $0x80, v4, vm0, $0xb8;
	[tilespmem:$0x18100] =	vst v63  }
0x10d: {  	s31 =	simm.s32 $0x5000;
	v3 =	vadd.s32 v1, v3  }
0x10e: {  	[tilespmem:s31], [sflag:$0x1] =	stream.indirect_vreg.gather [hbm4b:s7+s26], $0x80, v4, vm0, $0xb8;
	[tilespmem:$0x18100] =	vst v63  }
0x10f: {  	s1 =	simm.s32 $0x5800  }
0x110: {  	[tilespmem:s1], [sflag:$0x1] =	stream.indirect_vreg.gather [hbm4b:s8+s26], $0x80, v4, vm0, $0xb8;
	[tilespmem:$0x18100] =	vst v63  }
0x111: {  	s14 =	simm.s32 $0x6000  }
0x112: {  	[tilespmem:s14], [sflag:$0x1] =	stream.indirect_vreg.gather [hbm4b:s3+s26], $0x80, v3, vm0, $0xb8;
	[tilespmem:$0x18100] =	vst v63  }
0x113: {  	s30 =	simm.s32 $0x6800  }
0x114: {  	[tilespmem:s30], [sflag:$0x1] =	stream.indirect_vreg.gather [hbm4b:s6+s26], $0x80, v3, vm0, $0xb8;
	[tilespmem:$0x18100] =	vst v63  }
0x115: {  	s31 =	simm.s32 $0x7000  }
0x116: {  	[tilespmem:s31], [sflag:$0x1] =	stream.indirect_vreg.gather [hbm4b:s7+s26], $0x80, v3, vm0, $0xb8;
	[tilespmem:$0x18100] =	vst v63  }
0x117: {  	s1 =	simm.s32 $0x7800  }
0x118: {  	[tilespmem:s1], [sflag:$0x1] =	stream.indirect_vreg.gather [hbm4b:s8+s26], $0x80, v3, vm0, $0xb8;
	[tilespmem:$0x18100] =	vst v63  }
0x119: {  	v3 =	vld [tilespmem:$0x180A0];
	_ =	sdelay $0x4  }
0x11a: {  	v62 =	vshll.u32 v3, $0x3  }
0x11b: {  	v3 =	vand.u32 $0x7, v3;
	v4 =	vand.u32 $0xFFFFFFC0, v62  }
0x11c: {  	v3 =	vor.u32 v3, v4  }
0x11d: {  	v4 =	vperm.xlane v3, v0;
	_ =	sdelay $0x1  }
0x11e: {  	v4 =	vadd.s32 v1, v4;
	_ =	sdelay $0x3  }
0x11f: {  	s14 =	simm.s32 $0x8000  }
0x120: {  	[tilespmem:s14], [sflag:$0x1] =	stream.indirect_vreg.gather [hbm4b:s3+s26], $0x80, v4, vm0, $0xb8;
	[tilespmem:$0x18100] =	vst v63  }
0x121: {  	s30 =	simm.s32 $0x8800;
	v3 =	vperm.xlane v3, v2  }
0x122: {  	[tilespmem:s30], [sflag:$0x1] =	stream.indirect_vreg.gather [hbm4b:s6+s26], $0x80, v4, vm0, $0xb8;
	[tilespmem:$0x18100] =	vst v63  }
0x123: {  	v3 =	vadd.s32 v1, v3  }
0x124: {  	[tilespmem:s16], [sflag:$0x1] =	stream.indirect_vreg.gather [hbm4b:s7+s26], $0x80, v4, vm0, $0xb8;
	[tilespmem:$0x18100] =	vst v63  }
0x125: {  	_ = 	snop  }
0x126: {  	[tilespmem:s4], [sflag:$0x1] =	stream.indirect_vreg.gather [hbm4b:s8+s26], $0x80, v4, vm0, $0xb8;
	[tilespmem:$0x18100] =	vst v63  }
0x127: {  	_ = 	snop  }
0x128: {  	[tilespmem:s5], [sflag:$0x1] =	stream.indirect_vreg.gather [hbm4b:s3+s26], $0x80, v3, vm0, $0xb8;
	[tilespmem:$0x18100] =	vst v63  }
0x129: {  	_ = 	snop  }
0x12a: {  	[tilespmem:s17], [sflag:$0x1] =	stream.indirect_vreg.gather [hbm4b:s6+s26], $0x80, v3, vm0, $0xb8;
	[tilespmem:$0x18100] =	vst v63  }
0x12b: {  	_ = 	snop  }
0x12c: {  	[tilespmem:s18], [sflag:$0x1] =	stream.indirect_vreg.gather [hbm4b:s7+s26], $0x80, v3, vm0, $0xb8;
	[tilespmem:$0x18100] =	vst v63  }
0x12d: {  	_ = 	snop  }
0x12e: {  	[tilespmem:s19], [sflag:$0x1] =	stream.indirect_vreg.gather [hbm4b:s8+s26], $0x80, v3, vm0, $0xb8;
	[tilespmem:$0x18100] =	vst v63  }
0x12f: {  	v3 =	vld [tilespmem:$0x180B0];
	_ =	sdelay $0x4  }
0x130: {  	v63 =	vshll.u32 v3, $0x3  }
0x131: {  	v3 =	vand.u32 $0x7, v3;
	v4 =	vand.u32 $0xFFFFFFC0, v63  }
0x132: {  	v3 =	vor.u32 v3, v4  }
0x133: {  	v4 =	vperm.xlane v3, v0;
	_ =	sdelay $0x1  }
0x134: {  	v4 =	vadd.s32 v1, v4;
	_ =	sdelay $0x4  }
0x135: {  	[tilespmem:s9], [sflag:$0x1] =	stream.indirect_vreg.gather [hbm4b:s3+s26], $0x80, v4, vm0, $0xb8;
	[tilespmem:$0x18100] =	vst v63  }
0x136: {  	v3 =	vperm.xlane v3, v2  }
0x137: {  	[tilespmem:s20], [sflag:$0x1] =	stream.indirect_vreg.gather [hbm4b:s6+s26], $0x80, v4, vm0, $0xb8;
	[tilespmem:$0x18100] =	vst v63  }
0x138: {  	v3 =	vadd.s32 v1, v3  }
0x139: {  	[tilespmem:s10], [sflag:$0x1] =	stream.indirect_vreg.gather [hbm4b:s7+s26], $0x80, v4, vm0, $0xb8;
	[tilespmem:$0x18100] =	vst v63  }
0x13a: {  	_ = 	snop  }
0x13b: {  	[tilespmem:s21], [sflag:$0x1] =	stream.indirect_vreg.gather [hbm4b:s8+s26], $0x80, v4, vm0, $0xb8;
	[tilespmem:$0x18100] =	vst v63  }
0x13c: {  	_ = 	snop  }
0x13d: {  	[tilespmem:s11], [sflag:$0x1] =	stream.indirect_vreg.gather [hbm4b:s3+s26], $0x80, v3, vm0, $0xb8;
	[tilespmem:$0x18100] =	vst v63  }
0x13e: {  	_ = 	snop  }
0x13f: {  	[tilespmem:s22], [sflag:$0x1] =	stream.indirect_vreg.gather [hbm4b:s6+s26], $0x80, v3, vm0, $0xb8;
	[tilespmem:$0x18100] =	vst v63  }
0x140: {  	_ = 	snop  }
0x141: {  	[tilespmem:s12], [sflag:$0x1] =	stream.indirect_vreg.gather [hbm4b:s7+s26], $0x80, v3, vm0, $0xb8;
	[tilespmem:$0x18100] =	vst v63  }
0x142: {  	_ = 	snop  }
0x143: {  	[tilespmem:s23], [sflag:$0x1] =	stream.indirect_vreg.gather [hbm4b:s8+s26], $0x80, v3, vm0, $0xb8;
	[tilespmem:$0x18100] =	vst v63  }
0x144: {  	s31 =	rddreg [dreg:$0x7]  }
0x145: {  	[tilespmem:s13], [sflag:$0x2] =	stream.linear.gather [hbm4b:s31+s26], $0x8000, $0x38;
	[tilespmem:$0x18100] =	vst v63  }
0x146: {  	_ =	swait.ge [sflag:s15], $0x8000  }
0x147: {  	[sflag:s15] =	ssyncset.done $0x0  }
0x148: {  	[sflag:s15] =	ssyncadd.s32 $0xFFFF8000  }
0x149: {  	_ =	swait.ge [sflag:s24], $0x8000  }
0x14a: {  	[sflag:s24] =	ssyncset.done $0x0  }
0x14b: {  	[sflag:s24] =	ssyncadd.s32 $0xFFFF8000  }
0x14c: {  	_ =	swait.ge [sflag:s24], $0x8000  }
0x14d: {  	[sflag:s24] =	ssyncset.done $0x0  }
0x14e: {  	s28 =	simm.s32 $0x0;
	s29 =	simm.s32 $0x0;
	[sflag:s24] =	ssyncadd.s32 $0xFFFF8000  }
.LBB2_6:
0x14f: {  	s0 =	sshll.u32 s28, $0x2;
	s1 =	sand.u32 $0x7, s26  }
0x150: {  	s0 =	sand.u32 $0xFFFF8000, s0;
	s1 =	sshll.u32 s1, $0x9  }
0x151: {  	s0 =	sor.u32 s1, s0  }
0x152: {  	s0 =	sshrl.u32 s0, $0x2  }
0x153: {  	s14 =	sadd.s32 $0x8040, s0  }
0x154: {  	s30 =	sor.u32 $0x40, s0;
	v3 =	vld [tilespmem:s14+$0xFFFFFFC0]  }
0x155: {  	v4 =	vld [tilespmem:s30+$0xFFFFFFC0]  }
0x156: {  	s31 =	sadd.s32 $0x10040, s0  }
0x157: {  	v5 =	vld [tilespmem:s31+$0xFFFFFFC0];
	_ =	sdelay $0x2  }
0x158: {  	v3 =	vadd.f32 v3, v4;
	_ =	sdelay $0x1  }
0x159: {  	v3 =	vadd.f32 v3, v5;
	_ =	sdelay $0x1  }
0x15a: {  	[tilespmem:s31+$0xFFFFFFC0] =	vst v3  }
0x15b: {  	v3 =	vld [tilespmem:s30+$0xFFFFFFD0]  }
0x15c: {  	v4 =	vld [tilespmem:s14+$0xFFFFFFD0];
	_ =	sdelay $0x1  }
0x15d: {  	v5 =	vld [tilespmem:s31+$0xFFFFFFD0];
	_ =	sdelay $0x2  }
0x15e: {  	v3 =	vadd.f32 v4, v3;
	_ =	sdelay $0x1  }
0x15f: {  	v3 =	vadd.f32 v3, v5;
	_ =	sdelay $0x1  }
0x160: {  	[tilespmem:s31+$0xFFFFFFD0] =	vst v3  }
0x161: {  	v3 =	vld [tilespmem:s30+$0xFFFFFFE0]  }
0x162: {  	v4 =	vld [tilespmem:s14+$0xFFFFFFE0];
	_ =	sdelay $0x1  }
0x163: {  	v5 =	vld [tilespmem:s31+$0xFFFFFFE0];
	_ =	sdelay $0x2  }
0x164: {  	v3 =	vadd.f32 v4, v3;
	_ =	sdelay $0x1  }
0x165: {  	v3 =	vadd.f32 v3, v5;
	_ =	sdelay $0x1  }
0x166: {  	[tilespmem:s31+$0xFFFFFFE0] =	vst v3  }
0x167: {  	v3 =	vld [tilespmem:s30+$0xFFFFFFF0]  }
0x168: {  	v4 =	vld [tilespmem:s14+$0xFFFFFFF0];
	_ =	sdelay $0x1  }
0x169: {  	v5 =	vld [tilespmem:s31+$0xFFFFFFF0];
	_ =	sdelay $0x2  }
0x16a: {  	v3 =	vadd.f32 v4, v3;
	_ =	sdelay $0x1  }
0x16b: {  	v3 =	vadd.f32 v3, v5;
	_ =	sdelay $0x1  }
0x16c: {  	[tilespmem:s31+$0xFFFFFFF0] =	vst v3  }
0x16d: {  	v3 =	vld [tilespmem:s30+$0x0]  }
0x16e: {  	v4 =	vld [tilespmem:s14+$0x0];
	_ =	sdelay $0x1  }
0x16f: {  	v5 =	vld [tilespmem:s31+$0x0];
	_ =	sdelay $0x2  }
0x170: {  	v3 =	vadd.f32 v4, v3;
	_ =	sdelay $0x1  }
0x171: {  	v3 =	vadd.f32 v3, v5;
	_ =	sdelay $0x1  }
0x172: {  	[tilespmem:s31+$0x0] =	vst v3  }
0x173: {  	v3 =	vld [tilespmem:s30+$0x10]  }
0x174: {  	v5 =	vld [tilespmem:s14+$0x10];
	_ =	sdelay $0x1  }
0x175: {  	v4 =	vld [tilespmem:s31+$0x10];
	_ =	sdelay $0x2  }
0x176: {  	v3 =	vadd.f32 v5, v3;
	_ =	sdelay $0x1  }
0x177: {  	v3 =	vadd.f32 v3, v4;
	_ =	sdelay $0x1  }
0x178: {  	[tilespmem:s31+$0x10] =	vst v3  }
0x179: {  	v3 =	vld [tilespmem:s30+$0x20]  }
0x17a: {  	v5 =	vld [tilespmem:s14+$0x20];
	_ =	sdelay $0x1  }
0x17b: {  	v4 =	vld [tilespmem:s31+$0x20];
	_ =	sdelay $0x2  }
0x17c: {  	v3 =	vadd.f32 v5, v3;
	_ =	sdelay $0x1  }
0x17d: {  	v4 =	vadd.f32 v3, v4;
	_ =	sdelay $0x1  }
0x17e: {  	[tilespmem:s31+$0x20] =	vst v4  }
0x17f: {  	v4 =	vld [tilespmem:s30+$0x30]  }
0x180: {  	v5 =	vld [tilespmem:s14+$0x30]  }
0x181: {  	s1 =	simm.s32 $0x0;
	s0 =	smov.u32 s31;
	v3 =	vld [tilespmem:s31+$0x30];
	s14 =	sadd.s32 $0x400, s14  }
.LBB2_7:
0x182: {  	s1 =	sadd.s32 $0x8, s1;
	s31 =	sadd.s32 $0x400, s31;
	s30 =	sadd.s32 $0x400, s30  }
0x183: {  	p0 =	slt.u32 s1, $0x38;
	_ =	sdelay $0x1  }
0x184: {  	v4 =	vadd.f32 v5, v4;
	_ =	sdelay $0x1  }
0x185: {  	v3 =	vadd.f32 v4, v3;
	_ =	sdelay $0x1  }
0x186: {  	[tilespmem:s0+$0x30] =	vst v3;
	s0 =	smov.u32 s31  }
0x187: {  	v3 =	vld [tilespmem:s14+$0xFFFFFFC0]  }
0x188: {  	v4 =	vld [tilespmem:s30+$0xFFFFFFC0];
	_ =	sdelay $0x1  }
0x189: {  	v5 =	vld [tilespmem:s31+$0xFFFFFFC0];
	_ =	sdelay $0x2  }
0x18a: {  	v3 =	vadd.f32 v3, v4;
	_ =	sdelay $0x1  }
0x18b: {  	v3 =	vadd.f32 v3, v5;
	_ =	sdelay $0x1  }
0x18c: {  	[tilespmem:s31+$0xFFFFFFC0] =	vst v3  }
0x18d: {  	v3 =	vld [tilespmem:s30+$0xFFFFFFD0]  }
0x18e: {  	v4 =	vld [tilespmem:s14+$0xFFFFFFD0]  }
0x18f: {  	v5 =	vld [tilespmem:s31+$0xFFFFFFD0];
	_ =	sdelay $0x3  }
0x190: {  	v3 =	vadd.f32 v4, v3;
	_ =	sdelay $0x1  }
0x191: {  	v3 =	vadd.f32 v3, v5;
	_ =	sdelay $0x1  }
0x192: {  	[tilespmem:s31+$0xFFFFFFD0] =	vst v3;
	v3 =	vld [tilespmem:s31+$0xFFFFFFE0]  }
0x193: {  	v4 =	vld [tilespmem:s30+$0xFFFFFFE0]  }
0x194: {  	v5 =	vld [tilespmem:s14+$0xFFFFFFE0];
	_ =	sdelay $0x4  }
0x195: {  	v4 =	vadd.f32 v5, v4;
	_ =	sdelay $0x1  }
0x196: {  	v3 =	vadd.f32 v4, v3;
	_ =	sdelay $0x1  }
0x197: {  	[tilespmem:s31+$0xFFFFFFE0] =	vst v3;
	v3 =	vld [tilespmem:s31+$0xFFFFFFF0]  }
0x198: {  	v4 =	vld [tilespmem:s30+$0xFFFFFFF0]  }
0x199: {  	v5 =	vld [tilespmem:s14+$0xFFFFFFF0];
	_ =	sdelay $0x4  }
0x19a: {  	v4 =	vadd.f32 v5, v4;
	_ =	sdelay $0x1  }
0x19b: {  	v3 =	vadd.f32 v4, v3;
	_ =	sdelay $0x1  }
0x19c: {  	[tilespmem:s31+$0xFFFFFFF0] =	vst v3;
	v3 =	vld [tilespmem:s31+$0x0]  }
0x19d: {  	v4 =	vld [tilespmem:s30+$0x0]  }
0x19e: {  	v5 =	vld [tilespmem:s14+$0x0];
	_ =	sdelay $0x4  }
0x19f: {  	v4 =	vadd.f32 v5, v4;
	_ =	sdelay $0x1  }
0x1a0: {  	v3 =	vadd.f32 v4, v3  }
0x1a1: {  	v4 =	vld [tilespmem:s31+$0x10]  }
0x1a2: {  	[tilespmem:s31+$0x0] =	vst v3  }
0x1a3: {  	v3 =	vld [tilespmem:s30+$0x10]  }
0x1a4: {  	v5 =	vld [tilespmem:s14+$0x10];
	_ =	sdelay $0x4  }
0x1a5: {  	v3 =	vadd.f32 v5, v3;
	_ =	sdelay $0x1  }
0x1a6: {  	v3 =	vadd.f32 v3, v4;
	v4 =	vld [tilespmem:s31+$0x20];
	_ =	sdelay $0x1  }
0x1a7: {  	[tilespmem:s31+$0x10] =	vst v3  }
0x1a8: {  	v3 =	vld [tilespmem:s30+$0x20]  }
0x1a9: {  	v5 =	vld [tilespmem:s14+$0x20];
	_ =	sdelay $0x4  }
0x1aa: {  	v5 =	vadd.f32 v5, v3  }
0x1ab: {  	v3 =	vld [tilespmem:s31+$0x30]  }
0x1ac: {  	v4 =	vadd.f32 v5, v4  }
.Ltmp2:
0x1ad: {  	(pc) =	sbr.rel @p0 .LBB2_7-.Ltmp2, $4  }
0x1ae: {  	[tilespmem:s31+$0x20] =	vst v4  }
0x1af: {  	v4 =	vld [tilespmem:s30+$0x30]  }
0x1b0: {  	v5 =	vld [tilespmem:s14+$0x30]  }
0x1b1: {  	s14 =	sadd.s32 $0x400, s14  }
0x1b2: {  	_ = 	snop  }
0x1b3: {  	s29 =	sadd.s32 $0x1, s29  }
0x1b4: {  	p0 =	sne.s32 s29, $0x20  }
.Ltmp3:
0x1b5: {  	v4 =	vadd.f32 v5, v4;
	(pc) =	sbr.rel @p0 .LBB2_6-.Ltmp3, $3  }
0x1b6: {  	_ = 	snop  }
0x1b7: {  	v3 =	vadd.f32 v4, v3;
	_ =	sdelay $0x1  }
0x1b8: {  	s28 =	sadd.s32 $0x400, s28;
	s26 =	sadd.s32 $0x1, s26;
	[tilespmem:s0+$0x30] =	vst v3  }
0x1b9: {  	s0 =	rddreg [dreg:$0x8]  }
0x1ba: {  	[hbm4b:s0+s2] =	stream.linear.scatter [tilespmem:s13], [sflag:$0x2], $0x8000, $0x38;
	[tilespmem:$0x18100] =	vst v63  }
0x1bb: {  	_ =	swait.ge [sflag:s15], $0x8000  }
0x1bc: {  	s25 =	sadd.s32 $0x1, s25;
	s31 =	rddreg [dreg:$0x9]  }
0x1bd: {  	p0 =	sne.s32 s25, s31  }
.Ltmp4:
0x1be: {  	_ = 	snop;
	(pc) =	sbr.rel @p0 .LBB2_1-.Ltmp4, $3  }
0x1bf: {  	_ =	sdelay $0x1  }
0x1c0: {  	[sflag:s15] =	ssyncset.done $0x0  }
0x1c1: {  	[sflag:s15] =	ssyncadd.s32 $0xFFFF8000  }
0x1c2: {  	_ =	sfence.sel $0x180000  }
0x1c3: {  	[bflag:$0x0] =	sbarrier.arrive $0xFFFF  }
0x1c4: {  	_ =	strace $0x9000004A  }
0x1c5: {  	s0 =	stileid.u32;
	[bflag:$0x2] =	sbarrier.arrive $0xFFFF  }
0x1c6: {  	p0 =	sne.s32 s0, $0x0;
	s0 =	rddreg [dreg:$0x2]  }
0x1c7: {  	s0 =	sadd.s32 @!p0 $0x100000, s0  }
0x1c8: {  	[sflag:s0] =	ssyncadd.tile.s32 @!p0 $0x1;
	_ =	shalt  }
.Lfunc_end2:
_tile_overlayer_lowered:
.L_overlay_start_2:
0x1c9: {  	(tag) =	ssettag $0x2  }
0x1ca: {  	s0 =	rddreg [dreg:$0x0];
	s2 =	stileid.u32  }
0x1cb: {  	s1 =	rddreg [dreg:$0x1];
	p0 =	sne.s32 s2, $0x0  }
0x1cc: {  	s3 =	rddreg [dreg:$0x2];
	[bflag:$0x3] =	sbarrier.arrive $0xFFFF;
	s2 =	simm.s32 @!p0 $0x1C02  }
0x1cd: {  	[timem:s3], [sflag:s2] =	dma.local @!p0 [hbm:s0], s1  }
0x1ce: {  	s0 =	simm.s32 @!p0 $0x2  }
0x1cf: {  	_ =	swait.ge @!p0 [sflag:s0], s1  }
0x1d0: {  	s1 =	ssub.s32 @!p0 $0x0, s1;
	[sflag:s0] =	ssyncset.done @!p0 $0x0  }
0x1d1: {  	[sflag:s0] =	ssyncadd.s32 @!p0 s1  }
0x1d2: {  	[bflag:$0x3] =	sbarrier.arrive $0xFFFF  }
0x1d3: {  	_ =	shalt  }

// kernel: kernel.7.cloned.1.call-start
scs
__scs_entry_jumppad:
0x0: {  	(pc) =	sbr.rel $0x88, $3  }
0x1: {  	(tag) =	ssettag $0x0;
	lr =	simm.s32 $0x1  }
0x2: {  	[smem:$0x3F97] =	sst lr;
	_ =	strace $0xD0000000  }
0x3: {  	_ = 	snop  }
0x4: {  	_ = 	snop  }
0x5: {  	_ = 	snop  }
0x6: {  	_ = 	snop  }
0x7: {  	_ = 	snop  }
__scs_overlays_trampoline_lowered:
0x8: {  	[smem:$0x3FA6] =	sst s0  }
0x9: {  	[smem:$0x3FA7] =	sst s1  }
0xa: {  	[smem:$0x3FA8] =	sst s2  }
0xb: {  	[smem:$0x3FA9] =	sst s3  }
0xc: {  	[smem:$0x3FAA] =	sst s4  }
0xd: {  	[smem:$0x3FAB] =	sst s5  }
0xe: {  	[smem:$0x3FAC] =	sst s6  }
0xf: {  	[smem:$0x3FAD] =	sst s7  }
0x10: {  	[smem:$0x3FAE] =	sst s8  }
0x11: {  	[smem:$0x3FAF] =	sst s9;
	s0 =	simm.s32 @!p0 $0x0  }
0x12: {  	s1 =	sld [smem:$0x3F95];
	s0 =	simm.s32 @p0 $0x1  }
0x13: {  	[smem:$0x3FB0] =	sst s0;
	s0 =	simm.s32 @!p1 $0x0  }
0x14: {  	s2 =	sld [smem:$0x3F94];
	s0 =	simm.s32 @p1 $0x1  }
0x15: {  	[smem:$0x3FB1] =	sst s0;
	s0 =	simm.s32 @!p2 $0x0  }
0x16: {  	s3 =	sld [smem:$0x3FDB];
	s0 =	simm.s32 @p2 $0x1  }
0x17: {  	s4 =	simm.s32 $0x1BF5;
	[smem:$0x3FB3] =	sst s0  }
0x18: {  	s0 =	sld [smem:$0x3F96];
	_ =	swait.ge [sflag:s4], $0x0  }
0x19: {  	s7 =	sld [smem:$0x3F97]  }
0x1a: {  	s8 =	sadd.s32 $0xFFFFE003, lr  }
0x1b: {  	s9 =	sadd.s32 $0xFFFFFEF7, lr;
	s5 =	simm.s32 $0xFFFFFFFF;
	p2 =	slt.u32 s8, $0xFFFFF086  }
0x1c: {  	p1 =	slt.u32 s9, $0xF7A;
	s5 =	simm.s32 @!p2 $0x0  }
0x1d: {  	s5 =	simm.s32 @p1 $0x1;
	p0 =	seq.s32 s7, s2  }
0x1e: {  	s7 =	smul.u32 @!p0 $0xF7A, s2;
	p2 =	seq.s32 @!p0 s5, $0x0  }
0x1f: {  	s9 =	smul.u32 $0xF7A, s1;
	s8 =	simm.s32 @!p0 $0x1BF5;
	p2 =	por !p2, p0  }
0x20: {  	[sflag:s8] =	ssyncset.s32 @!p0 $0xFFFFF086;
	s6 =	sadd.s32 @!p0 s3, s7;
	s7 =	simm.s32 @!p0 $0x108  }
0x21: {  	s3 =	sadd.s32 s3, s9;
	s6 =	sadd.s32 @!p0 $0x88, s6;
	s7 =	simm.s32 @p2 $0x1082  }
0x22: {  	[simem:s7], [sflag:s8] =	dma.local @!p0 [hbm:s6], $0xF7A  }
0x23: {  	s9 =	sor.u32 $0xD0000000, s2;
	s6 =	simm.s32 $0x108;
	_ =	swait.ge @!p0 [sflag:s8], $0x0  }
0x24: {  	s3 =	sadd.s32 $0x88, s3;
	s6 =	simm.s32 @!p1 $0x1082;
	[sflag:s4] =	ssyncset.s32 $0xFFFFF086  }
0x25: {  	[simem:s6], [sflag:s4] =	dma.local [hbm:s3], $0xF7A  }
0x26: {  	[smem:$0x3F97] =	sst s1;
	(tag) =	ssettag s2;
	_ =	strace s9  }
0x27: {  	s1 =	sld [smem:$0x3FA7]  }
0x28: {  	s2 =	sld [smem:$0x3FA8]  }
0x29: {  	s4 =	sld [smem:$0x3FAA]  }
0x2a: {  	p0 =	seq.s32 s5, $0x0;
	s5 =	sld [smem:$0x3FAB]  }
0x2b: {  	s6 =	sld [smem:$0x3FAC]  }
0x2c: {  	s7 =	sld [smem:$0x3FAD]  }
0x2d: {  	s3 =	simm.s32 $0x108;
	s8 =	sld [smem:$0x3FAE]  }
0x2e: {  	s3 =	simm.s32 @!p0 $0x1082;
	s9 =	sld [smem:$0x3FAF]  }
0x2f: {  	lr =	sadd.s32 s0, s3;
	s0 =	sld [smem:$0x3FA6]  }
0x30: {  	s3 =	sld [smem:$0x3FA9]  }
0x31: {  	[smem:$0x3FB2] =	sst s10  }
0x32: {  	s10 =	sld [smem:$0x3FB0];
	_ =	sdelay $0x3  }
0x33: {  	p0 =	seq.s32 s10, $0x1;
	s10 =	sld [smem:$0x3FB2];
	_ =	sdelay $0x3  }
0x34: {  	[smem:$0x3FB2] =	sst s10  }
0x35: {  	s10 =	sld [smem:$0x3FB1];
	_ =	sdelay $0x3  }
0x36: {  	p1 =	seq.s32 s10, $0x1;
	s10 =	sld [smem:$0x3FB2];
	_ =	sdelay $0x3  }
0x37: {  	[smem:$0x3FB2] =	sst s10  }
0x38: {  	s10 =	sld [smem:$0x3FB3]  }
0x39: {  	_ = 	snop;
	(pc) =	sbr.ind lr, $3  }
0x3a: {  	_ = 	snop  }
0x3b: {  	_ = 	snop  }
0x3c: {  	p2 =	seq.s32 s10, $0x1;
	s10 =	sld [smem:$0x3FB2]  }
0x3d: {  	_ =	shalt  }
0x3e: {  	_ =	shalt  }
0x3f: {  	_ =	shalt  }
0x40: {  	_ =	shalt  }
0x41: {  	_ =	shalt  }
0x42: {  	_ =	shalt  }
0x43: {  	_ =	shalt  }
0x44: {  	_ =	shalt  }
0x45: {  	_ =	shalt  }
0x46: {  	_ =	shalt  }
0x47: {  	_ =	shalt  }
0x48: {  	_ =	shalt  }
0x49: {  	_ =	shalt  }
0x4a: {  	_ =	shalt  }
0x4b: {  	_ =	shalt  }
0x4c: {  	_ =	shalt  }
0x4d: {  	_ =	shalt  }
0x4e: {  	_ =	shalt  }
0x4f: {  	_ =	shalt  }
0x50: {  	_ =	shalt  }
0x51: {  	_ =	shalt  }
0x52: {  	_ =	shalt  }
0x53: {  	_ =	shalt  }
0x54: {  	_ =	shalt  }
0x55: {  	_ =	shalt  }
0x56: {  	_ =	shalt  }
0x57: {  	_ =	shalt  }
0x58: {  	_ =	shalt  }
0x59: {  	_ =	shalt  }
0x5a: {  	_ =	shalt  }
0x5b: {  	_ =	shalt  }
0x5c: {  	_ =	shalt  }
0x5d: {  	_ =	shalt  }
0x5e: {  	_ =	shalt  }
0x5f: {  	_ =	shalt  }
0x60: {  	_ =	shalt  }
0x61: {  	_ =	shalt  }
0x62: {  	_ =	shalt  }
0x63: {  	_ =	shalt  }
0x64: {  	_ =	shalt  }
0x65: {  	_ =	shalt  }
0x66: {  	_ =	shalt  }
0x67: {  	_ =	shalt  }
0x68: {  	_ =	shalt  }
0x69: {  	_ =	shalt  }
0x6a: {  	_ =	shalt  }
0x6b: {  	_ =	shalt  }
0x6c: {  	_ =	shalt  }
0x6d: {  	_ =	shalt  }
0x6e: {  	_ =	shalt  }
0x6f: {  	_ =	shalt  }
0x70: {  	_ =	shalt  }
0x71: {  	_ =	shalt  }
0x72: {  	_ =	shalt  }
0x73: {  	_ =	shalt  }
0x74: {  	_ =	shalt  }
0x75: {  	_ =	shalt  }
0x76: {  	_ =	shalt  }
0x77: {  	_ =	shalt  }
0x78: {  	_ =	shalt  }
0x79: {  	_ =	shalt  }
0x7a: {  	_ =	shalt  }
0x7b: {  	_ =	shalt  }
0x7c: {  	_ =	shalt  }
0x7d: {  	_ =	shalt  }
0x7e: {  	_ =	shalt  }
0x7f: {  	_ =	shalt  }
0x80: {  	_ =	shalt  }
0x81: {  	_ =	shalt  }
0x82: {  	_ =	shalt  }
0x83: {  	_ =	shalt  }
0x84: {  	_ =	shalt  }
0x85: {  	_ =	shalt  }
0x86: {  	_ =	shalt  }
0x87: {  	_ =	shalt  }
.Lfunc_end0:
.L_simem_size_0:
called_computation_lowered:
.L_overlay_start_0:
0x88: {  	s2 =	sld [smem:$0x3FD9]  }
0x89: {  	s3 =	sld [smem:$0x3FFE];
	_ =	sdelay $0x1  }
0x8a: {  	s1 =	srdreg.scid  }
0x8b: {  	s0 =	sand.u32 $0x1, s1  }
0x8c: {  	s17 =	sshll.u32 s0, $0xA;
	s2 =	sadd.s32 s3, s2  }
0x8d: {  	s2 =	sadd.s32 s2, s17  }
0x8e: {  	[smem:$0x3FBE] =	sst s2  }
0x8f: {  	_ = 	snop  }
0x90: {  	s2 =	sld [smem:$0x3FD0];
	(tm) =	ssettm $0x1  }
0x91: {  	s18 =	sld [smem:$0x3FFB];
	_ =	sdelay $0x3  }
0x92: {  	_ =	strace s18  }
0x93: {  	s3 =	sld [smem:$0x3FFC];
	_ =	sdelay $0x3  }
0x94: {  	_ =	strace s3  }
0x95: {  	s3 =	sld [smem:$0x3FFD];
	_ =	sdelay $0x3  }
0x96: {  	_ =	strace s3  }
0x97: {  	_ =	strace $0x8FFFFFFF  }
0x98: {  	s19 =	sld [smem:$0x3FDB];
	_ =	sdelay $0x1  }
0x99: {  	s4 =	simm.s32 $_scs_section_size  }
0x9a: {  	s5 =	simm.s32 $_size__tile_overlayer_lowered;
	s6 =	simm.s32 $_tile_overlayer_lowered  }
0x9b: {  	s22 =	simm.s32 $0x1BFF;
	s21 =	sshll.u32 s6, $0x1;
	s3 =	sadd.s32 s4, s19  }
0x9c: {  	s7 =	simm.s32 $0x0;
	s20 =	sshll.u32 s5, $0x1;
	s5 =	sadd.s32 s21, s3  }
0x9d: {  	[timem:s7], [sflag:s22] =	dma.local [hbm:s5], s20  }
0x9e: {  	_ =	swait.ge [sflag:s22], s20  }
0x9f: {  	s4 =	ssub.s32 $0x0, s20;
	[sflag:s22] =	ssyncset.done $0x0  }
0xa0: {  	[sflag:s22] =	ssyncadd.s32 s4;
	_ =	sdelay $0x1  }
0xa1: {  	s23 =	simm.s32 $0x1B8B  }
0xa2: {  	_ =	swait.ge [sflag:s23], $0x1  }
0xa3: {  	[sflag:s23] =	ssyncset.done $0x0  }
0xa4: {  	s25 =	simm.s32 $0x1B8E;
	s24 =	sld [smem:$0x3FFE];
	[sflag:s23] =	ssyncadd.s32 $0xFFFFFFFF  }
0xa5: {  	s26 =	simm.s32 $execute0_lowered;
	[smem:$0x3FD2] =	sst s25  }
0xa6: {  	s5 =	sshll.u32 s26, $0x1;
	_ =	strace $0x80000046;
	[dreg:$0x1] =	wrdreg $0xFFFFFFFF  }
0xa7: {  	s28 =	simm.s32 $_size_execute0_lowered;
	s3 =	sadd.s32 s3, s5;
	[dreg:$0x0] =	wrdreg $0x0  }
0xa8: {  	s5 =	sshll.u32 s28, $0x1;
	[dreg:$0x2] =	wrdreg s3  }
0xa9: {  	[dreg:$0x3] =	wrdreg s5  }
0xaa: {  	[dreg:$0x4] =	wrdreg $0xC0  }
0xab: {  	_ =	task [dreg:s7], $0x5FFFF  }
0xac: {  	[dreg:$0x1] =	wrdreg $0xFFFFFFFF  }
0xad: {  	[dreg:$0x0] =	wrdreg $0x60  }
0xae: {  	[dreg:$0x2] =	wrdreg s2  }
0xaf: {  	[dreg:$0x3] =	wrdreg s24  }
0xb0: {  	[dreg:$0x4] =	wrdreg $0x9  }
0xb1: {  	_ =	task.clear_ibuf [dreg:s7], $0x5FFFF;
	_ =	strace $0x90000046  }
0xb2: {  	s29 =	simm.s32 $0x9;
	_ =	strace $0x80000048  }
0xb3: {  	_ =	swait.ge [sflag:s29], $0x1  }
0xb4: {  	[sflag:s29] =	ssyncadd.s32 $0xFFFFFFFF  }
0xb5: {  	_ =	strace $0x90000048  }
0xb6: {  	_ =	sfence  }
0xb7: {  	s30 =	sld [smem:$0x0];
	_ =	sdelay $0x2  }
0xb8: {  	s31 =	sshll.u32 s1, $0xD;
	s1 =	sshrl.u32 s1, $0x2  }
0xb9: {  	s3 =	sand.u32 $0x4000, s31;
	s1 =	sadd.s32 s1, s30  }
0xba: {  	s0 =	sor.u32 s3, s0;
	s1 =	sshll.u32 s1, $0x11  }
0xbb: {  	s0 =	sor.u32 s1, s0  }
0xbc: {  	s0 =	sadd.s32 $0x8F2B, s0  }
0xbd: {  	[sflag:s0] =	ssyncadd.remote.s32 $0x1  }
0xbe: {  	_ =	sfence.sel $0xFFFF  }
0xbf: {  	[dreg:$0x0] =	wrdreg $0xFFFFFFFF;
	(pc) =	sbr.abs _section_cstart, $3  }
0xc0: {  	[dreg:$0x1] =	wrdreg $0xFFFFFFFF  }
0xc1: {  	_ =	task.clear_ibuf [dreg:s7], $0x2FFFF;
	_ =	strace $0x9FFFFFFF  }
0xc2: {  	(tm) =	ssettm $0x7FFFFFFF  }
0xc3: {  	_ =	shalt  }
tec
execute0_lowered:
.L_overlay_start_1:
0x0: {  	(tag) =	ssettag $0x1  }
0x1: {  	s0 =	srdreg.scid  }
0x2: {  	s2 =	stileid.u32;
	s1 =	rddreg [dreg:$0x0]  }
0x3: {  	s7 =	rddreg [dreg:$0x1];
	s10 =	simm.s32 $0x2;
	s30 =	simm.s32 $0x1000  }
0x4: {  	s31 =	simm.s32 $0x1800;
	s11 =	simm.s32 $0x3800;
	s12 =	simm.s32 $0x4000  }
0x5: {  	s13 =	simm.s32 $0x4800;
	s14 =	simm.s32 $0x5000;
	s15 =	simm.s32 $0x5800  }
0x6: {  	s16 =	simm.s32 $0x6000;
	s17 =	simm.s32 $0x6800;
	s18 =	simm.s32 $0x7000  }
0x7: {  	s19 =	simm.s32 $0x7800;
	s20 =	simm.s32 $0x8000;
	s21 =	simm.s32 $0x8800  }
0x8: {  	s22 =	simm.s32 $0x9000;
	s28 =	simm.s32 $0xB000;
	s0 =	sand.u32 $0x1, s0  }
0x9: {  	s29 =	simm.s32 $0xB800;
	s2 =	sshll.u32 s2, $0x7;
	s3 =	sshll.u32 s0, $0x6  }
0xa: {  	s26 =	sadd.s32 $0x1200, s7;
	s0 =	ssub.s32 $0x2, s0;
	s4 =	sor.u32 s3, s2  }
0xb: {  	s2 =	simm.s32 $0x0;
	s25 =	sshrl.u32 s0, $0x1;
	s3 =	sshrl.u32 s4, $0x3  }
0xc: {  	[smem:$0x7FF] =	sst s2;
	s4 =	sshll.u32 s4, $0x7;
	s5 =	sadd.s32 s3, s7  }
0xd: {  	_ =	strace $0x80000047;
	s1 =	sadd.s32 s1, s4;
	[dreg:$0x8] =	wrdreg s26  }
0xe: {  	s0 =	ssub.s32 s0, s25;
	s6 =	sadd.s32 $0xA00, s5;
	[dreg:$0x7] =	wrdreg s1  }
0xf: {  	s25 =	simm.s32 $0xA000;
	s23 =	sadd.s32 $0xC00, s5;
	[dreg:$0x3] =	wrdreg s6  }
0x10: {  	s3 =	sadd.s32 $0x1600, s7;
	s24 =	sadd.s32 $0xE00, s5;
	[dreg:$0x4] =	wrdreg s23  }
0x11: {  	v2 =	vlaneseq.u32;
	s8 =	smax.u32 s0, $0x1;
	s5 =	sadd.s32 $0x1000, s5;
	[dreg:$0x5] =	wrdreg s24  }
0x12: {  	vm0 =	vmmov $0xffff;
	v1 =	vshrl.u32 v2, $0x3;
	s26 =	simm.s32 $0xA800;
	[dreg:$0x6] =	wrdreg s5;
	s5 =	sadd.s32 $0x1700, s7  }
0x13: {  	v0 =	vand.u32 $0x7, v2;
	v2 =	vor.u32 $0x8, v2;
	v1 =	vmul.u32 $0x8, v1;
	s6 =	sadd.s32 $0x1800, s7;
	s7 =	sadd.s32 $0x1900, s7;
	s23 =	simm.s32 $0x1  }
.LBB2_1:
0x14: {  	s24 =	rddreg [dreg:$0x3];
	s0 =	simm.s32 $0x10000  }
0x15: {  	[tilespmem:s0], [sflag:$0x2] =	stream.linear.gather [hbm4b:s24+s2], $0x40, $0x38;
	[tilespmem:$0x10200] =	vst v63  }
0x16: {  	_ =	swait.ge [sflag:s10], $0x40  }
0x17: {  	[sflag:s10] =	ssyncset.done $0x0  }
0x18: {  	s1 =	simm.s32 $0x10080;
	s0 =	rddreg [dreg:$0x4];
	[sflag:s10] =	ssyncadd.s32 $0xFFFFFFC0  }
0x19: {  	[tilespmem:s1], [sflag:$0x2] =	stream.linear.gather [hbm4b:s0+s2], $0x40, $0x38;
	[tilespmem:$0x10200] =	vst v63  }
0x1a: {  	_ =	swait.ge [sflag:s10], $0x40  }
0x1b: {  	[sflag:s10] =	ssyncset.done $0x0  }
0x1c: {  	s9 =	simm.s32 $0x10100;
	s4 =	rddreg [dreg:$0x5];
	[sflag:s10] =	ssyncadd.s32 $0xFFFFFFC0  }
0x1d: {  	[tilespmem:s9], [sflag:$0x2] =	stream.linear.gather [hbm4b:s4+s2], $0x40, $0x38;
	[tilespmem:$0x10200] =	vst v63  }
0x1e: {  	_ =	swait.ge [sflag:s10], $0x40  }
0x1f: {  	[sflag:s10] =	ssyncset.done $0x0  }
0x20: {  	s1 =	simm.s32 $0x10180;
	s0 =	rddreg [dreg:$0x6];
	[sflag:s10] =	ssyncadd.s32 $0xFFFFFFC0  }
0x21: {  	[tilespmem:s1], [sflag:$0x2] =	stream.linear.gather [hbm4b:s0+s2], $0x40, $0x38;
	[tilespmem:$0x10200] =	vst v63  }
0x22: {  	_ =	swait.ge [sflag:s10], $0x40  }
0x23: {  	[sflag:s10] =	ssyncset.done $0x0  }
0x24: {  	s4 =	rddreg [dreg:$0x7];
	[sflag:s10] =	ssyncadd.s32 $0xFFFFFFC0  }
0x25: {  	[tilespmem:s2], [sflag:$0x2] =	stream.linear.gather [hbm4b:s4+s2], $0x10000, $0x38;
	[tilespmem:$0x10200] =	vst v63  }
0x26: {  	_ =	swait.ge [sflag:s10], $0x10000  }
0x27: {  	[sflag:s10] =	ssyncset.done $0x0  }
0x28: {  	[sflag:s10] =	ssyncadd.s32 $0xFFFF0000  }
0x29: {  	v3 =	vld [tilespmem:$0x10000];
	_ =	sdelay $0x4  }
0x2a: {  	v4 =	vshll.u32 v3, $0x3  }
0x2b: {  	v3 =	vand.u32 $0x7, v3;
	v4 =	vand.u32 $0xFFFFFFC0, v4  }
0x2c: {  	v3 =	vor.u32 v3, v4  }
0x2d: {  	v4 =	vperm.xlane v3, v0;
	_ =	sdelay $0x1  }
0x2e: {  	v4 =	vadd.s32 v1, v4;
	_ =	sdelay $0x4  }
0x2f: {  	[hbm4b:s3+s2] =	stream.indirect_vreg.scatter [tilespmem:s2], [sflag:$0x1], $0x80, v4, vm0, $0xb8;
	[tilespmem:$0x10200] =	vst v63  }
0x30: {  	s24 =	simm.s32 $0x800;
	v3 =	vperm.xlane v3, v2  }
0x31: {  	[hbm4b:s5+s2] =	stream.indirect_vreg.scatter [tilespmem:s24], [sflag:$0x1], $0x80, v4, vm0, $0xb8;
	[tilespmem:$0x10200] =	vst v63  }
0x32: {  	v3 =	vadd.s32 v1, v3  }
0x33: {  	[hbm4b:s6+s2] =	stream.indirect_vreg.scatter [tilespmem:s30], [sflag:$0x1], $0x80, v4, vm0, $0xb8;
	[tilespmem:$0x10200] =	vst v63  }
0x34: {  	_ = 	snop  }
0x35: {  	[hbm4b:s7+s2] =	stream.indirect_vreg.scatter [tilespmem:s31], [sflag:$0x1], $0x80, v4, vm0, $0xb8;
	[tilespmem:$0x10200] =	vst v63  }
0x36: {  	s1 =	simm.s32 $0x2000  }
0x37: {  	[hbm4b:s3+s2] =	stream.indirect_vreg.scatter [tilespmem:s1], [sflag:$0x1], $0x80, v3, vm0, $0xb8;
	[tilespmem:$0x10200] =	vst v63  }
0x38: {  	s9 =	simm.s32 $0x2800  }
0x39: {  	[hbm4b:s5+s2] =	stream.indirect_vreg.scatter [tilespmem:s9], [sflag:$0x1], $0x80, v3, vm0, $0xb8;
	[tilespmem:$0x10200] =	vst v63  }
0x3a: {  	s9 =	simm.s32 $0x3000  }
0x3b: {  	[hbm4b:s6+s2] =	stream.indirect_vreg.scatter [tilespmem:s9], [sflag:$0x1], $0x80, v3, vm0, $0xb8;
	[tilespmem:$0x10200] =	vst v63  }
0x3c: {  	_ = 	snop  }
0x3d: {  	[hbm4b:s7+s2] =	stream.indirect_vreg.scatter [tilespmem:s11], [sflag:$0x1], $0x80, v3, vm0, $0xb8;
	[tilespmem:$0x10200] =	vst v63  }
0x3e: {  	v3 =	vld [tilespmem:$0x10010];
	_ =	sdelay $0x4  }
0x3f: {  	v57 =	vshll.u32 v3, $0x3  }
0x40: {  	v3 =	vand.u32 $0x7, v3;
	v4 =	vand.u32 $0xFFFFFFC0, v57  }
0x41: {  	v3 =	vor.u32 v3, v4  }
0x42: {  	v4 =	vperm.xlane v3, v0;
	_ =	sdelay $0x1  }
0x43: {  	v4 =	vadd.s32 v1, v4;
	_ =	sdelay $0x4  }
0x44: {  	[hbm4b:s3+s2] =	stream.indirect_vreg.scatter [tilespmem:s12], [sflag:$0x1], $0x80, v4, vm0, $0xb8;
	[tilespmem:$0x10200] =	vst v63  }
0x45: {  	v3 =	vperm.xlane v3, v2  }
0x46: {  	[hbm4b:s5+s2] =	stream.indirect_vreg.scatter [tilespmem:s13], [sflag:$0x1], $0x80, v4, vm0, $0xb8;
	[tilespmem:$0x10200] =	vst v63  }
0x47: {  	v3 =	vadd.s32 v1, v3  }
0x48: {  	[hbm4b:s6+s2] =	stream.indirect_vreg.scatter [tilespmem:s14], [sflag:$0x1], $0x80, v4, vm0, $0xb8;
	[tilespmem:$0x10200] =	vst v63  }
0x49: {  	_ = 	snop  }
0x4a: {  	[hbm4b:s7+s2] =	stream.indirect_vreg.scatter [tilespmem:s15], [sflag:$0x1], $0x80, v4, vm0, $0xb8;
	[tilespmem:$0x10200] =	vst v63  }
0x4b: {  	_ = 	snop  }
0x4c: {  	[hbm4b:s3+s2] =	stream.indirect_vreg.scatter [tilespmem:s16], [sflag:$0x1], $0x80, v3, vm0, $0xb8;
	[tilespmem:$0x10200] =	vst v63  }
0x4d: {  	_ = 	snop  }
0x4e: {  	[hbm4b:s5+s2] =	stream.indirect_vreg.scatter [tilespmem:s17], [sflag:$0x1], $0x80, v3, vm0, $0xb8;
	[tilespmem:$0x10200] =	vst v63  }
0x4f: {  	_ = 	snop  }
0x50: {  	[hbm4b:s6+s2] =	stream.indirect_vreg.scatter [tilespmem:s18], [sflag:$0x1], $0x80, v3, vm0, $0xb8;
	[tilespmem:$0x10200] =	vst v63  }
0x51: {  	_ = 	snop  }
0x52: {  	[hbm4b:s7+s2] =	stream.indirect_vreg.scatter [tilespmem:s19], [sflag:$0x1], $0x80, v3, vm0, $0xb8;
	[tilespmem:$0x10200] =	vst v63  }
0x53: {  	v3 =	vld [tilespmem:$0x10020];
	_ =	sdelay $0x4  }
0x54: {  	v58 =	vshll.u32 v3, $0x3  }
0x55: {  	v3 =	vand.u32 $0x7, v3;
	v4 =	vand.u32 $0xFFFFFFC0, v58  }
0x56: {  	v3 =	vor.u32 v3, v4  }
0x57: {  	v4 =	vperm.xlane v3, v0;
	_ =	sdelay $0x1  }
0x58: {  	v4 =	vadd.s32 v1, v4;
	_ =	sdelay $0x4  }
0x59: {  	[hbm4b:s3+s2] =	stream.indirect_vreg.scatter [tilespmem:s20], [sflag:$0x1], $0x80, v4, vm0, $0xb8;
	[tilespmem:$0x10200] =	vst v63  }
0x5a: {  	v3 =	vperm.xlane v3, v2  }
0x5b: {  	[hbm4b:s5+s2] =	stream.indirect_vreg.scatter [tilespmem:s21], [sflag:$0x1], $0x80, v4, vm0, $0xb8;
	[tilespmem:$0x10200] =	vst v63  }
0x5c: {  	v3 =	vadd.s32 v1, v3  }
0x5d: {  	[hbm4b:s6+s2] =	stream.indirect_vreg.scatter [tilespmem:s22], [sflag:$0x1], $0x80, v4, vm0, $0xb8;
	[tilespmem:$0x10200] =	vst v63  }
0x5e: {  	s4 =	simm.s32 $0x9800  }
0x5f: {  	[hbm4b:s7+s2] =	stream.indirect_vreg.scatter [tilespmem:s4], [sflag:$0x1], $0x80, v4, vm0, $0xb8;
	[tilespmem:$0x10200] =	vst v63  }
0x60: {  	_ = 	snop  }
0x61: {  	[hbm4b:s3+s2] =	stream.indirect_vreg.scatter [tilespmem:s25], [sflag:$0x1], $0x80, v3, vm0, $0xb8;
	[tilespmem:$0x10200] =	vst v63  }
0x62: {  	_ = 	snop  }
0x63: {  	[hbm4b:s5+s2] =	stream.indirect_vreg.scatter [tilespmem:s26], [sflag:$0x1], $0x80, v3, vm0, $0xb8;
	[tilespmem:$0x10200] =	vst v63  }
0x64: {  	_ = 	snop  }
0x65: {  	[hbm4b:s6+s2] =	stream.indirect_vreg.scatter [tilespmem:s28], [sflag:$0x1], $0x80, v3, vm0, $0xb8;
	[tilespmem:$0x10200] =	vst v63  }
0x66: {  	_ = 	snop  }
0x67: {  	[hbm4b:s7+s2] =	stream.indirect_vreg.scatter [tilespmem:s29], [sflag:$0x1], $0x80, v3, vm0, $0xb8;
	[tilespmem:$0x10200] =	vst v63  }
0x68: {  	v3 =	vld [tilespmem:$0x10030];
	_ =	sdelay $0x4  }
0x69: {  	v59 =	vshll.u32 v3, $0x3  }
0x6a: {  	v3 =	vand.u32 $0x7, v3;
	v4 =	vand.u32 $0xFFFFFFC0, v59  }
0x6b: {  	v3 =	vor.u32 v3, v4  }
0x6c: {  	v4 =	vperm.xlane v3, v0;
	_ =	sdelay $0x1  }
0x6d: {  	v4 =	vadd.s32 v1, v4;
	_ =	sdelay $0x3  }
0x6e: {  	s0 =	simm.s32 $0xC000  }
0x6f: {  	[hbm4b:s3+s2] =	stream.indirect_vreg.scatter [tilespmem:s0], [sflag:$0x1], $0x80, v4, vm0, $0xb8;
	[tilespmem:$0x10200] =	vst v63  }
0x70: {  	v3 =	vperm.xlane v3, v2;
	s0 =	simm.s32 $0xC800  }
0x71: {  	[hbm4b:s5+s2] =	stream.indirect_vreg.scatter [tilespmem:s0], [sflag:$0x1], $0x80, v4, vm0, $0xb8;
	[tilespmem:$0x10200] =	vst v63  }
0x72: {  	v3 =	vadd.s32 v1, v3;
	s0 =	simm.s32 $0xD000  }
0x73: {  	[hbm4b:s6+s2] =	stream.indirect_vreg.scatter [tilespmem:s0], [sflag:$0x1], $0x80, v4, vm0, $0xb8;
	[tilespmem:$0x10200] =	vst v63  }
0x74: {  	s0 =	simm.s32 $0xD800  }
0x75: {  	[hbm4b:s7+s2] =	stream.indirect_vreg.scatter [tilespmem:s0], [sflag:$0x1], $0x80, v4, vm0, $0xb8;
	[tilespmem:$0x10200] =	vst v63  }
0x76: {  	s0 =	simm.s32 $0xE000  }
0x77: {  	[hbm4b:s3+s2] =	stream.indirect_vreg.scatter [tilespmem:s0], [sflag:$0x1], $0x80, v3, vm0, $0xb8;
	[tilespmem:$0x10200] =	vst v63  }
0x78: {  	s0 =	simm.s32 $0xE800  }
0x79: {  	[hbm4b:s5+s2] =	stream.indirect_vreg.scatter [tilespmem:s0], [sflag:$0x1], $0x80, v3, vm0, $0xb8;
	[tilespmem:$0x10200] =	vst v63  }
0x7a: {  	s0 =	simm.s32 $0xF000  }
0x7b: {  	[hbm4b:s6+s2] =	stream.indirect_vreg.scatter [tilespmem:s0], [sflag:$0x1], $0x80, v3, vm0, $0xb8;
	[tilespmem:$0x10200] =	vst v63  }
0x7c: {  	s0 =	simm.s32 $0xF800  }
0x7d: {  	[hbm4b:s7+s2] =	stream.indirect_vreg.scatter [tilespmem:s0], [sflag:$0x1], $0x80, v3, vm0, $0xb8;
	[tilespmem:$0x10200] =	vst v63  }
0x7e: {  	v3 =	vld [tilespmem:$0x10080];
	_ =	sdelay $0x4  }
0x7f: {  	v60 =	vshll.u32 v3, $0x3  }
0x80: {  	v3 =	vand.u32 $0x7, v3;
	v4 =	vand.u32 $0xFFFFFFC0, v60  }
0x81: {  	v3 =	vor.u32 v3, v4  }
0x82: {  	v4 =	vperm.xlane v3, v0;
	_ =	sdelay $0x1  }
0x83: {  	v4 =	vadd.s32 v1, v4;
	_ =	sdelay $0x4  }
0x84: {  	[hbm4b:s3+s2] =	stream.indirect_vreg.scatter [tilespmem:s2], [sflag:$0x1], $0x80, v4, vm0, $0xb8;
	[tilespmem:$0x10200] =	vst v63  }
0x85: {  	v3 =	vperm.xlane v3, v2  }
0x86: {  	[hbm4b:s5+s2] =	stream.indirect_vreg.scatter [tilespmem:s24], [sflag:$0x1], $0x80, v4, vm0, $0xb8;
	[tilespmem:$0x10200] =	vst v63  }
0x87: {  	v3 =	vadd.s32 v1, v3  }
0x88: {  	[hbm4b:s6+s2] =	stream.indirect_vreg.scatter [tilespmem:s30], [sflag:$0x1], $0x80, v4, vm0, $0xb8;
	[tilespmem:$0x10200] =	vst v63  }
0x89: {  	_ = 	snop  }
0x8a: {  	[hbm4b:s7+s2] =	stream.indirect_vreg.scatter [tilespmem:s31], [sflag:$0x1], $0x80, v4, vm0, $0xb8;
	[tilespmem:$0x10200] =	vst v63  }
0x8b: {  	_ = 	snop  }
0x8c: {  	[hbm4b:s3+s2] =	stream.indirect_vreg.scatter [tilespmem:s1], [sflag:$0x1], $0x80, v3, vm0, $0xb8;
	[tilespmem:$0x10200] =	vst v63  }
0x8d: {  	s24 =	simm.s32 $0x2800  }
0x8e: {  	[hbm4b:s5+s2] =	stream.indirect_vreg.scatter [tilespmem:s24], [sflag:$0x1], $0x80, v3, vm0, $0xb8;
	[tilespmem:$0x10200] =	vst v63  }
0x8f: {  	_ = 	snop  }
0x90: {  	[hbm4b:s6+s2] =	stream.indirect_vreg.scatter [tilespmem:s9], [sflag:$0x1], $0x80, v3, vm0, $0xb8;
	[tilespmem:$0x10200] =	vst v63  }
0x91: {  	_ = 	snop  }
0x92: {  	[hbm4b:s7+s2] =	stream.indirect_vreg.scatter [tilespmem:s11], [sflag:$0x1], $0x80, v3, vm0, $0xb8;
	[tilespmem:$0x10200] =	vst v63  }
0x93: {  	v3 =	vld [tilespmem:$0x10090];
	_ =	sdelay $0x4  }
0x94: {  	v61 =	vshll.u32 v3, $0x3  }
0x95: {  	v3 =	vand.u32 $0x7, v3;
	v4 =	vand.u32 $0xFFFFFFC0, v61  }
0x96: {  	v3 =	vor.u32 v3, v4  }
0x97: {  	v4 =	vperm.xlane v3, v0;
	_ =	sdelay $0x1  }
0x98: {  	v4 =	vadd.s32 v1, v4;
	_ =	sdelay $0x4  }
0x99: {  	[hbm4b:s3+s2] =	stream.indirect_vreg.scatter [tilespmem:s12], [sflag:$0x1], $0x80, v4, vm0, $0xb8;
	[tilespmem:$0x10200] =	vst v63  }
0x9a: {  	v3 =	vperm.xlane v3, v2  }
0x9b: {  	[hbm4b:s5+s2] =	stream.indirect_vreg.scatter [tilespmem:s13], [sflag:$0x1], $0x80, v4, vm0, $0xb8;
	[tilespmem:$0x10200] =	vst v63  }
0x9c: {  	v3 =	vadd.s32 v1, v3  }
0x9d: {  	[hbm4b:s6+s2] =	stream.indirect_vreg.scatter [tilespmem:s14], [sflag:$0x1], $0x80, v4, vm0, $0xb8;
	[tilespmem:$0x10200] =	vst v63  }
0x9e: {  	_ = 	snop  }
0x9f: {  	[hbm4b:s7+s2] =	stream.indirect_vreg.scatter [tilespmem:s15], [sflag:$0x1], $0x80, v4, vm0, $0xb8;
	[tilespmem:$0x10200] =	vst v63  }
0xa0: {  	_ = 	snop  }
0xa1: {  	[hbm4b:s3+s2] =	stream.indirect_vreg.scatter [tilespmem:s16], [sflag:$0x1], $0x80, v3, vm0, $0xb8;
	[tilespmem:$0x10200] =	vst v63  }
0xa2: {  	_ = 	snop  }
0xa3: {  	[hbm4b:s5+s2] =	stream.indirect_vreg.scatter [tilespmem:s17], [sflag:$0x1], $0x80, v3, vm0, $0xb8;
	[tilespmem:$0x10200] =	vst v63  }
0xa4: {  	_ = 	snop  }
0xa5: {  	[hbm4b:s6+s2] =	stream.indirect_vreg.scatter [tilespmem:s18], [sflag:$0x1], $0x80, v3, vm0, $0xb8;
	[tilespmem:$0x10200] =	vst v63  }
0xa6: {  	_ = 	snop  }
0xa7: {  	[hbm4b:s7+s2] =	stream.indirect_vreg.scatter [tilespmem:s19], [sflag:$0x1], $0x80, v3, vm0, $0xb8;
	[tilespmem:$0x10200] =	vst v63  }
0xa8: {  	v3 =	vld [tilespmem:$0x100A0];
	_ =	sdelay $0x4  }
0xa9: {  	v62 =	vshll.u32 v3, $0x3  }
0xaa: {  	v3 =	vand.u32 $0x7, v3;
	v4 =	vand.u32 $0xFFFFFFC0, v62  }
0xab: {  	v3 =	vor.u32 v3, v4  }
0xac: {  	v4 =	vperm.xlane v3, v0;
	_ =	sdelay $0x1  }
0xad: {  	v4 =	vadd.s32 v1, v4;
	_ =	sdelay $0x4  }
0xae: {  	[hbm4b:s3+s2] =	stream.indirect_vreg.scatter [tilespmem:s20], [sflag:$0x1], $0x80, v4, vm0, $0xb8;
	[tilespmem:$0x10200] =	vst v63  }
0xaf: {  	v3 =	vperm.xlane v3, v2  }
0xb0: {  	[hbm4b:s5+s2] =	stream.indirect_vreg.scatter [tilespmem:s21], [sflag:$0x1], $0x80, v4, vm0, $0xb8;
	[tilespmem:$0x10200] =	vst v63  }
0xb1: {  	v3 =	vadd.s32 v1, v3  }
0xb2: {  	[hbm4b:s6+s2] =	stream.indirect_vreg.scatter [tilespmem:s22], [sflag:$0x1], $0x80, v4, vm0, $0xb8;
	[tilespmem:$0x10200] =	vst v63  }
0xb3: {  	_ = 	snop  }
0xb4: {  	[hbm4b:s7+s2] =	stream.indirect_vreg.scatter [tilespmem:s4], [sflag:$0x1], $0x80, v4, vm0, $0xb8;
	[tilespmem:$0x10200] =	vst v63  }
0xb5: {  	_ = 	snop  }
0xb6: {  	[hbm4b:s3+s2] =	stream.indirect_vreg.scatter [tilespmem:s25], [sflag:$0x1], $0x80, v3, vm0, $0xb8;
	[tilespmem:$0x10200] =	vst v63  }
0xb7: {  	_ = 	snop  }
0xb8: {  	[hbm4b:s5+s2] =	stream.indirect_vreg.scatter [tilespmem:s26], [sflag:$0x1], $0x80, v3, vm0, $0xb8;
	[tilespmem:$0x10200] =	vst v63  }
0xb9: {  	_ = 	snop  }
0xba: {  	[hbm4b:s6+s2] =	stream.indirect_vreg.scatter [tilespmem:s28], [sflag:$0x1], $0x80, v3, vm0, $0xb8;
	[tilespmem:$0x10200] =	vst v63  }
0xbb: {  	_ = 	snop  }
0xbc: {  	[hbm4b:s7+s2] =	stream.indirect_vreg.scatter [tilespmem:s29], [sflag:$0x1], $0x80, v3, vm0, $0xb8;
	[tilespmem:$0x10200] =	vst v63  }
0xbd: {  	v3 =	vld [tilespmem:$0x100B0];
	_ =	sdelay $0x4  }
0xbe: {  	v63 =	vshll.u32 v3, $0x3  }
0xbf: {  	v3 =	vand.u32 $0x7, v3;
	v4 =	vand.u32 $0xFFFFFFC0, v63  }
0xc0: {  	v3 =	vor.u32 v3, v4  }
0xc1: {  	v4 =	vperm.xlane v3, v0;
	_ =	sdelay $0x1  }
0xc2: {  	v4 =	vadd.s32 v1, v4;
	_ =	sdelay $0x3  }
0xc3: {  	s4 =	simm.s32 $0xC000  }
0xc4: {  	[hbm4b:s3+s2] =	stream.indirect_vreg.scatter [tilespmem:s4], [sflag:$0x1], $0x80, v4, vm0, $0xb8;
	[tilespmem:$0x10200] =	vst v63  }
0xc5: {  	s9 =	simm.s32 $0xC800;
	v3 =	vperm.xlane v3, v2  }
0xc6: {  	[hbm4b:s5+s2] =	stream.indirect_vreg.scatter [tilespmem:s9], [sflag:$0x1], $0x80, v4, vm0, $0xb8;
	[tilespmem:$0x10200] =	vst v63  }
0xc7: {  	s24 =	simm.s32 $0xD000;
	v3 =	vadd.s32 v1, v3  }
0xc8: {  	[hbm4b:s6+s2] =	stream.indirect_vreg.scatter [tilespmem:s24], [sflag:$0x1], $0x80, v4, vm0, $0xb8;
	[tilespmem:$0x10200] =	vst v63  }
0xc9: {  	s4 =	simm.s32 $0xD800  }
0xca: {  	[hbm4b:s7+s2] =	stream.indirect_vreg.scatter [tilespmem:s4], [sflag:$0x1], $0x80, v4, vm0, $0xb8;
	[tilespmem:$0x10200] =	vst v63  }
0xcb: {  	s9 =	simm.s32 $0xE000  }
0xcc: {  	[hbm4b:s3+s2] =	stream.indirect_vreg.scatter [tilespmem:s9], [sflag:$0x1], $0x80, v3, vm0, $0xb8;
	[tilespmem:$0x10200] =	vst v63  }
0xcd: {  	s24 =	simm.s32 $0xE800  }
0xce: {  	[hbm4b:s5+s2] =	stream.indirect_vreg.scatter [tilespmem:s24], [sflag:$0x1], $0x80, v3, vm0, $0xb8;
	[tilespmem:$0x10200] =	vst v63  }
0xcf: {  	s4 =	simm.s32 $0xF000  }
0xd0: {  	[hbm4b:s6+s2] =	stream.indirect_vreg.scatter [tilespmem:s4], [sflag:$0x1], $0x80, v3, vm0, $0xb8;
	[tilespmem:$0x10200] =	vst v63  }
0xd1: {  	s1 =	simm.s32 $0x40  }
0xd2: {  	[hbm4b:s7+s2] =	stream.indirect_vreg.scatter [tilespmem:s0], [sflag:$0x1], $0x80, v3, vm0, $0xb8;
	[tilespmem:$0x10200] =	vst v63  }
0xd3: {  	s9 =	simm.s32 $0x10000;
	s24 =	simm.s32 $0x10100;
	s0 =	rddreg [dreg:$0x8]  }
0xd4: {  	[hbm4b:s0+s1] =	stream.indirect.scatter [tilespmem:s24], [sflag:$0x1], $0x1, s9, s1, $0xb8;
	[tilespmem:$0x10200] =	vst v63  }
0xd5: {  	s9 =	simm.s32 $0x10080;
	s24 =	simm.s32 $0x10180  }
0xd6: {  	[hbm4b:s0+s1] =	stream.indirect.scatter [tilespmem:s24], [sflag:$0x1], $0x1, s9, s1, $0xb8;
	[tilespmem:$0x10200] =	vst v63  }
0xd7: {  	_ =	swait.ge [sflag:s23], $0x10000  }
0xd8: {  	[sflag:s23] =	ssyncset.done $0x0  }
0xd9: {  	[sflag:s23] =	ssyncadd.s32 $0xFFFF0000  }
0xda: {  	_ =	swait.ge [sflag:s23], $0x10000  }
0xdb: {  	[sflag:s23] =	ssyncset.done $0x0  }
0xdc: {  	[sflag:s23] =	ssyncadd.s32 $0xFFFF0000  }
0xdd: {  	p0 =	sne.s32 s8, $0x1;
	_ =	swait.ge [sflag:s23], $0x40  }
.Ltmp0:
0xde: {  	[sflag:s23] =	ssyncset.done $0x0;
	(pc) =	sbr.rel @p0 .LBB2_1-.Ltmp0, $4  }
0xdf: {  	[sflag:s23] =	ssyncadd.s32 $0xFFFFFFC0  }
0xe0: {  	_ =	swait.ge [sflag:s23], $0x40  }
0xe1: {  	[sflag:s23] =	ssyncset.done $0x0  }
0xe2: {  	s8 =	sadd.s32 $0xFFFFFFFF, s8;
	[sflag:s23] =	ssyncadd.s32 $0xFFFFFFC0  }
0xe3: {  	_ =	sfence.sel $0x180000  }
0xe4: {  	[bflag:$0x0] =	sbarrier.arrive $0xFFFF  }
0xe5: {  	_ =	strace $0x90000047  }
0xe6: {  	s0 =	stileid.u32;
	[bflag:$0x2] =	sbarrier.arrive $0xFFFF  }
0xe7: {  	p0 =	sne.s32 s0, $0x0;
	s0 =	rddreg [dreg:$0x2]  }
0xe8: {  	s0 =	sadd.s32 @!p0 $0x100000, s0  }
0xe9: {  	[sflag:s0] =	ssyncadd.tile.s32 @!p0 $0x1;
	_ =	shalt  }
.Lfunc_end2:
_tile_overlayer_lowered:
.L_overlay_start_2:
0xea: {  	(tag) =	ssettag $0x2  }
0xeb: {  	s0 =	rddreg [dreg:$0x0];
	s2 =	stileid.u32  }
0xec: {  	s1 =	rddreg [dreg:$0x1];
	p0 =	sne.s32 s2, $0x0  }
0xed: {  	s3 =	rddreg [dreg:$0x2];
	[bflag:$0x3] =	sbarrier.arrive $0xFFFF;
	s2 =	simm.s32 @!p0 $0x1C02  }
0xee: {  	[timem:s3], [sflag:s2] =	dma.local @!p0 [hbm:s0], s1  }
0xef: {  	s0 =	simm.s32 @!p0 $0x2  }
0xf0: {  	_ =	swait.ge @!p0 [sflag:s0], s1  }
0xf1: {  	s1 =	ssub.s32 @!p0 $0x0, s1;
	[sflag:s0] =	ssyncset.done @!p0 $0x0  }
0xf2: {  	[sflag:s0] =	ssyncadd.s32 @!p0 s1  }
0xf3: {  	[bflag:$0x3] =	sbarrier.arrive $0xFFFF  }
0xf4: {  	_ =	shalt  }

</sc_bundles>
